<compile_context>
chip_gen: v7x
topology: tpu7x:2x2x1
jax: 0.10.2.dev20260603
libtpu: 0.0.44.dev20260713+nightly
codegen_flags: <defaults>
</compile_context>

<pallas_src>
import functools

import jax
import jax.numpy as jnp
from jax import lax
from jax.experimental import pallas as pl
from jax.experimental.pallas import tpu as pltpu
from jax.experimental.pallas import tpu_sc as plsc

NODE_DIM = 128
OUT_DIM = 128
NUM_HEADS = 8
HEAD_DIM = 16
HID = NUM_HEADS * HEAD_DIM
N_NODES = 100000
NUM_GRAPHS = 1024
BLK = 1024
NBLK = 98
N_PAD = NBLK * BLK

NEG = -3.0e38

PAYC = 400
NTILES = 32
ROWS_PER_TILE = N_PAD // NTILES
CHUNK = 224
NCHUNK = ROWS_PER_TILE // CHUNK
EDGE_BASE = NUM_GRAPHS
TRASH = NUM_GRAPHS + 64
OUTROWS = NUM_GRAPHS + 80
NOMATCH = 4000


def _payload_body(x_ref, idxc_ref,
                  mWs1, mbs1, mWs2, mbs2, mWt1, mbt1, mWt2, mbt2,
                  sWs1, sbs1, sWs2, sbs2, sWt1, sbt1, sWt2, sbt2,
                  pay_ref):
    blk = x_ref.shape[0]
    pid = pl.program_id(0)
    x = x_ref[...]

    rows = pid * blk + lax.broadcasted_iota(jnp.int32, (blk, 1), 0)
    validf = (rows < N_NODES).astype(jnp.float32)

    eh = lax.broadcasted_iota(jnp.int32, (NUM_HEADS, HID), 0)
    ej = lax.broadcasted_iota(jnp.int32, (NUM_HEADS, HID), 1) // HEAD_DIM
    E = (eh == ej).astype(jnp.float32)

    def mlp(W1, b1, W2, b2):
        h = jnp.maximum(
            jnp.dot(x, W1[...], preferred_element_type=jnp.float32) + b1[...], 0.0)
        return jnp.dot(h, W2[...], preferred_element_type=jnp.float32) + b2[...]

    s_m = mlp(mWs1, mbs1, mWs2, mbs2)
    e_m = jnp.exp(s_m) * validf
    v_m = mlp(mWt1, mbt1, mWt2, mbt2)
    wv_m = jnp.dot(e_m, E, preferred_element_type=jnp.float32) * v_m

    s_s = mlp(sWs1, sbs1, sWs2, sbs2)
    w_s = validf / (1.0 + jnp.exp(-s_s))
    v_s = mlp(sWt1, sbt1, sWt2, sbt2)
    wv_s = jnp.dot(w_s, E, preferred_element_type=jnp.float32) * v_s

    xm = jnp.where(validf > 0.0, x, NEG)
    pay_ref[...] = jnp.concatenate(
        [wv_m, wv_s, xm, e_m, jnp.zeros((blk, 8), jnp.float32)], axis=1)


def _tc_payload(x, idxc3, weights):
    (mWs1, mbs1, mWs2, mbs2, mWt1, mbt1, mWt2, mbt2,
     sWs1, sbs1, sWs2, sbs2, sWt1, sbt1, sWt2, sbt2) = weights
    full = lambda shp: pl.BlockSpec(shp, lambda i: tuple(0 for _ in shp))
    in_specs = [
        pl.BlockSpec((BLK, NODE_DIM), lambda i: (i, 0)),
        pl.BlockSpec((1, BLK, 1), lambda i: (i, 0, 0)),
        full((NODE_DIM, HID)), full((1, HID)), full((HID, NUM_HEADS)), full((1, NUM_HEADS)),
        full((NODE_DIM, HID)), full((1, HID)), full((HID, HID)), full((1, HID)),
        full((NODE_DIM, HID)), full((1, HID)), full((HID, NUM_HEADS)), full((1, NUM_HEADS)),
        full((NODE_DIM, HID)), full((1, HID)), full((HID, HID)), full((1, HID)),
    ]
    return pl.pallas_call(
        _payload_body,
        grid=(NBLK,),
        in_specs=in_specs,
        out_specs=pl.BlockSpec((BLK, PAYC), lambda i: (i, 0)),
        out_shape=jax.ShapeDtypeStruct((N_PAD, PAYC), jnp.float32),
        compiler_params=pltpu.CompilerParams(
            dimension_semantics=("arbitrary",),
        ),
    )(x, idxc3,
      mWs1, mbs1, mWs2, mbs2, mWt1, mbt1, mWt2, mbt2,
      sWs1, sbs1, sWs2, sbs2, sWt1, sbt1, sWt2, sbt2)


def _sc_segreduce(pay1d, idxe, ob1, ob2, ob3, ob4):
    mesh = plsc.VectorSubcoreMesh(core_axis_name="c", subcore_axis_name="s")

    @functools.partial(
        pl.kernel,
        out_type=(),
        mesh=mesh,
        scratch_types=[
            pltpu.VMEM((CHUNK * PAYC,), jnp.float32),
            pltpu.VMEM((CHUNK + 16,), jnp.int32),
            pltpu.VMEM((16, 128), jnp.float32),
            pltpu.VMEM((16, 128), jnp.float32),
            pltpu.VMEM((16, 128), jnp.float32),
            pltpu.VMEM((16, 128), jnp.float32),
            pltpu.VMEM((16,), jnp.int32),
        ],
    )
    def k(pay_hbm, idxe_hbm, o1, o2, o3, o4, pbuf, ibuf, f1, f2, f3, f4, sidx):
        c = lax.axis_index("c")
        s = lax.axis_index("s")
        wid = s * 2 + c
        iota16 = lax.iota(jnp.int32, 16)
        zero16 = jnp.zeros((16,), jnp.float32)
        neg16 = jnp.full((16,), NEG, jnp.float32)
        base0 = wid * ROWS_PER_TILE

        def flush(dest, gid, sumv, maxv, ev):
            for j in range(8):
                f1[0, pl.ds(j * 16, 16)] = sumv[j]
                f2[0, pl.ds(j * 16, 16)] = sumv[8 + j]
                f3[0, pl.ds(j * 16, 16)] = maxv[j]
            evg = jnp.where(iota16 == 8, gid.astype(jnp.float32), ev)
            f4[0, pl.ds(0, 16)] = evg
            sidx[...] = jnp.where(iota16 == 0, dest, TRASH)
            pltpu.sync_copy(f1, o1.at[sidx])
            pltpu.sync_copy(f2, o2.at[sidx])
            pltpu.sync_copy(f3, o3.at[sidx])
            pltpu.sync_copy(f4, o4.at[sidx])

        def chunk_body(ci, carry):
            rbase = pl.multiple_of(base0 + ci * CHUNK, 8)
            pltpu.sync_copy(pay_hbm.at[pl.ds(rbase * PAYC, CHUNK * PAYC)], pbuf)
            pltpu.sync_copy(idxe_hbm.at[pl.ds(rbase, CHUNK + 16)], ibuf)

            def row_body(i, carry):
                sumv, maxv, ev, nfl = carry
                off = i * PAYC
                sumv = tuple(sumv[j] + pbuf[pl.ds(off + j * 16, 16)]
                             for j in range(16))
                maxv = tuple(
                    jnp.maximum(maxv[j], pbuf[pl.ds(off + 256 + j * 16, 16)])
                    for j in range(8))
                ev = ev + pbuf[pl.ds(off + 384, 16)]
                iv = ibuf[pl.ds(i, 16)]
                gid = iv[0]
                nxt = iv[1]
                isb = gid != nxt

                def do_flush(a):
                    sv, mv, e1 = a
                    dest = jnp.where(nfl == 0, EDGE_BASE + 2 * wid, gid)
                    flush(dest, gid, sv, mv, e1)
                    return (tuple(zero16 for _ in range(16)),
                            tuple(neg16 for _ in range(8)),
                            zero16)

                sumv, maxv, ev = lax.cond(
                    isb, do_flush, lambda a: a, (sumv, maxv, ev))
                nfl = jnp.where(isb, nfl + 1, nfl)
                return (sumv, maxv, ev, nfl)

            return lax.fori_loop(0, CHUNK, row_body, carry)

        carry0 = (tuple(zero16 for _ in range(16)),
                  tuple(neg16 for _ in range(8)),
                  zero16, jnp.int32(0))
        sumv, maxv, ev, nfl = lax.fori_loop(0, NCHUNK, chunk_body, carry0)
        lastv = ibuf[pl.ds(CHUNK - 1, 16)]
        flush(EDGE_BASE + 2 * wid + 1, lastv[0], sumv, maxv, ev)

    return k(pay1d, idxe, ob1, ob2, ob3, ob4)


def _final_body(m1, m2, m3, m4, e1, e2, e3, e4, egr,
                mWc, sWc, maxWc, combW, out_ref):
    gidrow = egr[...]

    gcol = lax.broadcasted_iota(jnp.int32, (NUM_GRAPHS, 64), 0)
    EOT = (gcol == gidrow.astype(jnp.int32)).astype(jnp.float32)

    wvm = m1[...] + jnp.dot(EOT, e1[...], preferred_element_type=jnp.float32)
    wvs = m2[...] + jnp.dot(EOT, e2[...], preferred_element_type=jnp.float32)
    z16 = m4[...] + jnp.dot(EOT, e4[...], preferred_element_type=jnp.float32)
    z = z16[:, 0:8]

    am = m3[...]
    e3v = e3[...]
    for e in range(64):
        vm = EOT[:, e:e + 1] > 0.5
        val = e3v[e:e + 1, :]
        am = jnp.maximum(am, jnp.where(vm, val, NEG))

    eh = lax.broadcasted_iota(jnp.int32, (NUM_HEADS, HID), 0)
    ej = lax.broadcasted_iota(jnp.int32, (NUM_HEADS, HID), 1) // HEAD_DIM
    E = (eh == ej).astype(jnp.float32)

    zinv = 1.0 / jnp.where(z == 0.0, 1.0, z)
    mean_pre = wvm * jnp.dot(zinv, E, preferred_element_type=jnp.float32)
    maxv = jnp.where(am <= -1.0e38, 0.0, am)
    mean_repr = jnp.dot(mean_pre, mWc[...], preferred_element_type=jnp.float32)
    sum_repr = jnp.dot(wvs, sWc[...], preferred_element_type=jnp.float32)
    max_repr = jnp.dot(maxv, maxWc[...], preferred_element_type=jnp.float32)
    cw = combW[...]
    out_ref[...] = (
        jnp.dot(mean_repr, cw[0:128, :], preferred_element_type=jnp.float32)
        + jnp.dot(sum_repr, cw[128:256, :], preferred_element_type=jnp.float32)
        + jnp.dot(max_repr, cw[256:384, :], preferred_element_type=jnp.float32))


def _tc_final(m1, m2, m3, m4, e1, e2, e3, e4, egr, mWc, sWc, maxWc, combW):
    full = lambda shp: pl.BlockSpec(shp, lambda: tuple(0 for _ in shp))
    return pl.pallas_call(
        _final_body,
        in_specs=[
            full((NUM_GRAPHS, 128)), full((NUM_GRAPHS, 128)),
            full((NUM_GRAPHS, 128)), full((NUM_GRAPHS, 128)),
            full((64, 128)), full((64, 128)), full((64, 128)), full((64, 128)),
            full((1, 64)),
            full((HID, OUT_DIM)), full((HID, OUT_DIM)),
            full((NODE_DIM, OUT_DIM)), full((3 * OUT_DIM, OUT_DIM)),
        ],
        out_specs=full((NUM_GRAPHS, OUT_DIM)),
        out_shape=jax.ShapeDtypeStruct((NUM_GRAPHS, OUT_DIM), jnp.float32),
    )(m1, m2, m3, m4, e1, e2, e3, e4, egr, mWc, sWc, maxWc, combW)


def kernel(node_embeddings, node_to_graph_id, num_graphs,
           mean_Ws1, mean_bs1, mean_Ws2, mean_bs2, mean_Wt1, mean_bt1,
           mean_Wt2, mean_bt2, mean_Wc,
           sum_Ws1, sum_bs1, sum_Ws2, sum_bs2, sum_Wt1, sum_bt1,
           sum_Wt2, sum_bt2, sum_Wc,
           max_Wc, comb_W):
    del num_graphs
    x = jnp.pad(node_embeddings, ((0, N_PAD - N_NODES), (0, 0)))
    idx = jnp.pad(node_to_graph_id.astype(jnp.int32), (0, N_PAD - N_NODES),
                  constant_values=NUM_GRAPHS - 1)
    idxc3 = idx.reshape(NBLK, BLK, 1)
    idxe = jnp.pad(idx, (0, 16), constant_values=2 * NUM_GRAPHS)

    b2 = lambda b: b.reshape(1, -1)
    pay = _tc_payload(
        x, idxc3,
        (mean_Ws1, b2(mean_bs1), mean_Ws2, b2(mean_bs2),
         mean_Wt1, b2(mean_bt1), mean_Wt2, b2(mean_bt2),
         sum_Ws1, b2(sum_bs1), sum_Ws2, b2(sum_bs2),
         sum_Wt1, b2(sum_bt1), sum_Wt2, b2(sum_bt2)))

    zinit = jnp.zeros((OUTROWS, 128), jnp.float32)
    ob1 = jax.new_ref(zinit)
    ob2 = jax.new_ref(zinit)
    ob3 = jax.new_ref(jnp.full((OUTROWS, 128), NEG, jnp.float32))
    init4 = jnp.concatenate([
        jnp.zeros((OUTROWS, 8), jnp.float32),
        jnp.full((OUTROWS, 1), float(NOMATCH), jnp.float32),
        jnp.zeros((OUTROWS, 119), jnp.float32)], axis=1)
    ob4 = jax.new_ref(init4)
    _sc_segreduce(pay.reshape(-1), idxe, ob1, ob2, ob3, ob4)
    r1, r2, r3, r4 = ob1[...], ob2[...], ob3[...], ob4[...]

    eb = EDGE_BASE
    egr = r4[eb:eb + 64, 8:9].reshape(1, 64)
    return _tc_final(
        r1[0:NUM_GRAPHS], r2[0:NUM_GRAPHS], r3[0:NUM_GRAPHS], r4[0:NUM_GRAPHS],
        r1[eb:eb + 64], r2[eb:eb + 64], r3[eb:eb + 64], r4[eb:eb + 64],
        egr, mean_Wc, sum_Wc, max_Wc, comb_W)

# --- scband reference (transcript-rebuilt; emitter-appended) ---
"""Pipeline reference for scband-combined-graph-readout-24910810316918 (READ-ONLY COPY).

The authoritative reference and input builder live on the scoring server;
editing this copy changes nothing except your own understanding.
"""

import jax, jax.numpy as jnp
import numpy as np

NODE_DIM = 128
OUT_DIM = 128
NUM_HEADS = 8
HEAD_DIM = 16
N_NODES = 100000
NUM_GRAPHS = 1024
HID = NUM_HEADS * HEAD_DIM  # 128


def setup_inputs(seed: int = 0) -> dict:
    key = jax.random.key(seed)
    ks = [jax.random.fold_in(key, i) for i in range(32)]
    inp = {}
    inp["node_embeddings"] = jax.random.normal(ks[0], (N_NODES, NODE_DIM), dtype=jnp.float32)
    inp["node_to_graph_id"] = jnp.sort(jax.random.randint(ks[1], (N_NODES,), 0, NUM_GRAPHS))
    inp["num_graphs"] = NUM_GRAPHS
    def lin(k, fan_in, shape):
        return jax.random.uniform(k, shape, dtype=jnp.float32, minval=-1.0, maxval=1.0) / np.sqrt(fan_in)
    i = 2
    for p in ("mean", "sum"):
        inp[p + "_Ws1"] = lin(ks[i], NODE_DIM, (NODE_DIM, HID)); i += 1
        inp[p + "_bs1"] = lin(ks[i], NODE_DIM, (HID,)); i += 1
        inp[p + "_Ws2"] = lin(ks[i], HID, (HID, NUM_HEADS)); i += 1
        inp[p + "_bs2"] = lin(ks[i], HID, (NUM_HEADS,)); i += 1
        inp[p + "_Wt1"] = lin(ks[i], NODE_DIM, (NODE_DIM, HID)); i += 1
        inp[p + "_bt1"] = lin(ks[i], NODE_DIM, (HID,)); i += 1
        inp[p + "_Wt2"] = lin(ks[i], HID, (HID, NUM_HEADS * HEAD_DIM)); i += 1
        inp[p + "_bt2"] = lin(ks[i], HID, (NUM_HEADS * HEAD_DIM,)); i += 1
        inp[p + "_Wc"] = lin(ks[i], NUM_HEADS * HEAD_DIM, (NUM_HEADS * HEAD_DIM, OUT_DIM)); i += 1
    inp["max_Wc"] = lin(ks[i], NODE_DIM, (NODE_DIM, OUT_DIM)); i += 1
    inp["comb_W"] = lin(ks[i], 3 * OUT_DIM, (3 * OUT_DIM, OUT_DIM)); i += 1
    return inp


def _mlp(x, W1, b1, W2, b2):
    return jnp.maximum(x @ W1 + b1, 0.0) @ W2 + b2


def _scatter_softmax(scores, idx, num_segments):
    m = jax.ops.segment_max(scores, idx, num_segments=num_segments)
    m = jnp.where(jnp.isneginf(m), 0.0, m)
    e = jnp.exp(scores - m[idx])
    z = jax.ops.segment_sum(e, idx, num_segments=num_segments)
    return e / z[idx]


def _weighted_pool(x, idx, num_graphs, Ws1, bs1, Ws2, bs2, Wt1, bt1, Wt2, bt2, Wc, use_mean):
    scores = _mlp(x, Ws1, bs1, Ws2, bs2)  # [N, num_heads]
    if use_mean:
        weights = _scatter_softmax(scores, idx, num_graphs)
    else:
        weights = jax.nn.sigmoid(scores)
    values = _mlp(x, Wt1, bt1, Wt2, bt2).reshape(-1, NUM_HEADS, HEAD_DIM)
    wv = (weights[:, :, None] * values).reshape(-1, NUM_HEADS * HEAD_DIM)
    per_graph = jax.ops.segment_sum(wv, idx, num_segments=num_graphs)
    return per_graph @ Wc


def _max_pool(x, idx, num_graphs, Wc):
    pg = jax.ops.segment_max(x, idx, num_segments=num_graphs)
    pg = jnp.where(jnp.isneginf(pg), 0.0, pg)
    return pg @ Wc


def reference(node_embeddings, node_to_graph_id, num_graphs,
              mean_Ws1, mean_bs1, mean_Ws2, mean_bs2, mean_Wt1, mean_bt1, mean_Wt2, mean_bt2, mean_Wc,
              sum_Ws1, sum_bs1, sum_Ws2, sum_bs2, sum_Wt1, sum_bt1, sum_Wt2, sum_bt2, sum_Wc,
              max_Wc, comb_W):
    mean_repr = _weighted_pool(node_embeddings, node_to_graph_id, NUM_GRAPHS,
                               mean_Ws1, mean_bs1, mean_Ws2, mean_bs2,
                               mean_Wt1, mean_bt1, mean_Wt2, mean_bt2, mean_Wc, True)
    sum_repr = _weighted_pool(node_embeddings, node_to_graph_id, NUM_GRAPHS,
                              sum_Ws1, sum_bs1, sum_Ws2, sum_bs2,
                              sum_Wt1, sum_bt1, sum_Wt2, sum_bt2, sum_Wc, False)
    max_repr = _max_pool(node_embeddings, node_to_graph_id, NUM_GRAPHS, max_Wc)
    combined = jnp.concatenate([mean_repr, sum_repr, max_repr], axis=-1)
    out = combined @ comb_W
    ng = jnp.asarray(num_graphs)
    one = (ng - ng + 1).astype(out.dtype)
    return out * one

if __name__ == "__main__":
    import jax
    _d = setup_inputs()
    print(jax.jit(kernel)(*tuple(_d.values())))

</pallas_src>

<mosaic_0001>
#map = affine_map<(d0, d1) -> (0)>
#map1 = affine_map<(d0, d1) -> (0, 0)>
module attributes {stable_mosaic.version = 14 : i64} {
  func.func @new_body(%arg0: i32, %arg1: i32, %arg2: memref<40140800xf32, #tpu.memory_space<hbm>>, %arg3: memref<100368xi32, #tpu.memory_space<hbm>>, %arg4: memref<1104x128xf32, #tpu.memory_space<hbm>>, %arg5: memref<1104x128xf32, #tpu.memory_space<hbm>>, %arg6: memref<1104x128xf32, #tpu.memory_space<hbm>>, %arg7: memref<1104x128xf32, #tpu.memory_space<hbm>>, %arg8: memref<1104x128xf32, #tpu.memory_space<hbm>>, %arg9: memref<1104x128xf32, #tpu.memory_space<hbm>>, %arg10: memref<1104x128xf32, #tpu.memory_space<hbm>>, %arg11: memref<1104x128xf32, #tpu.memory_space<hbm>>, %arg12: memref<89600xf32, #tpu.memory_space<vmem>>, %arg13: memref<240xi32, #tpu.memory_space<vmem>>, %arg14: memref<16x128xf32, #tpu.memory_space<vmem>>, %arg15: memref<16x128xf32, #tpu.memory_space<vmem>>, %arg16: memref<16x128xf32, #tpu.memory_space<vmem>>, %arg17: memref<16x128xf32, #tpu.memory_space<vmem>>, %arg18: memref<16xi32, #tpu.memory_space<vmem>>) attributes {dimension_semantics = [#tpu.dimension_semantics<core_parallel>, #tpu.dimension_semantics<subcore_parallel>], iteration_bounds = array<i64: 2, 16>, scalar_prefetch = 0 : i64, scratch_operands = 7 : i64, tpu.core_type = #tpu.core_type<sc_vector_subcore>, window_params = [{transform_indices = #map}, {transform_indices = #map}, {transform_indices = #map1}, {transform_indices = #map1}, {transform_indices = #map1}, {transform_indices = #map1}, {transform_indices = #map1}, {transform_indices = #map1}, {transform_indices = #map1}, {transform_indices = #map1}]} {
    %mul3A = arith.constant 2 : i32
    %mul3A_0 = arith.muli %arg1, %mul3A : i32
    %add3A = arith.addi %mul3A_0, %arg0 : i32
    %iota3A = tpu.iota {dimensions = array<i32: 0>} : vector<16xi32>
    %broadcast_in_dim3A = arith.constant 0.000000e+00 : f32
    %broadcast_in_dim3A_1 = vector.broadcast %broadcast_in_dim3A : f32 to vector<16xf32>
    %broadcast_in_dim3A_2 = arith.constant -3.000000e+38 : f32
    %broadcast_in_dim3A_3 = vector.broadcast %broadcast_in_dim3A_2 : f32 to vector<16xf32>
    %mul3A_4 = arith.constant 3136 : i32
    %mul3A_5 = arith.muli %add3A, %mul3A_4 : i32
    %scan3A = arith.constant 0 : i32
    %scan3A_6 = arith.constant 0 : i32
    %scan3A_7 = arith.constant 14 : i32
    %scan3A_8 = arith.addi %scan3A_6, %scan3A_7 : i32
    %scan3A_9 = arith.constant 1 : i32
    %scan3A_10:26 = scf.for %scan3A_182 = %scan3A_6 to %scan3A_8 step %scan3A_9 iter_args(%scan3A_183 = %broadcast_in_dim3A_1, %scan3A_184 = %broadcast_in_dim3A_1, %scan3A_185 = %broadcast_in_dim3A_1, %scan3A_186 = %broadcast_in_dim3A_1, %scan3A_187 = %broadcast_in_dim3A_1, %scan3A_188 = %broadcast_in_dim3A_1, %scan3A_189 = %broadcast_in_dim3A_1, %scan3A_190 = %broadcast_in_dim3A_1, %scan3A_191 = %broadcast_in_dim3A_1, %scan3A_192 = %broadcast_in_dim3A_1, %scan3A_193 = %broadcast_in_dim3A_1, %scan3A_194 = %broadcast_in_dim3A_1, %scan3A_195 = %broadcast_in_dim3A_1, %scan3A_196 = %broadcast_in_dim3A_1, %scan3A_197 = %broadcast_in_dim3A_1, %scan3A_198 = %broadcast_in_dim3A_1, %scan3A_199 = %broadcast_in_dim3A_3, %scan3A_200 = %broadcast_in_dim3A_3, %scan3A_201 = %broadcast_in_dim3A_3, %scan3A_202 = %broadcast_in_dim3A_3, %scan3A_203 = %broadcast_in_dim3A_3, %scan3A_204 = %broadcast_in_dim3A_3, %scan3A_205 = %broadcast_in_dim3A_3, %scan3A_206 = %broadcast_in_dim3A_3, %scan3A_207 = %broadcast_in_dim3A_1, %scan3A_208 = %scan3A) -> (vector<16xf32>, vector<16xf32>, vector<16xf32>, vector<16xf32>, vector<16xf32>, vector<16xf32>, vector<16xf32>, vector<16xf32>, vector<16xf32>, vector<16xf32>, vector<16xf32>, vector<16xf32>, vector<16xf32>, vector<16xf32>, vector<16xf32>, vector<16xf32>, vector<16xf32>, vector<16xf32>, vector<16xf32>, vector<16xf32>, vector<16xf32>, vector<16xf32>, vector<16xf32>, vector<16xf32>, vector<16xf32>, i32)  : i32 {
      %mul3A_209 = arith.constant 224 : i32
      %mul3A_210 = arith.muli %scan3A_182, %mul3A_209 : i32
      %add3A_211 = arith.addi %mul3A_5, %mul3A_210 : i32
      %multiple_of3A = tpu.assume_multiple %add3A_211, 8 : i32
      %mul3A_212 = arith.constant 400 : i32
      %mul3A_213 = arith.muli %multiple_of3A, %mul3A_212 : i32
      "tpu.region"() ({
        %run_scoped3A = tpu.sem_alloc : memref<!tpu.dma_semaphore, #tpu.memory_space<semaphore_mem>>
        %dma_start3A = tpu.memref_slice %arg2[%mul3A_213] : memref<40140800xf32, #tpu.memory_space<hbm>> -> memref<89600xf32, #tpu.memory_space<hbm>>
        %dma_start3A_220 = tpu.memref_slice %arg2[%mul3A_213] : memref<40140800xf32, #tpu.memory_space<hbm>> -> memref<89600xf32, #tpu.memory_space<hbm>>
        tpu.enqueue_dma source(%dma_start3A_220 : memref<89600xf32, #tpu.memory_space<hbm>>) target(%arg12 : memref<89600xf32, #tpu.memory_space<vmem>>) target_semaphore(%run_scoped3A : memref<!tpu.dma_semaphore, #tpu.memory_space<semaphore_mem>>)
        %dma_wait3A = tpu.memref_slice %arg2[%mul3A_213] : memref<40140800xf32, #tpu.memory_space<hbm>> -> memref<89600xf32, #tpu.memory_space<hbm>>
        %dma_wait3A_221 = tpu.memref_slice %arg2[%mul3A_213] : memref<40140800xf32, #tpu.memory_space<hbm>> -> memref<89600xf32, #tpu.memory_space<hbm>>
        tpu.wait_dma2 semaphore(%run_scoped3A : memref<!tpu.dma_semaphore, #tpu.memory_space<semaphore_mem>>) src(%dma_wait3A_221 : memref<89600xf32, #tpu.memory_space<hbm>>) dst(%arg12 : memref<89600xf32, #tpu.memory_space<vmem>>)
        tpu.yield
      }) : () -> ()
      "tpu.region"() ({
        %run_scoped3A = tpu.sem_alloc : memref<!tpu.dma_semaphore, #tpu.memory_space<semaphore_mem>>
        %dma_start3A = tpu.memref_slice %arg3[%multiple_of3A] : memref<100368xi32, #tpu.memory_space<hbm>> -> memref<240xi32, #tpu.memory_space<hbm>>
        %dma_start3A_220 = tpu.memref_slice %arg3[%multiple_of3A] : memref<100368xi32, #tpu.memory_space<hbm>> -> memref<240xi32, #tpu.memory_space<hbm>>
        tpu.enqueue_dma source(%dma_start3A_220 : memref<240xi32, #tpu.memory_space<hbm>>) target(%arg13 : memref<240xi32, #tpu.memory_space<vmem>>) target_semaphore(%run_scoped3A : memref<!tpu.dma_semaphore, #tpu.memory_space<semaphore_mem>>)
        %dma_wait3A = tpu.memref_slice %arg3[%multiple_of3A] : memref<100368xi32, #tpu.memory_space<hbm>> -> memref<240xi32, #tpu.memory_space<hbm>>
        %dma_wait3A_221 = tpu.memref_slice %arg3[%multiple_of3A] : memref<100368xi32, #tpu.memory_space<hbm>> -> memref<240xi32, #tpu.memory_space<hbm>>
        tpu.wait_dma2 semaphore(%run_scoped3A : memref<!tpu.dma_semaphore, #tpu.memory_space<semaphore_mem>>) src(%dma_wait3A_221 : memref<240xi32, #tpu.memory_space<hbm>>) dst(%arg13 : memref<240xi32, #tpu.memory_space<vmem>>)
        tpu.yield
      }) : () -> ()
      %scan3A_214 = arith.constant 0 : i32
      %scan3A_215 = arith.constant 224 : i32
      %scan3A_216 = arith.addi %scan3A_214, %scan3A_215 : i32
      %scan3A_217 = arith.constant 1 : i32
      %scan3A_218:26 = scf.for %scan3A_220 = %scan3A_214 to %scan3A_216 step %scan3A_217 iter_args(%scan3A_221 = %scan3A_183, %scan3A_222 = %scan3A_184, %scan3A_223 = %scan3A_185, %scan3A_224 = %scan3A_186, %scan3A_225 = %scan3A_187, %scan3A_226 = %scan3A_188, %scan3A_227 = %scan3A_189, %scan3A_228 = %scan3A_190, %scan3A_229 = %scan3A_191, %scan3A_230 = %scan3A_192, %scan3A_231 = %scan3A_193, %scan3A_232 = %scan3A_194, %scan3A_233 = %scan3A_195, %scan3A_234 = %scan3A_196, %scan3A_235 = %scan3A_197, %scan3A_236 = %scan3A_198, %scan3A_237 = %scan3A_199, %scan3A_238 = %scan3A_200, %scan3A_239 = %scan3A_201, %scan3A_240 = %scan3A_202, %scan3A_241 = %scan3A_203, %scan3A_242 = %scan3A_204, %scan3A_243 = %scan3A_205, %scan3A_244 = %scan3A_206, %scan3A_245 = %scan3A_207, %scan3A_246 = %scan3A_208) -> (vector<16xf32>, vector<16xf32>, vector<16xf32>, vector<16xf32>, vector<16xf32>, vector<16xf32>, vector<16xf32>, vector<16xf32>, vector<16xf32>, vector<16xf32>, vector<16xf32>, vector<16xf32>, vector<16xf32>, vector<16xf32>, vector<16xf32>, vector<16xf32>, vector<16xf32>, vector<16xf32>, vector<16xf32>, vector<16xf32>, vector<16xf32>, vector<16xf32>, vector<16xf32>, vector<16xf32>, vector<16xf32>, i32)  : i32 {
        %mul3A_247 = arith.constant 400 : i32
        %mul3A_248 = arith.muli %scan3A_220, %mul3A_247 : i32
        %add3A_249 = arith.constant 0 : i32
        %add3A_250 = arith.addi %mul3A_248, %add3A_249 : i32
        %get3A_251 = arith.index_cast %add3A_250 : i32 to index
        %get3A_252 = tpu.vector_load %arg12[%get3A_251] {strides = array<i32>} : memref<89600xf32, #tpu.memory_space<vmem>>, vector<16xf32>,
        %get3A_253 = vector.shape_cast %get3A_252 : vector<16xf32> to vector<16xf32>
        %add3A_254 = arith.addf %scan3A_221, %get3A_253 : vector<16xf32>
        %add3A_255 = arith.constant 16 : i32
        %add3A_256 = arith.addi %mul3A_248, %add3A_255 : i32
        %get3A_257 = arith.index_cast %add3A_256 : i32 to index
        %get3A_258 = tpu.vector_load %arg12[%get3A_257] {strides = array<i32>} : memref<89600xf32, #tpu.memory_space<vmem>>, vector<16xf32>,
        %get3A_259 = vector.shape_cast %get3A_258 : vector<16xf32> to vector<16xf32>
        %add3A_260 = arith.addf %scan3A_222, %get3A_259 : vector<16xf32>
        %add3A_261 = arith.constant 32 : i32
        %add3A_262 = arith.addi %mul3A_248, %add3A_261 : i32
        %get3A_263 = arith.index_cast %add3A_262 : i32 to index
        %get3A_264 = tpu.vector_load %arg12[%get3A_263] {strides = array<i32>} : memref<89600xf32, #tpu.memory_space<vmem>>, vector<16xf32>,
        %get3A_265 = vector.shape_cast %get3A_264 : vector<16xf32> to vector<16xf32>
        %add3A_266 = arith.addf %scan3A_223, %get3A_265 : vector<16xf32>
        %add3A_267 = arith.constant 48 : i32
        %add3A_268 = arith.addi %mul3A_248, %add3A_267 : i32
        %get3A_269 = arith.index_cast %add3A_268 : i32 to index
        %get3A_270 = tpu.vector_load %arg12[%get3A_269] {strides = array<i32>} : memref<89600xf32, #tpu.memory_space<vmem>>, vector<16xf32>,
        %get3A_271 = vector.shape_cast %get3A_270 : vector<16xf32> to vector<16xf32>
        %add3A_272 = arith.addf %scan3A_224, %get3A_271 : vector<16xf32>
        %add3A_273 = arith.constant 64 : i32
        %add3A_274 = arith.addi %mul3A_248, %add3A_273 : i32
        %get3A_275 = arith.index_cast %add3A_274 : i32 to index
        %get3A_276 = tpu.vector_load %arg12[%get3A_275] {strides = array<i32>} : memref<89600xf32, #tpu.memory_space<vmem>>, vector<16xf32>,
        %get3A_277 = vector.shape_cast %get3A_276 : vector<16xf32> to vector<16xf32>
        %add3A_278 = arith.addf %scan3A_225, %get3A_277 : vector<16xf32>
        %add3A_279 = arith.constant 80 : i32
        %add3A_280 = arith.addi %mul3A_248, %add3A_279 : i32
        %get3A_281 = arith.index_cast %add3A_280 : i32 to index
        %get3A_282 = tpu.vector_load %arg12[%get3A_281] {strides = array<i32>} : memref<89600xf32, #tpu.memory_space<vmem>>, vector<16xf32>,
        %get3A_283 = vector.shape_cast %get3A_282 : vector<16xf32> to vector<16xf32>
        %add3A_284 = arith.addf %scan3A_226, %get3A_283 : vector<16xf32>
        %add3A_285 = arith.constant 96 : i32
        %add3A_286 = arith.addi %mul3A_248, %add3A_285 : i32
        %get3A_287 = arith.index_cast %add3A_286 : i32 to index
        %get3A_288 = tpu.vector_load %arg12[%get3A_287] {strides = array<i32>} : memref<89600xf32, #tpu.memory_space<vmem>>, vector<16xf32>,
        %get3A_289 = vector.shape_cast %get3A_288 : vector<16xf32> to vector<16xf32>
        %add3A_290 = arith.addf %scan3A_227, %get3A_289 : vector<16xf32>
        %add3A_291 = arith.constant 112 : i32
        %add3A_292 = arith.addi %mul3A_248, %add3A_291 : i32
        %get3A_293 = arith.index_cast %add3A_292 : i32 to index
        %get3A_294 = tpu.vector_load %arg12[%get3A_293] {strides = array<i32>} : memref<89600xf32, #tpu.memory_space<vmem>>, vector<16xf32>,
        %get3A_295 = vector.shape_cast %get3A_294 : vector<16xf32> to vector<16xf32>
        %add3A_296 = arith.addf %scan3A_228, %get3A_295 : vector<16xf32>
        %add3A_297 = arith.constant 128 : i32
        %add3A_298 = arith.addi %mul3A_248, %add3A_297 : i32
        %get3A_299 = arith.index_cast %add3A_298 : i32 to index
        %get3A_300 = tpu.vector_load %arg12[%get3A_299] {strides = array<i32>} : memref<89600xf32, #tpu.memory_space<vmem>>, vector<16xf32>,
        %get3A_301 = vector.shape_cast %get3A_300 : vector<16xf32> to vector<16xf32>
        %add3A_302 = arith.addf %scan3A_229, %get3A_301 : vector<16xf32>
        %add3A_303 = arith.constant 144 : i32
        %add3A_304 = arith.addi %mul3A_248, %add3A_303 : i32
        %get3A_305 = arith.index_cast %add3A_304 : i32 to index
        %get3A_306 = tpu.vector_load %arg12[%get3A_305] {strides = array<i32>} : memref<89600xf32, #tpu.memory_space<vmem>>, vector<16xf32>,
        %get3A_307 = vector.shape_cast %get3A_306 : vector<16xf32> to vector<16xf32>
        %add3A_308 = arith.addf %scan3A_230, %get3A_307 : vector<16xf32>
        %add3A_309 = arith.constant 160 : i32
        %add3A_310 = arith.addi %mul3A_248, %add3A_309 : i32
        %get3A_311 = arith.index_cast %add3A_310 : i32 to index
        %get3A_312 = tpu.vector_load %arg12[%get3A_311] {strides = array<i32>} : memref<89600xf32, #tpu.memory_space<vmem>>, vector<16xf32>,
        %get3A_313 = vector.shape_cast %get3A_312 : vector<16xf32> to vector<16xf32>
        %add3A_314 = arith.addf %scan3A_231, %get3A_313 : vector<16xf32>
        %add3A_315 = arith.constant 176 : i32
        %add3A_316 = arith.addi %mul3A_248, %add3A_315 : i32
        %get3A_317 = arith.index_cast %add3A_316 : i32 to index
        %get3A_318 = tpu.vector_load %arg12[%get3A_317] {strides = array<i32>} : memref<89600xf32, #tpu.memory_space<vmem>>, vector<16xf32>,
        %get3A_319 = vector.shape_cast %get3A_318 : vector<16xf32> to vector<16xf32>
        %add3A_320 = arith.addf %scan3A_232, %get3A_319 : vector<16xf32>
        %add3A_321 = arith.constant 192 : i32
        %add3A_322 = arith.addi %mul3A_248, %add3A_321 : i32
        %get3A_323 = arith.index_cast %add3A_322 : i32 to index
        %get3A_324 = tpu.vector_load %arg12[%get3A_323] {strides = array<i32>} : memref<89600xf32, #tpu.memory_space<vmem>>, vector<16xf32>,
        %get3A_325 = vector.shape_cast %get3A_324 : vector<16xf32> to vector<16xf32>
        %add3A_326 = arith.addf %scan3A_233, %get3A_325 : vector<16xf32>
        %add3A_327 = arith.constant 208 : i32
        %add3A_328 = arith.addi %mul3A_248, %add3A_327 : i32
        %get3A_329 = arith.index_cast %add3A_328 : i32 to index
        %get3A_330 = tpu.vector_load %arg12[%get3A_329] {strides = array<i32>} : memref<89600xf32, #tpu.memory_space<vmem>>, vector<16xf32>,
        %get3A_331 = vector.shape_cast %get3A_330 : vector<16xf32> to vector<16xf32>
        %add3A_332 = arith.addf %scan3A_234, %get3A_331 : vector<16xf32>
        %add3A_333 = arith.constant 224 : i32
        %add3A_334 = arith.addi %mul3A_248, %add3A_333 : i32
        %get3A_335 = arith.index_cast %add3A_334 : i32 to index
        %get3A_336 = tpu.vector_load %arg12[%get3A_335] {strides = array<i32>} : memref<89600xf32, #tpu.memory_space<vmem>>, vector<16xf32>,
        %get3A_337 = vector.shape_cast %get3A_336 : vector<16xf32> to vector<16xf32>
        %add3A_338 = arith.addf %scan3A_235, %get3A_337 : vector<16xf32>
        %add3A_339 = arith.constant 240 : i32
        %add3A_340 = arith.addi %mul3A_248, %add3A_339 : i32
        %get3A_341 = arith.index_cast %add3A_340 : i32 to index
        %get3A_342 = tpu.vector_load %arg12[%get3A_341] {strides = array<i32>} : memref<89600xf32, #tpu.memory_space<vmem>>, vector<16xf32>,
        %get3A_343 = vector.shape_cast %get3A_342 : vector<16xf32> to vector<16xf32>
        %add3A_344 = arith.addf %scan3A_236, %get3A_343 : vector<16xf32>
        %add3A_345 = arith.constant 256 : i32
        %add3A_346 = arith.addi %mul3A_248, %add3A_345 : i32
        %add3A_347 = arith.constant 0 : i32
        %add3A_348 = arith.addi %add3A_346, %add3A_347 : i32
        %get3A_349 = arith.index_cast %add3A_348 : i32 to index
        %get3A_350 = tpu.vector_load %arg12[%get3A_349] {strides = array<i32>} : memref<89600xf32, #tpu.memory_space<vmem>>, vector<16xf32>,
        %get3A_351 = vector.shape_cast %get3A_350 : vector<16xf32> to vector<16xf32>
        %max3A = arith.maximumf %scan3A_237, %get3A_351 : vector<16xf32>
        %add3A_352 = arith.constant 256 : i32
        %add3A_353 = arith.addi %mul3A_248, %add3A_352 : i32
        %add3A_354 = arith.constant 16 : i32
        %add3A_355 = arith.addi %add3A_353, %add3A_354 : i32
        %get3A_356 = arith.index_cast %add3A_355 : i32 to index
        %get3A_357 = tpu.vector_load %arg12[%get3A_356] {strides = array<i32>} : memref<89600xf32, #tpu.memory_space<vmem>>, vector<16xf32>,
        %get3A_358 = vector.shape_cast %get3A_357 : vector<16xf32> to vector<16xf32>
        %max3A_359 = arith.maximumf %scan3A_238, %get3A_358 : vector<16xf32>
        %add3A_360 = arith.constant 256 : i32
        %add3A_361 = arith.addi %mul3A_248, %add3A_360 : i32
        %add3A_362 = arith.constant 32 : i32
        %add3A_363 = arith.addi %add3A_361, %add3A_362 : i32
        %get3A_364 = arith.index_cast %add3A_363 : i32 to index
        %get3A_365 = tpu.vector_load %arg12[%get3A_364] {strides = array<i32>} : memref<89600xf32, #tpu.memory_space<vmem>>, vector<16xf32>,
        %get3A_366 = vector.shape_cast %get3A_365 : vector<16xf32> to vector<16xf32>
        %max3A_367 = arith.maximumf %scan3A_239, %get3A_366 : vector<16xf32>
        %add3A_368 = arith.constant 256 : i32
        %add3A_369 = arith.addi %mul3A_248, %add3A_368 : i32
        %add3A_370 = arith.constant 48 : i32
        %add3A_371 = arith.addi %add3A_369, %add3A_370 : i32
        %get3A_372 = arith.index_cast %add3A_371 : i32 to index
        %get3A_373 = tpu.vector_load %arg12[%get3A_372] {strides = array<i32>} : memref<89600xf32, #tpu.memory_space<vmem>>, vector<16xf32>,
        %get3A_374 = vector.shape_cast %get3A_373 : vector<16xf32> to vector<16xf32>
        %max3A_375 = arith.maximumf %scan3A_240, %get3A_374 : vector<16xf32>
        %add3A_376 = arith.constant 256 : i32
        %add3A_377 = arith.addi %mul3A_248, %add3A_376 : i32
        %add3A_378 = arith.constant 64 : i32
        %add3A_379 = arith.addi %add3A_377, %add3A_378 : i32
        %get3A_380 = arith.index_cast %add3A_379 : i32 to index
        %get3A_381 = tpu.vector_load %arg12[%get3A_380] {strides = array<i32>} : memref<89600xf32, #tpu.memory_space<vmem>>, vector<16xf32>,
        %get3A_382 = vector.shape_cast %get3A_381 : vector<16xf32> to vector<16xf32>
        %max3A_383 = arith.maximumf %scan3A_241, %get3A_382 : vector<16xf32>
        %add3A_384 = arith.constant 256 : i32
        %add3A_385 = arith.addi %mul3A_248, %add3A_384 : i32
        %add3A_386 = arith.constant 80 : i32
        %add3A_387 = arith.addi %add3A_385, %add3A_386 : i32
        %get3A_388 = arith.index_cast %add3A_387 : i32 to index
        %get3A_389 = tpu.vector_load %arg12[%get3A_388] {strides = array<i32>} : memref<89600xf32, #tpu.memory_space<vmem>>, vector<16xf32>,
        %get3A_390 = vector.shape_cast %get3A_389 : vector<16xf32> to vector<16xf32>
        %max3A_391 = arith.maximumf %scan3A_242, %get3A_390 : vector<16xf32>
        %add3A_392 = arith.constant 256 : i32
        %add3A_393 = arith.addi %mul3A_248, %add3A_392 : i32
        %add3A_394 = arith.constant 96 : i32
        %add3A_395 = arith.addi %add3A_393, %add3A_394 : i32
        %get3A_396 = arith.index_cast %add3A_395 : i32 to index
        %get3A_397 = tpu.vector_load %arg12[%get3A_396] {strides = array<i32>} : memref<89600xf32, #tpu.memory_space<vmem>>, vector<16xf32>,
        %get3A_398 = vector.shape_cast %get3A_397 : vector<16xf32> to vector<16xf32>
        %max3A_399 = arith.maximumf %scan3A_243, %get3A_398 : vector<16xf32>
        %add3A_400 = arith.constant 256 : i32
        %add3A_401 = arith.addi %mul3A_248, %add3A_400 : i32
        %add3A_402 = arith.constant 112 : i32
        %add3A_403 = arith.addi %add3A_401, %add3A_402 : i32
        %get3A_404 = arith.index_cast %add3A_403 : i32 to index
        %get3A_405 = tpu.vector_load %arg12[%get3A_404] {strides = array<i32>} : memref<89600xf32, #tpu.memory_space<vmem>>, vector<16xf32>,
        %get3A_406 = vector.shape_cast %get3A_405 : vector<16xf32> to vector<16xf32>
        %max3A_407 = arith.maximumf %scan3A_244, %get3A_406 : vector<16xf32>
        %add3A_408 = arith.constant 384 : i32
        %add3A_409 = arith.addi %mul3A_248, %add3A_408 : i32
        %get3A_410 = arith.index_cast %add3A_409 : i32 to index
        %get3A_411 = tpu.vector_load %arg12[%get3A_410] {strides = array<i32>} : memref<89600xf32, #tpu.memory_space<vmem>>, vector<16xf32>,
        %get3A_412 = vector.shape_cast %get3A_411 : vector<16xf32> to vector<16xf32>
        %add3A_413 = arith.addf %scan3A_245, %get3A_412 : vector<16xf32>
        %get3A_414 = arith.index_cast %scan3A_220 : i32 to index
        %get3A_415 = tpu.vector_load %arg13[%get3A_414] {strides = array<i32>} : memref<240xi32, #tpu.memory_space<vmem>>, vector<16xi32>,
        %get3A_416 = vector.shape_cast %get3A_415 : vector<16xi32> to vector<16xi32>
        %slice3A_417 = vector.extract_strided_slice %get3A_416 {offsets = [0], sizes = [1], strides = [1]} : vector<16xi32> to vector<1xi32>
        %squeeze3A_418 = vector.extract %slice3A_417[0] : i32 from vector<1xi32>
        %slice3A_419 = vector.extract_strided_slice %get3A_416 {offsets = [1], sizes = [1], strides = [1]} : vector<16xi32> to vector<1xi32>
        %squeeze3A_420 = vector.extract %slice3A_419[0] : i32 from vector<1xi32>
        %ne3A = arith.cmpi ne, %squeeze3A_418, %squeeze3A_420 : i32
        %convert_element_type3A_421 = arith.extui %ne3A : i1 to i32
        %cond3A = arith.constant 0 : i32
        %cond3A_422 = arith.cmpi ne, %convert_element_type3A_421, %cond3A : i32
        %cond3A_423:25 = scf.if %cond3A_422 -> (vector<16xf32>, vector<16xf32>, vector<16xf32>, vector<16xf32>, vector<16xf32>, vector<16xf32>, vector<16xf32>, vector<16xf32>, vector<16xf32>, vector<16xf32>, vector<16xf32>, vector<16xf32>, vector<16xf32>, vector<16xf32>, vector<16xf32>, vector<16xf32>, vector<16xf32>, vector<16xf32>, vector<16xf32>, vector<16xf32>, vector<16xf32>, vector<16xf32>, vector<16xf32>, vector<16xf32>, vector<16xf32>) {
          %eq3A_427 = arith.constant 0 : i32
          %eq3A_428 = arith.cmpi eq, %scan3A_246, %eq3A_427 : i32
          %mul3A_429 = arith.constant 2 : i32
          %mul3A_430 = arith.muli %mul3A_429, %add3A : i32
          %add3A_431 = arith.constant 1024 : i32
          %add3A_432 = arith.addi %add3A_431, %mul3A_430 : i32
          %select_n3A_433 = arith.select %eq3A_428, %add3A_432, %squeeze3A_418 : i32
          %swap3A_434 = arith.constant 0 : i32
          %swap3A_435 = arith.index_cast %swap3A_434 : i32 to index
          %swap3A_436 = arith.constant 0 : index
          %swap3A_437 = tpu.vector_load %arg14[%swap3A_435, %swap3A_436] {strides = array<i32>} : memref<16x128xf32, #tpu.memory_space<vmem>>, vector<1x16xf32>,
          %swap3A_438 = vector.shape_cast %swap3A_437 : vector<1x16xf32> to vector<16xf32>
          %swap3A_439 = vector.shape_cast %add3A_254 : vector<16xf32> to vector<1x16xf32>
          tpu.vector_store %arg14[%swap3A_435, %swap3A_436], %swap3A_439 {strides = array<i32>} : memref<16x128xf32, #tpu.memory_space<vmem>>, vector<1x16xf32>,
          %swap3A_440 = arith.constant 0 : i32
          %swap3A_441 = arith.index_cast %swap3A_440 : i32 to index
          %swap3A_442 = arith.constant 0 : index
          %swap3A_443 = tpu.vector_load %arg15[%swap3A_441, %swap3A_442] {strides = array<i32>} : memref<16x128xf32, #tpu.memory_space<vmem>>, vector<1x16xf32>,
          %swap3A_444 = vector.shape_cast %swap3A_443 : vector<1x16xf32> to vector<16xf32>
          %swap3A_445 = vector.shape_cast %add3A_302 : vector<16xf32> to vector<1x16xf32>
          tpu.vector_store %arg15[%swap3A_441, %swap3A_442], %swap3A_445 {strides = array<i32>} : memref<16x128xf32, #tpu.memory_space<vmem>>, vector<1x16xf32>,
          %swap3A_446 = arith.constant 0 : i32
          %swap3A_447 = arith.index_cast %swap3A_446 : i32 to index
          %swap3A_448 = arith.constant 0 : index
          %swap3A_449 = tpu.vector_load %arg16[%swap3A_447, %swap3A_448] {strides = array<i32>} : memref<16x128xf32, #tpu.memory_space<vmem>>, vector<1x16xf32>,
          %swap3A_450 = vector.shape_cast %swap3A_449 : vector<1x16xf32> to vector<16xf32>
          %swap3A_451 = vector.shape_cast %max3A : vector<16xf32> to vector<1x16xf32>
          tpu.vector_store %arg16[%swap3A_447, %swap3A_448], %swap3A_451 {strides = array<i32>} : memref<16x128xf32, #tpu.memory_space<vmem>>, vector<1x16xf32>,
          %swap3A_452 = arith.constant 0 : i32
          %swap3A_453 = arith.index_cast %swap3A_452 : i32 to index
          %swap3A_454 = arith.constant 16 : index
          %swap3A_455 = tpu.vector_load %arg14[%swap3A_453, %swap3A_454] {strides = array<i32>} : memref<16x128xf32, #tpu.memory_space<vmem>>, vector<1x16xf32>,
          %swap3A_456 = vector.shape_cast %swap3A_455 : vector<1x16xf32> to vector<16xf32>
          %swap3A_457 = vector.shape_cast %add3A_260 : vector<16xf32> to vector<1x16xf32>
          tpu.vector_store %arg14[%swap3A_453, %swap3A_454], %swap3A_457 {strides = array<i32>} : memref<16x128xf32, #tpu.memory_space<vmem>>, vector<1x16xf32>,
          %swap3A_458 = arith.constant 0 : i32
          %swap3A_459 = arith.index_cast %swap3A_458 : i32 to index
          %swap3A_460 = arith.constant 16 : index
          %swap3A_461 = tpu.vector_load %arg15[%swap3A_459, %swap3A_460] {strides = array<i32>} : memref<16x128xf32, #tpu.memory_space<vmem>>, vector<1x16xf32>,
          %swap3A_462 = vector.shape_cast %swap3A_461 : vector<1x16xf32> to vector<16xf32>
          %swap3A_463 = vector.shape_cast %add3A_308 : vector<16xf32> to vector<1x16xf32>
          tpu.vector_store %arg15[%swap3A_459, %swap3A_460], %swap3A_463 {strides = array<i32>} : memref<16x128xf32, #tpu.memory_space<vmem>>, vector<1x16xf32>,
          %swap3A_464 = arith.constant 0 : i32
          %swap3A_465 = arith.index_cast %swap3A_464 : i32 to index
          %swap3A_466 = arith.constant 16 : index
          %swap3A_467 = tpu.vector_load %arg16[%swap3A_465, %swap3A_466] {strides = array<i32>} : memref<16x128xf32, #tpu.memory_space<vmem>>, vector<1x16xf32>,
          %swap3A_468 = vector.shape_cast %swap3A_467 : vector<1x16xf32> to vector<16xf32>
          %swap3A_469 = vector.shape_cast %max3A_359 : vector<16xf32> to vector<1x16xf32>
          tpu.vector_store %arg16[%swap3A_465, %swap3A_466], %swap3A_469 {strides = array<i32>} : memref<16x128xf32, #tpu.memory_space<vmem>>, vector<1x16xf32>,
          %swap3A_470 = arith.constant 0 : i32
          %swap3A_471 = arith.index_cast %swap3A_470 : i32 to index
          %swap3A_472 = arith.constant 32 : index
          %swap3A_473 = tpu.vector_load %arg14[%swap3A_471, %swap3A_472] {strides = array<i32>} : memref<16x128xf32, #tpu.memory_space<vmem>>, vector<1x16xf32>,
          %swap3A_474 = vector.shape_cast %swap3A_473 : vector<1x16xf32> to vector<16xf32>
          %swap3A_475 = vector.shape_cast %add3A_266 : vector<16xf32> to vector<1x16xf32>
          tpu.vector_store %arg14[%swap3A_471, %swap3A_472], %swap3A_475 {strides = array<i32>} : memref<16x128xf32, #tpu.memory_space<vmem>>, vector<1x16xf32>,
          %swap3A_476 = arith.constant 0 : i32
          %swap3A_477 = arith.index_cast %swap3A_476 : i32 to index
          %swap3A_478 = arith.constant 32 : index
          %swap3A_479 = tpu.vector_load %arg15[%swap3A_477, %swap3A_478] {strides = array<i32>} : memref<16x128xf32, #tpu.memory_space<vmem>>, vector<1x16xf32>,
          %swap3A_480 = vector.shape_cast %swap3A_479 : vector<1x16xf32> to vector<16xf32>
          %swap3A_481 = vector.shape_cast %add3A_314 : vector<16xf32> to vector<1x16xf32>
          tpu.vector_store %arg15[%swap3A_477, %swap3A_478], %swap3A_481 {strides = array<i32>} : memref<16x128xf32, #tpu.memory_space<vmem>>, vector<1x16xf32>,
          %swap3A_482 = arith.constant 0 : i32
          %swap3A_483 = arith.index_cast %swap3A_482 : i32 to index
          %swap3A_484 = arith.constant 32 : index
          %swap3A_485 = tpu.vector_load %arg16[%swap3A_483, %swap3A_484] {strides = array<i32>} : memref<16x128xf32, #tpu.memory_space<vmem>>, vector<1x16xf32>,
          %swap3A_486 = vector.shape_cast %swap3A_485 : vector<1x16xf32> to vector<16xf32>
          %swap3A_487 = vector.shape_cast %max3A_367 : vector<16xf32> to vector<1x16xf32>
          tpu.vector_store %arg16[%swap3A_483, %swap3A_484], %swap3A_487 {strides = array<i32>} : memref<16x128xf32, #tpu.memory_space<vmem>>, vector<1x16xf32>,
          %swap3A_488 = arith.constant 0 : i32
          %swap3A_489 = arith.index_cast %swap3A_488 : i32 to index
          %swap3A_490 = arith.constant 48 : index
          %swap3A_491 = tpu.vector_load %arg14[%swap3A_489, %swap3A_490] {strides = array<i32>} : memref<16x128xf32, #tpu.memory_space<vmem>>, vector<1x16xf32>,
          %swap3A_492 = vector.shape_cast %swap3A_491 : vector<1x16xf32> to vector<16xf32>
          %swap3A_493 = vector.shape_cast %add3A_272 : vector<16xf32> to vector<1x16xf32>
          tpu.vector_store %arg14[%swap3A_489, %swap3A_490], %swap3A_493 {strides = array<i32>} : memref<16x128xf32, #tpu.memory_space<vmem>>, vector<1x16xf32>,
          %swap3A_494 = arith.constant 0 : i32
          %swap3A_495 = arith.index_cast %swap3A_494 : i32 to index
          %swap3A_496 = arith.constant 48 : index
          %swap3A_497 = tpu.vector_load %arg15[%swap3A_495, %swap3A_496] {strides = array<i32>} : memref<16x128xf32, #tpu.memory_space<vmem>>, vector<1x16xf32>,
          %swap3A_498 = vector.shape_cast %swap3A_497 : vector<1x16xf32> to vector<16xf32>
          %swap3A_499 = vector.shape_cast %add3A_320 : vector<16xf32> to vector<1x16xf32>
          tpu.vector_store %arg15[%swap3A_495, %swap3A_496], %swap3A_499 {strides = array<i32>} : memref<16x128xf32, #tpu.memory_space<vmem>>, vector<1x16xf32>,
          %swap3A_500 = arith.constant 0 : i32
          %swap3A_501 = arith.index_cast %swap3A_500 : i32 to index
          %swap3A_502 = arith.constant 48 : index
          %swap3A_503 = tpu.vector_load %arg16[%swap3A_501, %swap3A_502] {strides = array<i32>} : memref<16x128xf32, #tpu.memory_space<vmem>>, vector<1x16xf32>,
          %swap3A_504 = vector.shape_cast %swap3A_503 : vector<1x16xf32> to vector<16xf32>
          %swap3A_505 = vector.shape_cast %max3A_375 : vector<16xf32> to vector<1x16xf32>
          tpu.vector_store %arg16[%swap3A_501, %swap3A_502], %swap3A_505 {strides = array<i32>} : memref<16x128xf32, #tpu.memory_space<vmem>>, vector<1x16xf32>,
          %swap3A_506 = arith.constant 0 : i32
          %swap3A_507 = arith.index_cast %swap3A_506 : i32 to index
          %swap3A_508 = arith.constant 64 : index
          %swap3A_509 = tpu.vector_load %arg14[%swap3A_507, %swap3A_508] {strides = array<i32>} : memref<16x128xf32, #tpu.memory_space<vmem>>, vector<1x16xf32>,
          %swap3A_510 = vector.shape_cast %swap3A_509 : vector<1x16xf32> to vector<16xf32>
          %swap3A_511 = vector.shape_cast %add3A_278 : vector<16xf32> to vector<1x16xf32>
          tpu.vector_store %arg14[%swap3A_507, %swap3A_508], %swap3A_511 {strides = array<i32>} : memref<16x128xf32, #tpu.memory_space<vmem>>, vector<1x16xf32>,
          %swap3A_512 = arith.constant 0 : i32
          %swap3A_513 = arith.index_cast %swap3A_512 : i32 to index
          %swap3A_514 = arith.constant 64 : index
          %swap3A_515 = tpu.vector_load %arg15[%swap3A_513, %swap3A_514] {strides = array<i32>} : memref<16x128xf32, #tpu.memory_space<vmem>>, vector<1x16xf32>,
          %swap3A_516 = vector.shape_cast %swap3A_515 : vector<1x16xf32> to vector<16xf32>
          %swap3A_517 = vector.shape_cast %add3A_326 : vector<16xf32> to vector<1x16xf32>
          tpu.vector_store %arg15[%swap3A_513, %swap3A_514], %swap3A_517 {strides = array<i32>} : memref<16x128xf32, #tpu.memory_space<vmem>>, vector<1x16xf32>,
          %swap3A_518 = arith.constant 0 : i32
          %swap3A_519 = arith.index_cast %swap3A_518 : i32 to index
          %swap3A_520 = arith.constant 64 : index
          %swap3A_521 = tpu.vector_load %arg16[%swap3A_519, %swap3A_520] {strides = array<i32>} : memref<16x128xf32, #tpu.memory_space<vmem>>, vector<1x16xf32>,
          %swap3A_522 = vector.shape_cast %swap3A_521 : vector<1x16xf32> to vector<16xf32>
          %swap3A_523 = vector.shape_cast %max3A_383 : vector<16xf32> to vector<1x16xf32>
          tpu.vector_store %arg16[%swap3A_519, %swap3A_520], %swap3A_523 {strides = array<i32>} : memref<16x128xf32, #tpu.memory_space<vmem>>, vector<1x16xf32>,
          %swap3A_524 = arith.constant 0 : i32
          %swap3A_525 = arith.index_cast %swap3A_524 : i32 to index
          %swap3A_526 = arith.constant 80 : index
          %swap3A_527 = tpu.vector_load %arg14[%swap3A_525, %swap3A_526] {strides = array<i32>} : memref<16x128xf32, #tpu.memory_space<vmem>>, vector<1x16xf32>,
          %swap3A_528 = vector.shape_cast %swap3A_527 : vector<1x16xf32> to vector<16xf32>
          %swap3A_529 = vector.shape_cast %add3A_284 : vector<16xf32> to vector<1x16xf32>
          tpu.vector_store %arg14[%swap3A_525, %swap3A_526], %swap3A_529 {strides = array<i32>} : memref<16x128xf32, #tpu.memory_space<vmem>>, vector<1x16xf32>,
          %swap3A_530 = arith.constant 0 : i32
          %swap3A_531 = arith.index_cast %swap3A_530 : i32 to index
          %swap3A_532 = arith.constant 80 : index
          %swap3A_533 = tpu.vector_load %arg15[%swap3A_531, %swap3A_532] {strides = array<i32>} : memref<16x128xf32, #tpu.memory_space<vmem>>, vector<1x16xf32>,
          %swap3A_534 = vector.shape_cast %swap3A_533 : vector<1x16xf32> to vector<16xf32>
          %swap3A_535 = vector.shape_cast %add3A_332 : vector<16xf32> to vector<1x16xf32>
          tpu.vector_store %arg15[%swap3A_531, %swap3A_532], %swap3A_535 {strides = array<i32>} : memref<16x128xf32, #tpu.memory_space<vmem>>, vector<1x16xf32>,
          %swap3A_536 = arith.constant 0 : i32
          %swap3A_537 = arith.index_cast %swap3A_536 : i32 to index
          %swap3A_538 = arith.constant 80 : index
          %swap3A_539 = tpu.vector_load %arg16[%swap3A_537, %swap3A_538] {strides = array<i32>} : memref<16x128xf32, #tpu.memory_space<vmem>>, vector<1x16xf32>,
          %swap3A_540 = vector.shape_cast %swap3A_539 : vector<1x16xf32> to vector<16xf32>
          %swap3A_541 = vector.shape_cast %max3A_391 : vector<16xf32> to vector<1x16xf32>
          tpu.vector_store %arg16[%swap3A_537, %swap3A_538], %swap3A_541 {strides = array<i32>} : memref<16x128xf32, #tpu.memory_space<vmem>>, vector<1x16xf32>,
          %swap3A_542 = arith.constant 0 : i32
          %swap3A_543 = arith.index_cast %swap3A_542 : i32 to index
          %swap3A_544 = arith.constant 96 : index
          %swap3A_545 = tpu.vector_load %arg14[%swap3A_543, %swap3A_544] {strides = array<i32>} : memref<16x128xf32, #tpu.memory_space<vmem>>, vector<1x16xf32>,
          %swap3A_546 = vector.shape_cast %swap3A_545 : vector<1x16xf32> to vector<16xf32>
          %swap3A_547 = vector.shape_cast %add3A_290 : vector<16xf32> to vector<1x16xf32>
          tpu.vector_store %arg14[%swap3A_543, %swap3A_544], %swap3A_547 {strides = array<i32>} : memref<16x128xf32, #tpu.memory_space<vmem>>, vector<1x16xf32>,
          %swap3A_548 = arith.constant 0 : i32
          %swap3A_549 = arith.index_cast %swap3A_548 : i32 to index
          %swap3A_550 = arith.constant 96 : index
          %swap3A_551 = tpu.vector_load %arg15[%swap3A_549, %swap3A_550] {strides = array<i32>} : memref<16x128xf32, #tpu.memory_space<vmem>>, vector<1x16xf32>,
          %swap3A_552 = vector.shape_cast %swap3A_551 : vector<1x16xf32> to vector<16xf32>
          %swap3A_553 = vector.shape_cast %add3A_338 : vector<16xf32> to vector<1x16xf32>
          tpu.vector_store %arg15[%swap3A_549, %swap3A_550], %swap3A_553 {strides = array<i32>} : memref<16x128xf32, #tpu.memory_space<vmem>>, vector<1x16xf32>,
          %swap3A_554 = arith.constant 0 : i32
          %swap3A_555 = arith.index_cast %swap3A_554 : i32 to index
          %swap3A_556 = arith.constant 96 : index
          %swap3A_557 = tpu.vector_load %arg16[%swap3A_555, %swap3A_556] {strides = array<i32>} : memref<16x128xf32, #tpu.memory_space<vmem>>, vector<1x16xf32>,
          %swap3A_558 = vector.shape_cast %swap3A_557 : vector<1x16xf32> to vector<16xf32>
          %swap3A_559 = vector.shape_cast %max3A_399 : vector<16xf32> to vector<1x16xf32>
          tpu.vector_store %arg16[%swap3A_555, %swap3A_556], %swap3A_559 {strides = array<i32>} : memref<16x128xf32, #tpu.memory_space<vmem>>, vector<1x16xf32>,
          %swap3A_560 = arith.constant 0 : i32
          %swap3A_561 = arith.index_cast %swap3A_560 : i32 to index
          %swap3A_562 = arith.constant 112 : index
          %swap3A_563 = tpu.vector_load %arg14[%swap3A_561, %swap3A_562] {strides = array<i32>} : memref<16x128xf32, #tpu.memory_space<vmem>>, vector<1x16xf32>,
          %swap3A_564 = vector.shape_cast %swap3A_563 : vector<1x16xf32> to vector<16xf32>
          %swap3A_565 = vector.shape_cast %add3A_296 : vector<16xf32> to vector<1x16xf32>
          tpu.vector_store %arg14[%swap3A_561, %swap3A_562], %swap3A_565 {strides = array<i32>} : memref<16x128xf32, #tpu.memory_space<vmem>>, vector<1x16xf32>,
          %swap3A_566 = arith.constant 0 : i32
          %swap3A_567 = arith.index_cast %swap3A_566 : i32 to index
          %swap3A_568 = arith.constant 112 : index
          %swap3A_569 = tpu.vector_load %arg15[%swap3A_567, %swap3A_568] {strides = array<i32>} : memref<16x128xf32, #tpu.memory_space<vmem>>, vector<1x16xf32>,
          %swap3A_570 = vector.shape_cast %swap3A_569 : vector<1x16xf32> to vector<16xf32>
          %swap3A_571 = vector.shape_cast %add3A_344 : vector<16xf32> to vector<1x16xf32>
          tpu.vector_store %arg15[%swap3A_567, %swap3A_568], %swap3A_571 {strides = array<i32>} : memref<16x128xf32, #tpu.memory_space<vmem>>, vector<1x16xf32>,
          %swap3A_572 = arith.constant 0 : i32
          %swap3A_573 = arith.index_cast %swap3A_572 : i32 to index
          %swap3A_574 = arith.constant 112 : index
          %swap3A_575 = tpu.vector_load %arg16[%swap3A_573, %swap3A_574] {strides = array<i32>} : memref<16x128xf32, #tpu.memory_space<vmem>>, vector<1x16xf32>,
          %swap3A_576 = vector.shape_cast %swap3A_575 : vector<1x16xf32> to vector<16xf32>
          %swap3A_577 = vector.shape_cast %max3A_407 : vector<16xf32> to vector<1x16xf32>
          tpu.vector_store %arg16[%swap3A_573, %swap3A_574], %swap3A_577 {strides = array<i32>} : memref<16x128xf32, #tpu.memory_space<vmem>>, vector<1x16xf32>,
          %eq3A_578 = arith.constant 8 : i32
          %eq3A_579 = vector.broadcast %eq3A_578 : i32 to vector<16xi32>
          %eq3A_580 = arith.cmpi eq, %iota3A, %eq3A_579 : vector<16xi32>
          %convert_element_type3A_581 = arith.sitofp %squeeze3A_418 : i32 to f32
          %broadcast_in_dim3A_582 = vector.broadcast %convert_element_type3A_581 : f32 to vector<16xf32>
          %select_n3A_583 = arith.select %eq3A_580, %broadcast_in_dim3A_582, %add3A_413 : vector<16xi1>, vector<16xf32>
          %swap3A_584 = arith.constant 0 : i32
          %swap3A_585 = arith.index_cast %swap3A_584 : i32 to index
          %swap3A_586 = arith.constant 0 : index
          %swap3A_587 = tpu.vector_load %arg17[%swap3A_585, %swap3A_586] {strides = array<i32>} : memref<16x128xf32, #tpu.memory_space<vmem>>, vector<1x16xf32>,
          %swap3A_588 = vector.shape_cast %swap3A_587 : vector<1x16xf32> to vector<16xf32>
          %swap3A_589 = vector.shape_cast %select_n3A_583 : vector<16xf32> to vector<1x16xf32>
          tpu.vector_store %arg17[%swap3A_585, %swap3A_586], %swap3A_589 {strides = array<i32>} : memref<16x128xf32, #tpu.memory_space<vmem>>, vector<1x16xf32>,
          %eq3A_590 = arith.constant 0 : i32
          %eq3A_591 = vector.broadcast %eq3A_590 : i32 to vector<16xi32>
          %eq3A_592 = arith.cmpi eq, %iota3A, %eq3A_591 : vector<16xi32>
          %jit3A_593 = arith.constant 1088 : i32
          %broadcast_in_dim3A_594 = vector.broadcast %select_n3A_433 : i32 to vector<16xi32>
          %broadcast_in_dim3A_595 = vector.broadcast %jit3A_593 : i32 to vector<16xi32>
          %select_n3A_596 = arith.select %eq3A_592, %broadcast_in_dim3A_594, %broadcast_in_dim3A_595 : vector<16xi1>, vector<16xi32>
          %swap3A_597 = arith.constant 0 : index
          %swap3A_598 = tpu.vector_load %arg18[%swap3A_597] {strides = array<i32>} : memref<16xi32, #tpu.memory_space<vmem>>, vector<16xi32>,
          %swap3A_599 = vector.shape_cast %swap3A_598 : vector<16xi32> to vector<16xi32>
          %swap3A_600 = vector.shape_cast %select_n3A_596 : vector<16xi32> to vector<16xi32>
          tpu.vector_store %arg18[%swap3A_597], %swap3A_600 {strides = array<i32>} : memref<16xi32, #tpu.memory_space<vmem>>, vector<16xi32>,
          "tpu.region"() ({
            %run_scoped3A = tpu.sem_alloc : memref<!tpu.dma_semaphore, #tpu.memory_space<semaphore_mem>>
            %dma_start3A = arith.constant 0 : i32
            %dma_start3A_601 = arith.constant 0 : i32
            %dma_start3A_602 = tpu.memref_slice %arg4[%dma_start3A, %dma_start3A_601] : memref<1104x128xf32, #tpu.memory_space<hbm>> -> memref<1104x128xf32, #tpu.memory_space<hbm>>
            tpu.enqueue_indirect_dma source(%arg14 : memref<16x128xf32, #tpu.memory_space<vmem>>) target(%dma_start3A_602 : memref<1104x128xf32, #tpu.memory_space<hbm>>) offsets(%arg18 : memref<16xi32, #tpu.memory_space<vmem>>) semaphore(%run_scoped3A : memref<!tpu.dma_semaphore, #tpu.memory_space<semaphore_mem>>)
            %dma_wait3A = arith.constant 0 : i32
            %dma_wait3A_603 = arith.constant 0 : i32
            %dma_wait3A_604 = tpu.memref_slice %arg4[%dma_wait3A, %dma_wait3A_603] : memref<1104x128xf32, #tpu.memory_space<hbm>> -> memref<1104x128xf32, #tpu.memory_space<hbm>>
            tpu.wait_indirect_dma semaphore(%run_scoped3A : memref<!tpu.dma_semaphore, #tpu.memory_space<semaphore_mem>>) src(%arg14 : memref<16x128xf32, #tpu.memory_space<vmem>>) dst(%dma_wait3A_604 : memref<1104x128xf32, #tpu.memory_space<hbm>>)
            tpu.yield
          }) : () -> ()
          "tpu.region"() ({
            %run_scoped3A = tpu.sem_alloc : memref<!tpu.dma_semaphore, #tpu.memory_space<semaphore_mem>>
            %dma_start3A = arith.constant 0 : i32
            %dma_start3A_601 = arith.constant 0 : i32
            %dma_start3A_602 = tpu.memref_slice %arg5[%dma_start3A, %dma_start3A_601] : memref<1104x128xf32, #tpu.memory_space<hbm>> -> memref<1104x128xf32, #tpu.memory_space<hbm>>
            tpu.enqueue_indirect_dma source(%arg15 : memref<16x128xf32, #tpu.memory_space<vmem>>) target(%dma_start3A_602 : memref<1104x128xf32, #tpu.memory_space<hbm>>) offsets(%arg18 : memref<16xi32, #tpu.memory_space<vmem>>) semaphore(%run_scoped3A : memref<!tpu.dma_semaphore, #tpu.memory_space<semaphore_mem>>)
            %dma_wait3A = arith.constant 0 : i32
            %dma_wait3A_603 = arith.constant 0 : i32
            %dma_wait3A_604 = tpu.memref_slice %arg5[%dma_wait3A, %dma_wait3A_603] : memref<1104x128xf32, #tpu.memory_space<hbm>> -> memref<1104x128xf32, #tpu.memory_space<hbm>>
            tpu.wait_indirect_dma semaphore(%run_scoped3A : memref<!tpu.dma_semaphore, #tpu.memory_space<semaphore_mem>>) src(%arg15 : memref<16x128xf32, #tpu.memory_space<vmem>>) dst(%dma_wait3A_604 : memref<1104x128xf32, #tpu.memory_space<hbm>>)
            tpu.yield
          }) : () -> ()
          "tpu.region"() ({
            %run_scoped3A = tpu.sem_alloc : memref<!tpu.dma_semaphore, #tpu.memory_space<semaphore_mem>>
            %dma_start3A = arith.constant 0 : i32
            %dma_start3A_601 = arith.constant 0 : i32
            %dma_start3A_602 = tpu.memref_slice %arg6[%dma_start3A, %dma_start3A_601] : memref<1104x128xf32, #tpu.memory_space<hbm>> -> memref<1104x128xf32, #tpu.memory_space<hbm>>
            tpu.enqueue_indirect_dma source(%arg16 : memref<16x128xf32, #tpu.memory_space<vmem>>) target(%dma_start3A_602 : memref<1104x128xf32, #tpu.memory_space<hbm>>) offsets(%arg18 : memref<16xi32, #tpu.memory_space<vmem>>) semaphore(%run_scoped3A : memref<!tpu.dma_semaphore, #tpu.memory_space<semaphore_mem>>)
            %dma_wait3A = arith.constant 0 : i32
            %dma_wait3A_603 = arith.constant 0 : i32
            %dma_wait3A_604 = tpu.memref_slice %arg6[%dma_wait3A, %dma_wait3A_603] : memref<1104x128xf32, #tpu.memory_space<hbm>> -> memref<1104x128xf32, #tpu.memory_space<hbm>>
            tpu.wait_indirect_dma semaphore(%run_scoped3A : memref<!tpu.dma_semaphore, #tpu.memory_space<semaphore_mem>>) src(%arg16 : memref<16x128xf32, #tpu.memory_space<vmem>>) dst(%dma_wait3A_604 : memref<1104x128xf32, #tpu.memory_space<hbm>>)
            tpu.yield
          }) : () -> ()
          "tpu.region"() ({
            %run_scoped3A = tpu.sem_alloc : memref<!tpu.dma_semaphore, #tpu.memory_space<semaphore_mem>>
            %dma_start3A = arith.constant 0 : i32
            %dma_start3A_601 = arith.constant 0 : i32
            %dma_start3A_602 = tpu.memref_slice %arg7[%dma_start3A, %dma_start3A_601] : memref<1104x128xf32, #tpu.memory_space<hbm>> -> memref<1104x128xf32, #tpu.memory_space<hbm>>
            tpu.enqueue_indirect_dma source(%arg17 : memref<16x128xf32, #tpu.memory_space<vmem>>) target(%dma_start3A_602 : memref<1104x128xf32, #tpu.memory_space<hbm>>) offsets(%arg18 : memref<16xi32, #tpu.memory_space<vmem>>) semaphore(%run_scoped3A : memref<!tpu.dma_semaphore, #tpu.memory_space<semaphore_mem>>)
            %dma_wait3A = arith.constant 0 : i32
            %dma_wait3A_603 = arith.constant 0 : i32
            %dma_wait3A_604 = tpu.memref_slice %arg7[%dma_wait3A, %dma_wait3A_603] : memref<1104x128xf32, #tpu.memory_space<hbm>> -> memref<1104x128xf32, #tpu.memory_space<hbm>>
            tpu.wait_indirect_dma semaphore(%run_scoped3A : memref<!tpu.dma_semaphore, #tpu.memory_space<semaphore_mem>>) src(%arg17 : memref<16x128xf32, #tpu.memory_space<vmem>>) dst(%dma_wait3A_604 : memref<1104x128xf32, #tpu.memory_space<hbm>>)
            tpu.yield
          }) : () -> ()
          scf.yield %broadcast_in_dim3A_1, %broadcast_in_dim3A_1, %broadcast_in_dim3A_1, %broadcast_in_dim3A_1, %broadcast_in_dim3A_1, %broadcast_in_dim3A_1, %broadcast_in_dim3A_1, %broadcast_in_dim3A_1, %broadcast_in_dim3A_1, %broadcast_in_dim3A_1, %broadcast_in_dim3A_1, %broadcast_in_dim3A_1, %broadcast_in_dim3A_1, %broadcast_in_dim3A_1, %broadcast_in_dim3A_1, %broadcast_in_dim3A_1, %broadcast_in_dim3A_3, %broadcast_in_dim3A_3, %broadcast_in_dim3A_3, %broadcast_in_dim3A_3, %broadcast_in_dim3A_3, %broadcast_in_dim3A_3, %broadcast_in_dim3A_3, %broadcast_in_dim3A_3, %broadcast_in_dim3A_1 : vector<16xf32>, vector<16xf32>, vector<16xf32>, vector<16xf32>, vector<16xf32>, vector<16xf32>, vector<16xf32>, vector<16xf32>, vector<16xf32>, vector<16xf32>, vector<16xf32>, vector<16xf32>, vector<16xf32>, vector<16xf32>, vector<16xf32>, vector<16xf32>, vector<16xf32>, vector<16xf32>, vector<16xf32>, vector<16xf32>, vector<16xf32>, vector<16xf32>, vector<16xf32>, vector<16xf32>, vector<16xf32>
        } else {
          scf.yield %add3A_254, %add3A_260, %add3A_266, %add3A_272, %add3A_278, %add3A_284, %add3A_290, %add3A_296, %add3A_302, %add3A_308, %add3A_314, %add3A_320, %add3A_326, %add3A_332, %add3A_338, %add3A_344, %max3A, %max3A_359, %max3A_367, %max3A_375, %max3A_383, %max3A_391, %max3A_399, %max3A_407, %add3A_413 : vector<16xf32>, vector<16xf32>, vector<16xf32>, vector<16xf32>, vector<16xf32>, vector<16xf32>, vector<16xf32>, vector<16xf32>, vector<16xf32>, vector<16xf32>, vector<16xf32>, vector<16xf32>, vector<16xf32>, vector<16xf32>, vector<16xf32>, vector<16xf32>, vector<16xf32>, vector<16xf32>, vector<16xf32>, vector<16xf32>, vector<16xf32>, vector<16xf32>, vector<16xf32>, vector<16xf32>, vector<16xf32>
        }
        %add3A_424 = arith.constant 1 : i32
        %add3A_425 = arith.addi %scan3A_246, %add3A_424 : i32
        %select_n3A_426 = arith.select %ne3A, %add3A_425, %scan3A_246 : i32
        scf.yield %cond3A_423#0, %cond3A_423#1, %cond3A_423#2, %cond3A_423#3, %cond3A_423#4, %cond3A_423#5, %cond3A_423#6, %cond3A_423#7, %cond3A_423#8, %cond3A_423#9, %cond3A_423#10, %cond3A_423#11, %cond3A_423#12, %cond3A_423#13, %cond3A_423#14, %cond3A_423#15, %cond3A_423#16, %cond3A_423#17, %cond3A_423#18, %cond3A_423#19, %cond3A_423#20, %cond3A_423#21, %cond3A_423#22, %cond3A_423#23, %cond3A_423#24, %select_n3A_426 : vector<16xf32>, vector<16xf32>, vector<16xf32>, vector<16xf32>, vector<16xf32>, vector<16xf32>, vector<16xf32>, vector<16xf32>, vector<16xf32>, vector<16xf32>, vector<16xf32>, vector<16xf32>, vector<16xf32>, vector<16xf32>, vector<16xf32>, vector<16xf32>, vector<16xf32>, vector<16xf32>, vector<16xf32>, vector<16xf32>, vector<16xf32>, vector<16xf32>, vector<16xf32>, vector<16xf32>, vector<16xf32>, i32
      }
      %scan3A_219 = arith.constant 224 : i32
      scf.yield %scan3A_218#0, %scan3A_218#1, %scan3A_218#2, %scan3A_218#3, %scan3A_218#4, %scan3A_218#5, %scan3A_218#6, %scan3A_218#7, %scan3A_218#8, %scan3A_218#9, %scan3A_218#10, %scan3A_218#11, %scan3A_218#12, %scan3A_218#13, %scan3A_218#14, %scan3A_218#15, %scan3A_218#16, %scan3A_218#17, %scan3A_218#18, %scan3A_218#19, %scan3A_218#20, %scan3A_218#21, %scan3A_218#22, %scan3A_218#23, %scan3A_218#24, %scan3A_218#25 : vector<16xf32>, vector<16xf32>, vector<16xf32>, vector<16xf32>, vector<16xf32>, vector<16xf32>, vector<16xf32>, vector<16xf32>, vector<16xf32>, vector<16xf32>, vector<16xf32>, vector<16xf32>, vector<16xf32>, vector<16xf32>, vector<16xf32>, vector<16xf32>, vector<16xf32>, vector<16xf32>, vector<16xf32>, vector<16xf32>, vector<16xf32>, vector<16xf32>, vector<16xf32>, vector<16xf32>, vector<16xf32>, i32
    }
    %scan3A_11 = arith.constant 14 : i32
    %get3A = arith.constant 223 : index
    %get3A_12 = tpu.vector_load %arg13[%get3A] {strides = array<i32>} : memref<240xi32, #tpu.memory_space<vmem>>, vector<16xi32>,
    %get3A_13 = vector.shape_cast %get3A_12 : vector<16xi32> to vector<16xi32>
    %mul3A_14 = arith.constant 2 : i32
    %mul3A_15 = arith.muli %mul3A_14, %add3A : i32
    %add3A_16 = arith.constant 1024 : i32
    %add3A_17 = arith.addi %add3A_16, %mul3A_15 : i32
    %add3A_18 = arith.constant 1 : i32
    %add3A_19 = arith.addi %add3A_17, %add3A_18 : i32
    %slice3A = vector.extract_strided_slice %get3A_13 {offsets = [0], sizes = [1], strides = [1]} : vector<16xi32> to vector<1xi32>
    %squeeze3A = vector.extract %slice3A[0] : i32 from vector<1xi32>
    %swap3A = arith.constant 0 : i32
    %swap3A_20 = arith.index_cast %swap3A : i32 to index
    %swap3A_21 = arith.constant 0 : index
    %swap3A_22 = tpu.vector_load %arg14[%swap3A_20, %swap3A_21] {strides = array<i32>} : memref<16x128xf32, #tpu.memory_space<vmem>>, vector<1x16xf32>,
    %swap3A_23 = vector.shape_cast %swap3A_22 : vector<1x16xf32> to vector<16xf32>
    %swap3A_24 = vector.shape_cast %scan3A_10#0 : vector<16xf32> to vector<1x16xf32>
    tpu.vector_store %arg14[%swap3A_20, %swap3A_21], %swap3A_24 {strides = array<i32>} : memref<16x128xf32, #tpu.memory_space<vmem>>, vector<1x16xf32>,
    %swap3A_25 = arith.constant 0 : i32
    %swap3A_26 = arith.index_cast %swap3A_25 : i32 to index
    %swap3A_27 = arith.constant 0 : index
    %swap3A_28 = tpu.vector_load %arg15[%swap3A_26, %swap3A_27] {strides = array<i32>} : memref<16x128xf32, #tpu.memory_space<vmem>>, vector<1x16xf32>,
    %swap3A_29 = vector.shape_cast %swap3A_28 : vector<1x16xf32> to vector<16xf32>
    %swap3A_30 = vector.shape_cast %scan3A_10#8 : vector<16xf32> to vector<1x16xf32>
    tpu.vector_store %arg15[%swap3A_26, %swap3A_27], %swap3A_30 {strides = array<i32>} : memref<16x128xf32, #tpu.memory_space<vmem>>, vector<1x16xf32>,
    %swap3A_31 = arith.constant 0 : i32
    %swap3A_32 = arith.index_cast %swap3A_31 : i32 to index
    %swap3A_33 = arith.constant 0 : index
    %swap3A_34 = tpu.vector_load %arg16[%swap3A_32, %swap3A_33] {strides = array<i32>} : memref<16x128xf32, #tpu.memory_space<vmem>>, vector<1x16xf32>,
    %swap3A_35 = vector.shape_cast %swap3A_34 : vector<1x16xf32> to vector<16xf32>
    %swap3A_36 = vector.shape_cast %scan3A_10#16 : vector<16xf32> to vector<1x16xf32>
    tpu.vector_store %arg16[%swap3A_32, %swap3A_33], %swap3A_36 {strides = array<i32>} : memref<16x128xf32, #tpu.memory_space<vmem>>, vector<1x16xf32>,
    %swap3A_37 = arith.constant 0 : i32
    %swap3A_38 = arith.index_cast %swap3A_37 : i32 to index
    %swap3A_39 = arith.constant 16 : index
    %swap3A_40 = tpu.vector_load %arg14[%swap3A_38, %swap3A_39] {strides = array<i32>} : memref<16x128xf32, #tpu.memory_space<vmem>>, vector<1x16xf32>,
    %swap3A_41 = vector.shape_cast %swap3A_40 : vector<1x16xf32> to vector<16xf32>
    %swap3A_42 = vector.shape_cast %scan3A_10#1 : vector<16xf32> to vector<1x16xf32>
    tpu.vector_store %arg14[%swap3A_38, %swap3A_39], %swap3A_42 {strides = array<i32>} : memref<16x128xf32, #tpu.memory_space<vmem>>, vector<1x16xf32>,
    %swap3A_43 = arith.constant 0 : i32
    %swap3A_44 = arith.index_cast %swap3A_43 : i32 to index
    %swap3A_45 = arith.constant 16 : index
    %swap3A_46 = tpu.vector_load %arg15[%swap3A_44, %swap3A_45] {strides = array<i32>} : memref<16x128xf32, #tpu.memory_space<vmem>>, vector<1x16xf32>,
    %swap3A_47 = vector.shape_cast %swap3A_46 : vector<1x16xf32> to vector<16xf32>
    %swap3A_48 = vector.shape_cast %scan3A_10#9 : vector<16xf32> to vector<1x16xf32>
    tpu.vector_store %arg15[%swap3A_44, %swap3A_45], %swap3A_48 {strides = array<i32>} : memref<16x128xf32, #tpu.memory_space<vmem>>, vector<1x16xf32>,
    %swap3A_49 = arith.constant 0 : i32
    %swap3A_50 = arith.index_cast %swap3A_49 : i32 to index
    %swap3A_51 = arith.constant 16 : index
    %swap3A_52 = tpu.vector_load %arg16[%swap3A_50, %swap3A_51] {strides = array<i32>} : memref<16x128xf32, #tpu.memory_space<vmem>>, vector<1x16xf32>,
    %swap3A_53 = vector.shape_cast %swap3A_52 : vector<1x16xf32> to vector<16xf32>
    %swap3A_54 = vector.shape_cast %scan3A_10#17 : vector<16xf32> to vector<1x16xf32>
    tpu.vector_store %arg16[%swap3A_50, %swap3A_51], %swap3A_54 {strides = array<i32>} : memref<16x128xf32, #tpu.memory_space<vmem>>, vector<1x16xf32>,
    %swap3A_55 = arith.constant 0 : i32
    %swap3A_56 = arith.index_cast %swap3A_55 : i32 to index
    %swap3A_57 = arith.constant 32 : index
    %swap3A_58 = tpu.vector_load %arg14[%swap3A_56, %swap3A_57] {strides = array<i32>} : memref<16x128xf32, #tpu.memory_space<vmem>>, vector<1x16xf32>,
    %swap3A_59 = vector.shape_cast %swap3A_58 : vector<1x16xf32> to vector<16xf32>
    %swap3A_60 = vector.shape_cast %scan3A_10#2 : vector<16xf32> to vector<1x16xf32>
    tpu.vector_store %arg14[%swap3A_56, %swap3A_57], %swap3A_60 {strides = array<i32>} : memref<16x128xf32, #tpu.memory_space<vmem>>, vector<1x16xf32>,
    %swap3A_61 = arith.constant 0 : i32
    %swap3A_62 = arith.index_cast %swap3A_61 : i32 to index
    %swap3A_63 = arith.constant 32 : index
    %swap3A_64 = tpu.vector_load %arg15[%swap3A_62, %swap3A_63] {strides = array<i32>} : memref<16x128xf32, #tpu.memory_space<vmem>>, vector<1x16xf32>,
    %swap3A_65 = vector.shape_cast %swap3A_64 : vector<1x16xf32> to vector<16xf32>
    %swap3A_66 = vector.shape_cast %scan3A_10#10 : vector<16xf32> to vector<1x16xf32>
    tpu.vector_store %arg15[%swap3A_62, %swap3A_63], %swap3A_66 {strides = array<i32>} : memref<16x128xf32, #tpu.memory_space<vmem>>, vector<1x16xf32>,
    %swap3A_67 = arith.constant 0 : i32
    %swap3A_68 = arith.index_cast %swap3A_67 : i32 to index
    %swap3A_69 = arith.constant 32 : index
    %swap3A_70 = tpu.vector_load %arg16[%swap3A_68, %swap3A_69] {strides = array<i32>} : memref<16x128xf32, #tpu.memory_space<vmem>>, vector<1x16xf32>,
    %swap3A_71 = vector.shape_cast %swap3A_70 : vector<1x16xf32> to vector<16xf32>
    %swap3A_72 = vector.shape_cast %scan3A_10#18 : vector<16xf32> to vector<1x16xf32>
    tpu.vector_store %arg16[%swap3A_68, %swap3A_69], %swap3A_72 {strides = array<i32>} : memref<16x128xf32, #tpu.memory_space<vmem>>, vector<1x16xf32>,
    %swap3A_73 = arith.constant 0 : i32
    %swap3A_74 = arith.index_cast %swap3A_73 : i32 to index
    %swap3A_75 = arith.constant 48 : index
    %swap3A_76 = tpu.vector_load %arg14[%swap3A_74, %swap3A_75] {strides = array<i32>} : memref<16x128xf32, #tpu.memory_space<vmem>>, vector<1x16xf32>,
    %swap3A_77 = vector.shape_cast %swap3A_76 : vector<1x16xf32> to vector<16xf32>
    %swap3A_78 = vector.shape_cast %scan3A_10#3 : vector<16xf32> to vector<1x16xf32>
    tpu.vector_store %arg14[%swap3A_74, %swap3A_75], %swap3A_78 {strides = array<i32>} : memref<16x128xf32, #tpu.memory_space<vmem>>, vector<1x16xf32>,
    %swap3A_79 = arith.constant 0 : i32
    %swap3A_80 = arith.index_cast %swap3A_79 : i32 to index
    %swap3A_81 = arith.constant 48 : index
    %swap3A_82 = tpu.vector_load %arg15[%swap3A_80, %swap3A_81] {strides = array<i32>} : memref<16x128xf32, #tpu.memory_space<vmem>>, vector<1x16xf32>,
    %swap3A_83 = vector.shape_cast %swap3A_82 : vector<1x16xf32> to vector<16xf32>
    %swap3A_84 = vector.shape_cast %scan3A_10#11 : vector<16xf32> to vector<1x16xf32>
    tpu.vector_store %arg15[%swap3A_80, %swap3A_81], %swap3A_84 {strides = array<i32>} : memref<16x128xf32, #tpu.memory_space<vmem>>, vector<1x16xf32>,
    %swap3A_85 = arith.constant 0 : i32
    %swap3A_86 = arith.index_cast %swap3A_85 : i32 to index
    %swap3A_87 = arith.constant 48 : index
    %swap3A_88 = tpu.vector_load %arg16[%swap3A_86, %swap3A_87] {strides = array<i32>} : memref<16x128xf32, #tpu.memory_space<vmem>>, vector<1x16xf32>,
    %swap3A_89 = vector.shape_cast %swap3A_88 : vector<1x16xf32> to vector<16xf32>
    %swap3A_90 = vector.shape_cast %scan3A_10#19 : vector<16xf32> to vector<1x16xf32>
    tpu.vector_store %arg16[%swap3A_86, %swap3A_87], %swap3A_90 {strides = array<i32>} : memref<16x128xf32, #tpu.memory_space<vmem>>, vector<1x16xf32>,
    %swap3A_91 = arith.constant 0 : i32
    %swap3A_92 = arith.index_cast %swap3A_91 : i32 to index
    %swap3A_93 = arith.constant 64 : index
    %swap3A_94 = tpu.vector_load %arg14[%swap3A_92, %swap3A_93] {strides = array<i32>} : memref<16x128xf32, #tpu.memory_space<vmem>>, vector<1x16xf32>,
    %swap3A_95 = vector.shape_cast %swap3A_94 : vector<1x16xf32> to vector<16xf32>
    %swap3A_96 = vector.shape_cast %scan3A_10#4 : vector<16xf32> to vector<1x16xf32>
    tpu.vector_store %arg14[%swap3A_92, %swap3A_93], %swap3A_96 {strides = array<i32>} : memref<16x128xf32, #tpu.memory_space<vmem>>, vector<1x16xf32>,
    %swap3A_97 = arith.constant 0 : i32
    %swap3A_98 = arith.index_cast %swap3A_97 : i32 to index
    %swap3A_99 = arith.constant 64 : index
    %swap3A_100 = tpu.vector_load %arg15[%swap3A_98, %swap3A_99] {strides = array<i32>} : memref<16x128xf32, #tpu.memory_space<vmem>>, vector<1x16xf32>,
    %swap3A_101 = vector.shape_cast %swap3A_100 : vector<1x16xf32> to vector<16xf32>
    %swap3A_102 = vector.shape_cast %scan3A_10#12 : vector<16xf32> to vector<1x16xf32>
    tpu.vector_store %arg15[%swap3A_98, %swap3A_99], %swap3A_102 {strides = array<i32>} : memref<16x128xf32, #tpu.memory_space<vmem>>, vector<1x16xf32>,
    %swap3A_103 = arith.constant 0 : i32
    %swap3A_104 = arith.index_cast %swap3A_103 : i32 to index
    %swap3A_105 = arith.constant 64 : index
    %swap3A_106 = tpu.vector_load %arg16[%swap3A_104, %swap3A_105] {strides = array<i32>} : memref<16x128xf32, #tpu.memory_space<vmem>>, vector<1x16xf32>,
    %swap3A_107 = vector.shape_cast %swap3A_106 : vector<1x16xf32> to vector<16xf32>
    %swap3A_108 = vector.shape_cast %scan3A_10#20 : vector<16xf32> to vector<1x16xf32>
    tpu.vector_store %arg16[%swap3A_104, %swap3A_105], %swap3A_108 {strides = array<i32>} : memref<16x128xf32, #tpu.memory_space<vmem>>, vector<1x16xf32>,
    %swap3A_109 = arith.constant 0 : i32
    %swap3A_110 = arith.index_cast %swap3A_109 : i32 to index
    %swap3A_111 = arith.constant 80 : index
    %swap3A_112 = tpu.vector_load %arg14[%swap3A_110, %swap3A_111] {strides = array<i32>} : memref<16x128xf32, #tpu.memory_space<vmem>>, vector<1x16xf32>,
    %swap3A_113 = vector.shape_cast %swap3A_112 : vector<1x16xf32> to vector<16xf32>
    %swap3A_114 = vector.shape_cast %scan3A_10#5 : vector<16xf32> to vector<1x16xf32>
    tpu.vector_store %arg14[%swap3A_110, %swap3A_111], %swap3A_114 {strides = array<i32>} : memref<16x128xf32, #tpu.memory_space<vmem>>, vector<1x16xf32>,
    %swap3A_115 = arith.constant 0 : i32
    %swap3A_116 = arith.index_cast %swap3A_115 : i32 to index
    %swap3A_117 = arith.constant 80 : index
    %swap3A_118 = tpu.vector_load %arg15[%swap3A_116, %swap3A_117] {strides = array<i32>} : memref<16x128xf32, #tpu.memory_space<vmem>>, vector<1x16xf32>,
    %swap3A_119 = vector.shape_cast %swap3A_118 : vector<1x16xf32> to vector<16xf32>
    %swap3A_120 = vector.shape_cast %scan3A_10#13 : vector<16xf32> to vector<1x16xf32>
    tpu.vector_store %arg15[%swap3A_116, %swap3A_117], %swap3A_120 {strides = array<i32>} : memref<16x128xf32, #tpu.memory_space<vmem>>, vector<1x16xf32>,
    %swap3A_121 = arith.constant 0 : i32
    %swap3A_122 = arith.index_cast %swap3A_121 : i32 to index
    %swap3A_123 = arith.constant 80 : index
    %swap3A_124 = tpu.vector_load %arg16[%swap3A_122, %swap3A_123] {strides = array<i32>} : memref<16x128xf32, #tpu.memory_space<vmem>>, vector<1x16xf32>,
    %swap3A_125 = vector.shape_cast %swap3A_124 : vector<1x16xf32> to vector<16xf32>
    %swap3A_126 = vector.shape_cast %scan3A_10#21 : vector<16xf32> to vector<1x16xf32>
    tpu.vector_store %arg16[%swap3A_122, %swap3A_123], %swap3A_126 {strides = array<i32>} : memref<16x128xf32, #tpu.memory_space<vmem>>, vector<1x16xf32>,
    %swap3A_127 = arith.constant 0 : i32
    %swap3A_128 = arith.index_cast %swap3A_127 : i32 to index
    %swap3A_129 = arith.constant 96 : index
    %swap3A_130 = tpu.vector_load %arg14[%swap3A_128, %swap3A_129] {strides = array<i32>} : memref<16x128xf32, #tpu.memory_space<vmem>>, vector<1x16xf32>,
    %swap3A_131 = vector.shape_cast %swap3A_130 : vector<1x16xf32> to vector<16xf32>
    %swap3A_132 = vector.shape_cast %scan3A_10#6 : vector<16xf32> to vector<1x16xf32>
    tpu.vector_store %arg14[%swap3A_128, %swap3A_129], %swap3A_132 {strides = array<i32>} : memref<16x128xf32, #tpu.memory_space<vmem>>, vector<1x16xf32>,
    %swap3A_133 = arith.constant 0 : i32
    %swap3A_134 = arith.index_cast %swap3A_133 : i32 to index
    %swap3A_135 = arith.constant 96 : index
    %swap3A_136 = tpu.vector_load %arg15[%swap3A_134, %swap3A_135] {strides = array<i32>} : memref<16x128xf32, #tpu.memory_space<vmem>>, vector<1x16xf32>,
    %swap3A_137 = vector.shape_cast %swap3A_136 : vector<1x16xf32> to vector<16xf32>
    %swap3A_138 = vector.shape_cast %scan3A_10#14 : vector<16xf32> to vector<1x16xf32>
    tpu.vector_store %arg15[%swap3A_134, %swap3A_135], %swap3A_138 {strides = array<i32>} : memref<16x128xf32, #tpu.memory_space<vmem>>, vector<1x16xf32>,
    %swap3A_139 = arith.constant 0 : i32
    %swap3A_140 = arith.index_cast %swap3A_139 : i32 to index
    %swap3A_141 = arith.constant 96 : index
    %swap3A_142 = tpu.vector_load %arg16[%swap3A_140, %swap3A_141] {strides = array<i32>} : memref<16x128xf32, #tpu.memory_space<vmem>>, vector<1x16xf32>,
    %swap3A_143 = vector.shape_cast %swap3A_142 : vector<1x16xf32> to vector<16xf32>
    %swap3A_144 = vector.shape_cast %scan3A_10#22 : vector<16xf32> to vector<1x16xf32>
    tpu.vector_store %arg16[%swap3A_140, %swap3A_141], %swap3A_144 {strides = array<i32>} : memref<16x128xf32, #tpu.memory_space<vmem>>, vector<1x16xf32>,
    %swap3A_145 = arith.constant 0 : i32
    %swap3A_146 = arith.index_cast %swap3A_145 : i32 to index
    %swap3A_147 = arith.constant 112 : index
    %swap3A_148 = tpu.vector_load %arg14[%swap3A_146, %swap3A_147] {strides = array<i32>} : memref<16x128xf32, #tpu.memory_space<vmem>>, vector<1x16xf32>,
    %swap3A_149 = vector.shape_cast %swap3A_148 : vector<1x16xf32> to vector<16xf32>
    %swap3A_150 = vector.shape_cast %scan3A_10#7 : vector<16xf32> to vector<1x16xf32>
    tpu.vector_store %arg14[%swap3A_146, %swap3A_147], %swap3A_150 {strides = array<i32>} : memref<16x128xf32, #tpu.memory_space<vmem>>, vector<1x16xf32>,
    %swap3A_151 = arith.constant 0 : i32
    %swap3A_152 = arith.index_cast %swap3A_151 : i32 to index
    %swap3A_153 = arith.constant 112 : index
    %swap3A_154 = tpu.vector_load %arg15[%swap3A_152, %swap3A_153] {strides = array<i32>} : memref<16x128xf32, #tpu.memory_space<vmem>>, vector<1x16xf32>,
    %swap3A_155 = vector.shape_cast %swap3A_154 : vector<1x16xf32> to vector<16xf32>
    %swap3A_156 = vector.shape_cast %scan3A_10#15 : vector<16xf32> to vector<1x16xf32>
    tpu.vector_store %arg15[%swap3A_152, %swap3A_153], %swap3A_156 {strides = array<i32>} : memref<16x128xf32, #tpu.memory_space<vmem>>, vector<1x16xf32>,
    %swap3A_157 = arith.constant 0 : i32
    %swap3A_158 = arith.index_cast %swap3A_157 : i32 to index
    %swap3A_159 = arith.constant 112 : index
    %swap3A_160 = tpu.vector_load %arg16[%swap3A_158, %swap3A_159] {strides = array<i32>} : memref<16x128xf32, #tpu.memory_space<vmem>>, vector<1x16xf32>,
    %swap3A_161 = vector.shape_cast %swap3A_160 : vector<1x16xf32> to vector<16xf32>
    %swap3A_162 = vector.shape_cast %scan3A_10#23 : vector<16xf32> to vector<1x16xf32>
    tpu.vector_store %arg16[%swap3A_158, %swap3A_159], %swap3A_162 {strides = array<i32>} : memref<16x128xf32, #tpu.memory_space<vmem>>, vector<1x16xf32>,
    %eq3A = arith.constant 8 : i32
    %eq3A_163 = vector.broadcast %eq3A : i32 to vector<16xi32>
    %eq3A_164 = arith.cmpi eq, %iota3A, %eq3A_163 : vector<16xi32>
    %convert_element_type3A = arith.sitofp %squeeze3A : i32 to f32
    %broadcast_in_dim3A_165 = vector.broadcast %convert_element_type3A : f32 to vector<16xf32>
    %select_n3A = arith.select %eq3A_164, %broadcast_in_dim3A_165, %scan3A_10#24 : vector<16xi1>, vector<16xf32>
    %swap3A_166 = arith.constant 0 : i32
    %swap3A_167 = arith.index_cast %swap3A_166 : i32 to index
    %swap3A_168 = arith.constant 0 : index
    %swap3A_169 = tpu.vector_load %arg17[%swap3A_167, %swap3A_168] {strides = array<i32>} : memref<16x128xf32, #tpu.memory_space<vmem>>, vector<1x16xf32>,
    %swap3A_170 = vector.shape_cast %swap3A_169 : vector<1x16xf32> to vector<16xf32>
    %swap3A_171 = vector.shape_cast %select_n3A : vector<16xf32> to vector<1x16xf32>
    tpu.vector_store %arg17[%swap3A_167, %swap3A_168], %swap3A_171 {strides = array<i32>} : memref<16x128xf32, #tpu.memory_space<vmem>>, vector<1x16xf32>,
    %eq3A_172 = arith.constant 0 : i32
    %eq3A_173 = vector.broadcast %eq3A_172 : i32 to vector<16xi32>
    %eq3A_174 = arith.cmpi eq, %iota3A, %eq3A_173 : vector<16xi32>
    %jit3A = arith.constant 1088 : i32
    %broadcast_in_dim3A_175 = vector.broadcast %add3A_19 : i32 to vector<16xi32>
    %broadcast_in_dim3A_176 = vector.broadcast %jit3A : i32 to vector<16xi32>
    %select_n3A_177 = arith.select %eq3A_174, %broadcast_in_dim3A_175, %broadcast_in_dim3A_176 : vector<16xi1>, vector<16xi32>
    %swap3A_178 = arith.constant 0 : index
    %swap3A_179 = tpu.vector_load %arg18[%swap3A_178] {strides = array<i32>} : memref<16xi32, #tpu.memory_space<vmem>>, vector<16xi32>,
    %swap3A_180 = vector.shape_cast %swap3A_179 : vector<16xi32> to vector<16xi32>
    %swap3A_181 = vector.shape_cast %select_n3A_177 : vector<16xi32> to vector<16xi32>
    tpu.vector_store %arg18[%swap3A_178], %swap3A_181 {strides = array<i32>} : memref<16xi32, #tpu.memory_space<vmem>>, vector<16xi32>,
    "tpu.region"() ({
      %run_scoped3A = tpu.sem_alloc : memref<!tpu.dma_semaphore, #tpu.memory_space<semaphore_mem>>
      %dma_start3A = arith.constant 0 : i32
      %dma_start3A_182 = arith.constant 0 : i32
      %dma_start3A_183 = tpu.memref_slice %arg4[%dma_start3A, %dma_start3A_182] : memref<1104x128xf32, #tpu.memory_space<hbm>> -> memref<1104x128xf32, #tpu.memory_space<hbm>>
      tpu.enqueue_indirect_dma source(%arg14 : memref<16x128xf32, #tpu.memory_space<vmem>>) target(%dma_start3A_183 : memref<1104x128xf32, #tpu.memory_space<hbm>>) offsets(%arg18 : memref<16xi32, #tpu.memory_space<vmem>>) semaphore(%run_scoped3A : memref<!tpu.dma_semaphore, #tpu.memory_space<semaphore_mem>>)
      %dma_wait3A = arith.constant 0 : i32
      %dma_wait3A_184 = arith.constant 0 : i32
      %dma_wait3A_185 = tpu.memref_slice %arg4[%dma_wait3A, %dma_wait3A_184] : memref<1104x128xf32, #tpu.memory_space<hbm>> -> memref<1104x128xf32, #tpu.memory_space<hbm>>
      tpu.wait_indirect_dma semaphore(%run_scoped3A : memref<!tpu.dma_semaphore, #tpu.memory_space<semaphore_mem>>) src(%arg14 : memref<16x128xf32, #tpu.memory_space<vmem>>) dst(%dma_wait3A_185 : memref<1104x128xf32, #tpu.memory_space<hbm>>)
      tpu.yield
    }) : () -> ()
    "tpu.region"() ({
      %run_scoped3A = tpu.sem_alloc : memref<!tpu.dma_semaphore, #tpu.memory_space<semaphore_mem>>
      %dma_start3A = arith.constant 0 : i32
      %dma_start3A_182 = arith.constant 0 : i32
      %dma_start3A_183 = tpu.memref_slice %arg5[%dma_start3A, %dma_start3A_182] : memref<1104x128xf32, #tpu.memory_space<hbm>> -> memref<1104x128xf32, #tpu.memory_space<hbm>>
      tpu.enqueue_indirect_dma source(%arg15 : memref<16x128xf32, #tpu.memory_space<vmem>>) target(%dma_start3A_183 : memref<1104x128xf32, #tpu.memory_space<hbm>>) offsets(%arg18 : memref<16xi32, #tpu.memory_space<vmem>>) semaphore(%run_scoped3A : memref<!tpu.dma_semaphore, #tpu.memory_space<semaphore_mem>>)
      %dma_wait3A = arith.constant 0 : i32
      %dma_wait3A_184 = arith.constant 0 : i32
      %dma_wait3A_185 = tpu.memref_slice %arg5[%dma_wait3A, %dma_wait3A_184] : memref<1104x128xf32, #tpu.memory_space<hbm>> -> memref<1104x128xf32, #tpu.memory_space<hbm>>
      tpu.wait_indirect_dma semaphore(%run_scoped3A : memref<!tpu.dma_semaphore, #tpu.memory_space<semaphore_mem>>) src(%arg15 : memref<16x128xf32, #tpu.memory_space<vmem>>) dst(%dma_wait3A_185 : memref<1104x128xf32, #tpu.memory_space<hbm>>)
      tpu.yield
    }) : () -> ()
    "tpu.region"() ({
      %run_scoped3A = tpu.sem_alloc : memref<!tpu.dma_semaphore, #tpu.memory_space<semaphore_mem>>
      %dma_start3A = arith.constant 0 : i32
      %dma_start3A_182 = arith.constant 0 : i32
      %dma_start3A_183 = tpu.memref_slice %arg6[%dma_start3A, %dma_start3A_182] : memref<1104x128xf32, #tpu.memory_space<hbm>> -> memref<1104x128xf32, #tpu.memory_space<hbm>>
      tpu.enqueue_indirect_dma source(%arg16 : memref<16x128xf32, #tpu.memory_space<vmem>>) target(%dma_start3A_183 : memref<1104x128xf32, #tpu.memory_space<hbm>>) offsets(%arg18 : memref<16xi32, #tpu.memory_space<vmem>>) semaphore(%run_scoped3A : memref<!tpu.dma_semaphore, #tpu.memory_space<semaphore_mem>>)
      %dma_wait3A = arith.constant 0 : i32
      %dma_wait3A_184 = arith.constant 0 : i32
      %dma_wait3A_185 = tpu.memref_slice %arg6[%dma_wait3A, %dma_wait3A_184] : memref<1104x128xf32, #tpu.memory_space<hbm>> -> memref<1104x128xf32, #tpu.memory_space<hbm>>
      tpu.wait_indirect_dma semaphore(%run_scoped3A : memref<!tpu.dma_semaphore, #tpu.memory_space<semaphore_mem>>) src(%arg16 : memref<16x128xf32, #tpu.memory_space<vmem>>) dst(%dma_wait3A_185 : memref<1104x128xf32, #tpu.memory_space<hbm>>)
      tpu.yield
    }) : () -> ()
    "tpu.region"() ({
      %run_scoped3A = tpu.sem_alloc : memref<!tpu.dma_semaphore, #tpu.memory_space<semaphore_mem>>
      %dma_start3A = arith.constant 0 : i32
      %dma_start3A_182 = arith.constant 0 : i32
      %dma_start3A_183 = tpu.memref_slice %arg7[%dma_start3A, %dma_start3A_182] : memref<1104x128xf32, #tpu.memory_space<hbm>> -> memref<1104x128xf32, #tpu.memory_space<hbm>>
      tpu.enqueue_indirect_dma source(%arg17 : memref<16x128xf32, #tpu.memory_space<vmem>>) target(%dma_start3A_183 : memref<1104x128xf32, #tpu.memory_space<hbm>>) offsets(%arg18 : memref<16xi32, #tpu.memory_space<vmem>>) semaphore(%run_scoped3A : memref<!tpu.dma_semaphore, #tpu.memory_space<semaphore_mem>>)
      %dma_wait3A = arith.constant 0 : i32
      %dma_wait3A_184 = arith.constant 0 : i32
      %dma_wait3A_185 = tpu.memref_slice %arg7[%dma_wait3A, %dma_wait3A_184] : memref<1104x128xf32, #tpu.memory_space<hbm>> -> memref<1104x128xf32, #tpu.memory_space<hbm>>
      tpu.wait_indirect_dma semaphore(%run_scoped3A : memref<!tpu.dma_semaphore, #tpu.memory_space<semaphore_mem>>) src(%arg17 : memref<16x128xf32, #tpu.memory_space<vmem>>) dst(%dma_wait3A_185 : memref<1104x128xf32, #tpu.memory_space<hbm>>)
      tpu.yield
    }) : () -> ()
    return
  }
}

module attributes {stable_mosaic.version = 14 : i64} {
  func.func @_payload_body(%arg0: i32, %arg1: memref<1024x128xf32, #tpu.memory_space<vmem>>, %arg2: memref<1x1024x1xi32, #tpu.memory_space<vmem>>, %arg3: memref<128x128xf32, #tpu.memory_space<vmem>>, %arg4: memref<1x128xf32, #tpu.memory_space<vmem>>, %arg5: memref<128x8xf32, #tpu.memory_space<vmem>>, %arg6: memref<1x8xf32, #tpu.memory_space<vmem>>, %arg7: memref<128x128xf32, #tpu.memory_space<vmem>>, %arg8: memref<1x128xf32, #tpu.memory_space<vmem>>, %arg9: memref<128x128xf32, #tpu.memory_space<vmem>>, %arg10: memref<1x128xf32, #tpu.memory_space<vmem>>, %arg11: memref<128x128xf32, #tpu.memory_space<vmem>>, %arg12: memref<1x128xf32, #tpu.memory_space<vmem>>, %arg13: memref<128x8xf32, #tpu.memory_space<vmem>>, %arg14: memref<1x8xf32, #tpu.memory_space<vmem>>, %arg15: memref<128x128xf32, #tpu.memory_space<vmem>>, %arg16: memref<1x128xf32, #tpu.memory_space<vmem>>, %arg17: memref<128x128xf32, #tpu.memory_space<vmem>>, %arg18: memref<1x128xf32, #tpu.memory_space<vmem>>, %arg19: memref<1024x400xf32, #tpu.memory_space<vmem>>) attributes {dimension_semantics = [#tpu.dimension_semantics<arbitrary>], iteration_bounds = array<i64: 98>, scalar_prefetch = 0 : i64, scratch_operands = 0 : i64, tpu.core_type = #tpu.core_type<tc>, window_params = [{transform_indices = @transform_0, window_bounds = array<i64: 1024, 128>}, {transform_indices = @transform_1, window_bounds = array<i64: 1, 1024, 1>}, {pipeline_mode = #tpu.pipeline_mode<synchronous>, transform_indices = @transform_2, window_bounds = array<i64: 128, 128>}, {pipeline_mode = #tpu.pipeline_mode<synchronous>, transform_indices = @transform_3, window_bounds = array<i64: 1, 128>}, {pipeline_mode = #tpu.pipeline_mode<synchronous>, transform_indices = @transform_4, window_bounds = array<i64: 128, 8>}, {pipeline_mode = #tpu.pipeline_mode<synchronous>, transform_indices = @transform_5, window_bounds = array<i64: 1, 8>}, {pipeline_mode = #tpu.pipeline_mode<synchronous>, transform_indices = @transform_6, window_bounds = array<i64: 128, 128>}, {pipeline_mode = #tpu.pipeline_mode<synchronous>, transform_indices = @transform_7, window_bounds = array<i64: 1, 128>}, {pipeline_mode = #tpu.pipeline_mode<synchronous>, transform_indices = @transform_8, window_bounds = array<i64: 128, 128>}, {pipeline_mode = #tpu.pipeline_mode<synchronous>, transform_indices = @transform_9, window_bounds = array<i64: 1, 128>}, {pipeline_mode = #tpu.pipeline_mode<synchronous>, transform_indices = @transform_10, window_bounds = array<i64: 128, 128>}, {pipeline_mode = #tpu.pipeline_mode<synchronous>, transform_indices = @transform_11, window_bounds = array<i64: 1, 128>}, {pipeline_mode = #tpu.pipeline_mode<synchronous>, transform_indices = @transform_12, window_bounds = array<i64: 128, 8>}, {pipeline_mode = #tpu.pipeline_mode<synchronous>, transform_indices = @transform_13, window_bounds = array<i64: 1, 8>}, {pipeline_mode = #tpu.pipeline_mode<synchronous>, transform_indices = @transform_14, window_bounds = array<i64: 128, 128>}, {pipeline_mode = #tpu.pipeline_mode<synchronous>, transform_indices = @transform_15, window_bounds = array<i64: 1, 128>}, {pipeline_mode = #tpu.pipeline_mode<synchronous>, transform_indices = @transform_16, window_bounds = array<i64: 128, 128>}, {pipeline_mode = #tpu.pipeline_mode<synchronous>, transform_indices = @transform_17, window_bounds = array<i64: 1, 128>}, {transform_indices = @transform_18, window_bounds = array<i64: 1024, 400>}]} {
    %get3A = arith.constant 0 : index
    %get3A_0 = arith.constant 0 : index
    %get3A_1 = vector.load %arg1[%get3A, %get3A_0] : memref<1024x128xf32, #tpu.memory_space<vmem>>, vector<1024x128xf32>
    %mul3A = arith.constant 1024 : i32
    %mul3A_2 = arith.muli %arg0, %mul3A : i32
    %iota3A = tpu.iota {dimensions = array<i32: 0>} : vector<1024x1xi32>
    %add3A = vector.broadcast %mul3A_2 : i32 to vector<1024x1xi32>
    %add3A_3 = arith.addi %add3A, %iota3A : vector<1024x1xi32>
    %lt3A = arith.constant 100000 : i32
    %lt3A_4 = vector.broadcast %lt3A : i32 to vector<1024x1xi32>
    %lt3A_5 = arith.cmpi slt, %add3A_3, %lt3A_4 : vector<1024x1xi32>
    %convert_element_type3A = arith.extui %lt3A_5 : vector<1024x1xi1> to vector<1024x1xi32>
    %convert_element_type3A_6 = arith.sitofp %convert_element_type3A : vector<1024x1xi32> to vector<1024x1xf32>
    %iota3A_7 = tpu.iota {dimensions = array<i32: 0>} : vector<8x128xi32>
    %iota3A_8 = tpu.iota {dimensions = array<i32: 1>} : vector<8x128xi32>
    %jit3A = arith.constant 16 : i32
    %div3A = vector.broadcast %jit3A : i32 to vector<8x128xi32>
    %div3A_9 = arith.divsi %iota3A_8, %div3A : vector<8x128xi32>
    %sign3A = arith.constant 0 : i32
    %sign3A_10 = vector.broadcast %sign3A : i32 to vector<8x128xi32>
    %sign3A_11 = arith.cmpi sgt, %iota3A_8, %sign3A_10 : vector<8x128xi32>
    %sign3A_12 = arith.extui %sign3A_11 : vector<8x128xi1> to vector<8x128xi32>
    %sign3A_13 = arith.constant 0 : i32
    %sign3A_14 = vector.broadcast %sign3A_13 : i32 to vector<8x128xi32>
    %sign3A_15 = arith.cmpi slt, %iota3A_8, %sign3A_14 : vector<8x128xi32>
    %sign3A_16 = arith.extui %sign3A_15 : vector<8x128xi1> to vector<8x128xi32>
    %sign3A_17 = arith.subi %sign3A_12, %sign3A_16 : vector<8x128xi32>
    %sign3A_18 = arith.constant 0 : i32
    %sign3A_19 = arith.cmpi sgt, %jit3A, %sign3A_18 : i32
    %sign3A_20 = arith.extui %sign3A_19 : i1 to i32
    %sign3A_21 = arith.constant 0 : i32
    %sign3A_22 = arith.cmpi slt, %jit3A, %sign3A_21 : i32
    %sign3A_23 = arith.extui %sign3A_22 : i1 to i32
    %sign3A_24 = arith.subi %sign3A_20, %sign3A_23 : i32
    %ne3A = vector.broadcast %sign3A_24 : i32 to vector<8x128xi32>
    %ne3A_25 = arith.cmpi ne, %sign3A_17, %ne3A : vector<8x128xi32>
    %rem3A = vector.broadcast %jit3A : i32 to vector<8x128xi32>
    %rem3A_26 = arith.remsi %iota3A_8, %rem3A : vector<8x128xi32>
    %ne3A_27 = arith.constant 0 : i32
    %ne3A_28 = vector.broadcast %ne3A_27 : i32 to vector<8x128xi32>
    %ne3A_29 = arith.cmpi ne, %rem3A_26, %ne3A_28 : vector<8x128xi32>
    %and3A = arith.andi %ne3A_25, %ne3A_29 : vector<8x128xi1>
    %sub3A = arith.constant 1 : i32
    %sub3A_30 = vector.broadcast %sub3A : i32 to vector<8x128xi32>
    %sub3A_31 = arith.subi %div3A_9, %sub3A_30 : vector<8x128xi32>
    %select_n3A = arith.select %and3A, %sub3A_31, %div3A_9 : vector<8x128xi1>, vector<8x128xi32>
    %eq3A = arith.cmpi eq, %iota3A_7, %select_n3A : vector<8x128xi32>
    %convert_element_type3A_32 = arith.extui %eq3A : vector<8x128xi1> to vector<8x128xi32>
    %convert_element_type3A_33 = arith.sitofp %convert_element_type3A_32 : vector<8x128xi32> to vector<8x128xf32>
    %get3A_34 = arith.constant 0 : index
    %get3A_35 = arith.constant 0 : index
    %get3A_36 = vector.load %arg3[%get3A_34, %get3A_35] : memref<128x128xf32, #tpu.memory_space<vmem>>, vector<128x128xf32>
    %dot_general3A = arith.constant dense<0.000000e+00> : vector<1024x128xf32>
    %dot_general3A_37 = tpu.matmul %get3A_1, %get3A_36, %dot_general3A {dimension_numbers = #tpu.dot_dimension_numbers<[1], [0], [0], [1], [0, 0, 1, 1], [], []>, transpose_lhs_hint = false} : vector<1024x128xf32>, vector<128x128xf32>, vector<1024x128xf32> -> vector<1024x128xf32>
    %get3A_38 = arith.constant 0 : index
    %get3A_39 = arith.constant 0 : index
    %get3A_40 = vector.load %arg4[%get3A_38, %get3A_39] : memref<1x128xf32, #tpu.memory_space<vmem>>, vector<1x128xf32>
    %add3A_41 = vector.broadcast %get3A_40 : vector<1x128xf32> to vector<1024x128xf32>
    %add3A_42 = arith.addf %dot_general3A_37, %add3A_41 : vector<1024x128xf32>
    %max3A = arith.constant 0.000000e+00 : f32
    %max3A_43 = vector.broadcast %max3A : f32 to vector<1024x128xf32>
    %max3A_44 = arith.maximumf %add3A_42, %max3A_43 : vector<1024x128xf32>
    %get3A_45 = arith.constant 0 : index
    %get3A_46 = arith.constant 0 : index
    %get3A_47 = vector.load %arg5[%get3A_45, %get3A_46] : memref<128x8xf32, #tpu.memory_space<vmem>>, vector<128x8xf32>
    %dot_general3A_48 = arith.constant dense<0.000000e+00> : vector<1024x8xf32>
    %dot_general3A_49 = tpu.matmul %max3A_44, %get3A_47, %dot_general3A_48 {dimension_numbers = #tpu.dot_dimension_numbers<[1], [0], [0], [1], [0, 0, 1, 1], [], []>, transpose_lhs_hint = false} : vector<1024x128xf32>, vector<128x8xf32>, vector<1024x8xf32> -> vector<1024x8xf32>
    %get3A_50 = arith.constant 0 : index
    %get3A_51 = arith.constant 0 : index
    %get3A_52 = vector.load %arg6[%get3A_50, %get3A_51] : memref<1x8xf32, #tpu.memory_space<vmem>>, vector<1x8xf32>
    %add3A_53 = vector.broadcast %get3A_52 : vector<1x8xf32> to vector<1024x8xf32>
    %add3A_54 = arith.addf %dot_general3A_49, %add3A_53 : vector<1024x8xf32>
    %exp3A = math.exp %add3A_54 : vector<1024x8xf32>
    %mul3A_55 = vector.broadcast %convert_element_type3A_6 : vector<1024x1xf32> to vector<1024x8xf32>
    %mul3A_56 = arith.mulf %exp3A, %mul3A_55 : vector<1024x8xf32>
    %get3A_57 = arith.constant 0 : index
    %get3A_58 = arith.constant 0 : index
    %get3A_59 = vector.load %arg7[%get3A_57, %get3A_58] : memref<128x128xf32, #tpu.memory_space<vmem>>, vector<128x128xf32>
    %dot_general3A_60 = arith.constant dense<0.000000e+00> : vector<1024x128xf32>
    %dot_general3A_61 = tpu.matmul %get3A_1, %get3A_59, %dot_general3A_60 {dimension_numbers = #tpu.dot_dimension_numbers<[1], [0], [0], [1], [0, 0, 1, 1], [], []>, transpose_lhs_hint = false} : vector<1024x128xf32>, vector<128x128xf32>, vector<1024x128xf32> -> vector<1024x128xf32>
    %get3A_62 = arith.constant 0 : index
    %get3A_63 = arith.constant 0 : index
    %get3A_64 = vector.load %arg8[%get3A_62, %get3A_63] : memref<1x128xf32, #tpu.memory_space<vmem>>, vector<1x128xf32>
    %add3A_65 = vector.broadcast %get3A_64 : vector<1x128xf32> to vector<1024x128xf32>
    %add3A_66 = arith.addf %dot_general3A_61, %add3A_65 : vector<1024x128xf32>
    %max3A_67 = arith.constant 0.000000e+00 : f32
    %max3A_68 = vector.broadcast %max3A_67 : f32 to vector<1024x128xf32>
    %max3A_69 = arith.maximumf %add3A_66, %max3A_68 : vector<1024x128xf32>
    %get3A_70 = arith.constant 0 : index
    %get3A_71 = arith.constant 0 : index
    %get3A_72 = vector.load %arg9[%get3A_70, %get3A_71] : memref<128x128xf32, #tpu.memory_space<vmem>>, vector<128x128xf32>
    %dot_general3A_73 = arith.constant dense<0.000000e+00> : vector<1024x128xf32>
    %dot_general3A_74 = tpu.matmul %max3A_69, %get3A_72, %dot_general3A_73 {dimension_numbers = #tpu.dot_dimension_numbers<[1], [0], [0], [1], [0, 0, 1, 1], [], []>, transpose_lhs_hint = false} : vector<1024x128xf32>, vector<128x128xf32>, vector<1024x128xf32> -> vector<1024x128xf32>
    %get3A_75 = arith.constant 0 : index
    %get3A_76 = arith.constant 0 : index
    %get3A_77 = vector.load %arg10[%get3A_75, %get3A_76] : memref<1x128xf32, #tpu.memory_space<vmem>>, vector<1x128xf32>
    %add3A_78 = vector.broadcast %get3A_77 : vector<1x128xf32> to vector<1024x128xf32>
    %add3A_79 = arith.addf %dot_general3A_74, %add3A_78 : vector<1024x128xf32>
    %dot_general3A_80 = arith.constant dense<0.000000e+00> : vector<1024x128xf32>
    %dot_general3A_81 = tpu.matmul %mul3A_56, %convert_element_type3A_33, %dot_general3A_80 {dimension_numbers = #tpu.dot_dimension_numbers<[1], [0], [0], [1], [0, 0, 1, 1], [], []>, transpose_lhs_hint = false} : vector<1024x8xf32>, vector<8x128xf32>, vector<1024x128xf32> -> vector<1024x128xf32>
    %mul3A_82 = arith.mulf %dot_general3A_81, %add3A_79 : vector<1024x128xf32>
    %get3A_83 = arith.constant 0 : index
    %get3A_84 = arith.constant 0 : index
    %get3A_85 = vector.load %arg11[%get3A_83, %get3A_84] : memref<128x128xf32, #tpu.memory_space<vmem>>, vector<128x128xf32>
    %dot_general3A_86 = arith.constant dense<0.000000e+00> : vector<1024x128xf32>
    %dot_general3A_87 = tpu.matmul %get3A_1, %get3A_85, %dot_general3A_86 {dimension_numbers = #tpu.dot_dimension_numbers<[1], [0], [0], [1], [0, 0, 1, 1], [], []>, transpose_lhs_hint = false} : vector<1024x128xf32>, vector<128x128xf32>, vector<1024x128xf32> -> vector<1024x128xf32>
    %get3A_88 = arith.constant 0 : index
    %get3A_89 = arith.constant 0 : index
    %get3A_90 = vector.load %arg12[%get3A_88, %get3A_89] : memref<1x128xf32, #tpu.memory_space<vmem>>, vector<1x128xf32>
    %add3A_91 = vector.broadcast %get3A_90 : vector<1x128xf32> to vector<1024x128xf32>
    %add3A_92 = arith.addf %dot_general3A_87, %add3A_91 : vector<1024x128xf32>
    %max3A_93 = arith.constant 0.000000e+00 : f32
    %max3A_94 = vector.broadcast %max3A_93 : f32 to vector<1024x128xf32>
    %max3A_95 = arith.maximumf %add3A_92, %max3A_94 : vector<1024x128xf32>
    %get3A_96 = arith.constant 0 : index
    %get3A_97 = arith.constant 0 : index
    %get3A_98 = vector.load %arg13[%get3A_96, %get3A_97] : memref<128x8xf32, #tpu.memory_space<vmem>>, vector<128x8xf32>
    %dot_general3A_99 = arith.constant dense<0.000000e+00> : vector<1024x8xf32>
    %dot_general3A_100 = tpu.matmul %max3A_95, %get3A_98, %dot_general3A_99 {dimension_numbers = #tpu.dot_dimension_numbers<[1], [0], [0], [1], [0, 0, 1, 1], [], []>, transpose_lhs_hint = false} : vector<1024x128xf32>, vector<128x8xf32>, vector<1024x8xf32> -> vector<1024x8xf32>
    %get3A_101 = arith.constant 0 : index
    %get3A_102 = arith.constant 0 : index
    %get3A_103 = vector.load %arg14[%get3A_101, %get3A_102] : memref<1x8xf32, #tpu.memory_space<vmem>>, vector<1x8xf32>
    %add3A_104 = vector.broadcast %get3A_103 : vector<1x8xf32> to vector<1024x8xf32>
    %add3A_105 = arith.addf %dot_general3A_100, %add3A_104 : vector<1024x8xf32>
    %neg3A = arith.constant 0.000000e+00 : f32
    %neg3A_106 = vector.broadcast %neg3A : f32 to vector<1024x8xf32>
    %neg3A_107 = arith.subf %neg3A_106, %add3A_105 : vector<1024x8xf32>
    %exp3A_108 = math.exp %neg3A_107 : vector<1024x8xf32>
    %add3A_109 = arith.constant 1.000000e+00 : f32
    %add3A_110 = vector.broadcast %add3A_109 : f32 to vector<1024x8xf32>
    %add3A_111 = arith.addf %add3A_110, %exp3A_108 : vector<1024x8xf32>
    %div3A_112 = vector.broadcast %convert_element_type3A_6 : vector<1024x1xf32> to vector<1024x8xf32>
    %div3A_113 = arith.divf %div3A_112, %add3A_111 : vector<1024x8xf32>
    %get3A_114 = arith.constant 0 : index
    %get3A_115 = arith.constant 0 : index
    %get3A_116 = vector.load %arg15[%get3A_114, %get3A_115] : memref<128x128xf32, #tpu.memory_space<vmem>>, vector<128x128xf32>
    %dot_general3A_117 = arith.constant dense<0.000000e+00> : vector<1024x128xf32>
    %dot_general3A_118 = tpu.matmul %get3A_1, %get3A_116, %dot_general3A_117 {dimension_numbers = #tpu.dot_dimension_numbers<[1], [0], [0], [1], [0, 0, 1, 1], [], []>, transpose_lhs_hint = false} : vector<1024x128xf32>, vector<128x128xf32>, vector<1024x128xf32> -> vector<1024x128xf32>
    %get3A_119 = arith.constant 0 : index
    %get3A_120 = arith.constant 0 : index
    %get3A_121 = vector.load %arg16[%get3A_119, %get3A_120] : memref<1x128xf32, #tpu.memory_space<vmem>>, vector<1x128xf32>
    %add3A_122 = vector.broadcast %get3A_121 : vector<1x128xf32> to vector<1024x128xf32>
    %add3A_123 = arith.addf %dot_general3A_118, %add3A_122 : vector<1024x128xf32>
    %max3A_124 = arith.constant 0.000000e+00 : f32
    %max3A_125 = vector.broadcast %max3A_124 : f32 to vector<1024x128xf32>
    %max3A_126 = arith.maximumf %add3A_123, %max3A_125 : vector<1024x128xf32>
    %get3A_127 = arith.constant 0 : index
    %get3A_128 = arith.constant 0 : index
    %get3A_129 = vector.load %arg17[%get3A_127, %get3A_128] : memref<128x128xf32, #tpu.memory_space<vmem>>, vector<128x128xf32>
    %dot_general3A_130 = arith.constant dense<0.000000e+00> : vector<1024x128xf32>
    %dot_general3A_131 = tpu.matmul %max3A_126, %get3A_129, %dot_general3A_130 {dimension_numbers = #tpu.dot_dimension_numbers<[1], [0], [0], [1], [0, 0, 1, 1], [], []>, transpose_lhs_hint = false} : vector<1024x128xf32>, vector<128x128xf32>, vector<1024x128xf32> -> vector<1024x128xf32>
    %get3A_132 = arith.constant 0 : index
    %get3A_133 = arith.constant 0 : index
    %get3A_134 = vector.load %arg18[%get3A_132, %get3A_133] : memref<1x128xf32, #tpu.memory_space<vmem>>, vector<1x128xf32>
    %add3A_135 = vector.broadcast %get3A_134 : vector<1x128xf32> to vector<1024x128xf32>
    %add3A_136 = arith.addf %dot_general3A_131, %add3A_135 : vector<1024x128xf32>
    %dot_general3A_137 = arith.constant dense<0.000000e+00> : vector<1024x128xf32>
    %dot_general3A_138 = tpu.matmul %div3A_113, %convert_element_type3A_33, %dot_general3A_137 {dimension_numbers = #tpu.dot_dimension_numbers<[1], [0], [0], [1], [0, 0, 1, 1], [], []>, transpose_lhs_hint = false} : vector<1024x8xf32>, vector<8x128xf32>, vector<1024x128xf32> -> vector<1024x128xf32>
    %mul3A_139 = arith.mulf %dot_general3A_138, %add3A_136 : vector<1024x128xf32>
    %gt3A = arith.constant 0.000000e+00 : f32
    %gt3A_140 = vector.broadcast %gt3A : f32 to vector<1024x1xf32>
    %gt3A_141 = arith.cmpf ogt, %convert_element_type3A_6, %gt3A_140 : vector<1024x1xf32>
    %jit3A_142 = arith.constant -3.000000e+38 : f32
    %broadcast_in_dim3A = vector.shape_cast %gt3A_141 : vector<1024x1xi1> to vector<1024x1xi1>
    %broadcast_in_dim3A_143 = vector.broadcast %broadcast_in_dim3A : vector<1024x1xi1> to vector<1024x128xi1>
    %broadcast_in_dim3A_144 = vector.broadcast %jit3A_142 : f32 to vector<1024x128xf32>
    %select_n3A_145 = arith.select %broadcast_in_dim3A_143, %get3A_1, %broadcast_in_dim3A_144 : vector<1024x128xi1>, vector<1024x128xf32>
    %broadcast_in_dim3A_146 = arith.constant 0.000000e+00 : f32
    %broadcast_in_dim3A_147 = vector.broadcast %broadcast_in_dim3A_146 : f32 to vector<1024x8xf32>
    %concatenate3A = tpu.concatenate %mul3A_82, %mul3A_139, %select_n3A_145, %mul3A_56, %broadcast_in_dim3A_147 in 1 : vector<1024x128xf32>, vector<1024x128xf32>, vector<1024x128xf32>, vector<1024x8xf32>, vector<1024x8xf32> -> vector<1024x400xf32>
    %swap3A = arith.constant 0 : index
    %swap3A_148 = arith.constant 0 : index
    %swap3A_149 = vector.load %arg19[%swap3A, %swap3A_148] : memref<1024x400xf32, #tpu.memory_space<vmem>>, vector<1024x400xf32>
    tpu.vector_store %arg19[%swap3A, %swap3A_148], %concatenate3A {strides = array<i32>} : memref<1024x400xf32, #tpu.memory_space<vmem>>, vector<1024x400xf32>,
    return
  }
  func.func @transform_0(%arg0: i32) -> (i32, i32) {
    %c0_i32 = arith.constant 0 : i32
    %c0_i32_0 = arith.constant 0 : i32
    return %arg0, %c0_i32 : i32, i32
  }
  func.func @transform_1(%arg0: i32) -> (i32, i32, i32) {
    %c0_i32 = arith.constant 0 : i32
    %c0_i32_0 = arith.constant 0 : i32
    %c0_i32_1 = arith.constant 0 : i32
    return %arg0, %c0_i32, %c0_i32_0 : i32, i32, i32
  }
  func.func @transform_2(%arg0: i32) -> (i32, i32) {
    %c0_i32 = arith.constant 0 : i32
    %c0_i32_0 = arith.constant 0 : i32
    %c0_i32_1 = arith.constant 0 : i32
    return %c0_i32, %c0_i32_0 : i32, i32
  }
  func.func @transform_3(%arg0: i32) -> (i32, i32) {
    %c0_i32 = arith.constant 0 : i32
    %c0_i32_0 = arith.constant 0 : i32
    %c0_i32_1 = arith.constant 0 : i32
    return %c0_i32, %c0_i32_0 : i32, i32
  }
  func.func @transform_4(%arg0: i32) -> (i32, i32) {
    %c0_i32 = arith.constant 0 : i32
    %c0_i32_0 = arith.constant 0 : i32
    %c0_i32_1 = arith.constant 0 : i32
    return %c0_i32, %c0_i32_0 : i32, i32
  }
  func.func @transform_5(%arg0: i32) -> (i32, i32) {
    %c0_i32 = arith.constant 0 : i32
    %c0_i32_0 = arith.constant 0 : i32
    %c0_i32_1 = arith.constant 0 : i32
    return %c0_i32, %c0_i32_0 : i32, i32
  }
  func.func @transform_6(%arg0: i32) -> (i32, i32) {
    %c0_i32 = arith.constant 0 : i32
    %c0_i32_0 = arith.constant 0 : i32
    %c0_i32_1 = arith.constant 0 : i32
    return %c0_i32, %c0_i32_0 : i32, i32
  }
  func.func @transform_7(%arg0: i32) -> (i32, i32) {
    %c0_i32 = arith.constant 0 : i32
    %c0_i32_0 = arith.constant 0 : i32
    %c0_i32_1 = arith.constant 0 : i32
    return %c0_i32, %c0_i32_0 : i32, i32
  }
  func.func @transform_8(%arg0: i32) -> (i32, i32) {
    %c0_i32 = arith.constant 0 : i32
    %c0_i32_0 = arith.constant 0 : i32
    %c0_i32_1 = arith.constant 0 : i32
    return %c0_i32, %c0_i32_0 : i32, i32
  }
  func.func @transform_9(%arg0: i32) -> (i32, i32) {
    %c0_i32 = arith.constant 0 : i32
    %c0_i32_0 = arith.constant 0 : i32
    %c0_i32_1 = arith.constant 0 : i32
    return %c0_i32, %c0_i32_0 : i32, i32
  }
  func.func @transform_10(%arg0: i32) -> (i32, i32) {
    %c0_i32 = arith.constant 0 : i32
    %c0_i32_0 = arith.constant 0 : i32
    %c0_i32_1 = arith.constant 0 : i32
    return %c0_i32, %c0_i32_0 : i32, i32
  }
  func.func @transform_11(%arg0: i32) -> (i32, i32) {
    %c0_i32 = arith.constant 0 : i32
    %c0_i32_0 = arith.constant 0 : i32
    %c0_i32_1 = arith.constant 0 : i32
    return %c0_i32, %c0_i32_0 : i32, i32
  }
  func.func @transform_12(%arg0: i32) -> (i32, i32) {
    %c0_i32 = arith.constant 0 : i32
    %c0_i32_0 = arith.constant 0 : i32
    %c0_i32_1 = arith.constant 0 : i32
    return %c0_i32, %c0_i32_0 : i32, i32
  }
  func.func @transform_13(%arg0: i32) -> (i32, i32) {
    %c0_i32 = arith.constant 0 : i32
    %c0_i32_0 = arith.constant 0 : i32
    %c0_i32_1 = arith.constant 0 : i32
    return %c0_i32, %c0_i32_0 : i32, i32
  }
  func.func @transform_14(%arg0: i32) -> (i32, i32) {
    %c0_i32 = arith.constant 0 : i32
    %c0_i32_0 = arith.constant 0 : i32
    %c0_i32_1 = arith.constant 0 : i32
    return %c0_i32, %c0_i32_0 : i32, i32
  }
  func.func @transform_15(%arg0: i32) -> (i32, i32) {
    %c0_i32 = arith.constant 0 : i32
    %c0_i32_0 = arith.constant 0 : i32
    %c0_i32_1 = arith.constant 0 : i32
    return %c0_i32, %c0_i32_0 : i32, i32
  }
  func.func @transform_16(%arg0: i32) -> (i32, i32) {
    %c0_i32 = arith.constant 0 : i32
    %c0_i32_0 = arith.constant 0 : i32
    %c0_i32_1 = arith.constant 0 : i32
    return %c0_i32, %c0_i32_0 : i32, i32
  }
  func.func @transform_17(%arg0: i32) -> (i32, i32) {
    %c0_i32 = arith.constant 0 : i32
    %c0_i32_0 = arith.constant 0 : i32
    %c0_i32_1 = arith.constant 0 : i32
    return %c0_i32, %c0_i32_0 : i32, i32
  }
  func.func @transform_18(%arg0: i32) -> (i32, i32) {
    %c0_i32 = arith.constant 0 : i32
    %c0_i32_0 = arith.constant 0 : i32
    return %arg0, %c0_i32 : i32, i32
  }
}

module attributes {stable_mosaic.version = 14 : i64} {
  func.func @_final_body(%arg0: memref<1024x128xf32, #tpu.memory_space<vmem>>, %arg1: memref<1024x128xf32, #tpu.memory_space<vmem>>, %arg2: memref<1024x128xf32, #tpu.memory_space<vmem>>, %arg3: memref<1024x128xf32, #tpu.memory_space<vmem>>, %arg4: memref<64x128xf32, #tpu.memory_space<vmem>>, %arg5: memref<64x128xf32, #tpu.memory_space<vmem>>, %arg6: memref<64x128xf32, #tpu.memory_space<vmem>>, %arg7: memref<64x128xf32, #tpu.memory_space<vmem>>, %arg8: memref<1x64xf32, #tpu.memory_space<vmem>>, %arg9: memref<128x128xf32, #tpu.memory_space<vmem>>, %arg10: memref<128x128xf32, #tpu.memory_space<vmem>>, %arg11: memref<128x128xf32, #tpu.memory_space<vmem>>, %arg12: memref<384x128xf32, #tpu.memory_space<vmem>>, %arg13: memref<1024x128xf32, #tpu.memory_space<vmem>>) attributes {dimension_semantics = [], scalar_prefetch = 0 : i64, scratch_operands = 0 : i64, tpu.core_type = #tpu.core_type<tc>} {
    %get3A = arith.constant 0 : index
    %get3A_0 = arith.constant 0 : index
    %get3A_1 = vector.load %arg8[%get3A, %get3A_0] : memref<1x64xf32, #tpu.memory_space<vmem>>, vector<1x64xf32>
    %iota3A = tpu.iota {dimensions = array<i32: 0>} : vector<1024x64xi32>
    %convert_element_type3A = arith.fptosi %get3A_1 : vector<1x64xf32> to vector<1x64xi32>
    %eq3A = vector.broadcast %convert_element_type3A : vector<1x64xi32> to vector<1024x64xi32>
    %eq3A_2 = arith.cmpi eq, %iota3A, %eq3A : vector<1024x64xi32>
    %convert_element_type3A_3 = arith.extui %eq3A_2 : vector<1024x64xi1> to vector<1024x64xi32>
    %convert_element_type3A_4 = arith.sitofp %convert_element_type3A_3 : vector<1024x64xi32> to vector<1024x64xf32>
    %get3A_5 = arith.constant 0 : index
    %get3A_6 = arith.constant 0 : index
    %get3A_7 = vector.load %arg0[%get3A_5, %get3A_6] : memref<1024x128xf32, #tpu.memory_space<vmem>>, vector<1024x128xf32>
    %get3A_8 = arith.constant 0 : index
    %get3A_9 = arith.constant 0 : index
    %get3A_10 = vector.load %arg4[%get3A_8, %get3A_9] : memref<64x128xf32, #tpu.memory_space<vmem>>, vector<64x128xf32>
    %dot_general3A = arith.constant dense<0.000000e+00> : vector<1024x128xf32>
    %dot_general3A_11 = tpu.matmul %convert_element_type3A_4, %get3A_10, %dot_general3A {dimension_numbers = #tpu.dot_dimension_numbers<[1], [0], [0], [1], [0, 0, 1, 1], [], []>, transpose_lhs_hint = false} : vector<1024x64xf32>, vector<64x128xf32>, vector<1024x128xf32> -> vector<1024x128xf32>
    %add3A = arith.addf %get3A_7, %dot_general3A_11 : vector<1024x128xf32>
    %get3A_12 = arith.constant 0 : index
    %get3A_13 = arith.constant 0 : index
    %get3A_14 = vector.load %arg1[%get3A_12, %get3A_13] : memref<1024x128xf32, #tpu.memory_space<vmem>>, vector<1024x128xf32>
    %get3A_15 = arith.constant 0 : index
    %get3A_16 = arith.constant 0 : index
    %get3A_17 = vector.load %arg5[%get3A_15, %get3A_16] : memref<64x128xf32, #tpu.memory_space<vmem>>, vector<64x128xf32>
    %dot_general3A_18 = arith.constant dense<0.000000e+00> : vector<1024x128xf32>
    %dot_general3A_19 = tpu.matmul %convert_element_type3A_4, %get3A_17, %dot_general3A_18 {dimension_numbers = #tpu.dot_dimension_numbers<[1], [0], [0], [1], [0, 0, 1, 1], [], []>, transpose_lhs_hint = false} : vector<1024x64xf32>, vector<64x128xf32>, vector<1024x128xf32> -> vector<1024x128xf32>
    %add3A_20 = arith.addf %get3A_14, %dot_general3A_19 : vector<1024x128xf32>
    %get3A_21 = arith.constant 0 : index
    %get3A_22 = arith.constant 0 : index
    %get3A_23 = vector.load %arg3[%get3A_21, %get3A_22] : memref<1024x128xf32, #tpu.memory_space<vmem>>, vector<1024x128xf32>
    %get3A_24 = arith.constant 0 : index
    %get3A_25 = arith.constant 0 : index
    %get3A_26 = vector.load %arg7[%get3A_24, %get3A_25] : memref<64x128xf32, #tpu.memory_space<vmem>>, vector<64x128xf32>
    %dot_general3A_27 = arith.constant dense<0.000000e+00> : vector<1024x128xf32>
    %dot_general3A_28 = tpu.matmul %convert_element_type3A_4, %get3A_26, %dot_general3A_27 {dimension_numbers = #tpu.dot_dimension_numbers<[1], [0], [0], [1], [0, 0, 1, 1], [], []>, transpose_lhs_hint = false} : vector<1024x64xf32>, vector<64x128xf32>, vector<1024x128xf32> -> vector<1024x128xf32>
    %add3A_29 = arith.addf %get3A_23, %dot_general3A_28 : vector<1024x128xf32>
    %slice3A = vector.extract_strided_slice %add3A_29 {offsets = [0, 0], sizes = [1024, 8], strides = [1, 1]} : vector<1024x128xf32> to vector<1024x8xf32>
    %get3A_30 = arith.constant 0 : index
    %get3A_31 = arith.constant 0 : index
    %get3A_32 = vector.load %arg2[%get3A_30, %get3A_31] : memref<1024x128xf32, #tpu.memory_space<vmem>>, vector<1024x128xf32>
    %get3A_33 = arith.constant 0 : index
    %get3A_34 = arith.constant 0 : index
    %get3A_35 = vector.load %arg6[%get3A_33, %get3A_34] : memref<64x128xf32, #tpu.memory_space<vmem>>, vector<64x128xf32>
    %slice3A_36 = vector.extract_strided_slice %convert_element_type3A_4 {offsets = [0, 0], sizes = [1024, 1], strides = [1, 1]} : vector<1024x64xf32> to vector<1024x1xf32>
    %gt3A = arith.constant 5.000000e-01 : f32
    %gt3A_37 = vector.broadcast %gt3A : f32 to vector<1024x1xf32>
    %gt3A_38 = arith.cmpf ogt, %slice3A_36, %gt3A_37 : vector<1024x1xf32>
    %slice3A_39 = vector.extract_strided_slice %get3A_35 {offsets = [0, 0], sizes = [1, 128], strides = [1, 1]} : vector<64x128xf32> to vector<1x128xf32>
    %jit3A = arith.constant -3.000000e+38 : f32
    %broadcast_in_dim3A = vector.shape_cast %gt3A_38 : vector<1024x1xi1> to vector<1024x1xi1>
    %broadcast_in_dim3A_40 = vector.broadcast %broadcast_in_dim3A : vector<1024x1xi1> to vector<1024x128xi1>
    %broadcast_in_dim3A_41 = vector.shape_cast %slice3A_39 : vector<1x128xf32> to vector<1x128xf32>
    %broadcast_in_dim3A_42 = vector.broadcast %broadcast_in_dim3A_41 : vector<1x128xf32> to vector<1024x128xf32>
    %broadcast_in_dim3A_43 = vector.broadcast %jit3A : f32 to vector<1024x128xf32>
    %select_n3A = arith.select %broadcast_in_dim3A_40, %broadcast_in_dim3A_42, %broadcast_in_dim3A_43 : vector<1024x128xi1>, vector<1024x128xf32>
    %max3A = arith.maximumf %get3A_32, %select_n3A : vector<1024x128xf32>
    %slice3A_44 = vector.extract_strided_slice %convert_element_type3A_4 {offsets = [0, 1], sizes = [1024, 1], strides = [1, 1]} : vector<1024x64xf32> to vector<1024x1xf32>
    %gt3A_45 = arith.constant 5.000000e-01 : f32
    %gt3A_46 = vector.broadcast %gt3A_45 : f32 to vector<1024x1xf32>
    %gt3A_47 = arith.cmpf ogt, %slice3A_44, %gt3A_46 : vector<1024x1xf32>
    %slice3A_48 = vector.extract_strided_slice %get3A_35 {offsets = [1, 0], sizes = [1, 128], strides = [1, 1]} : vector<64x128xf32> to vector<1x128xf32>
    %jit3A_49 = arith.constant -3.000000e+38 : f32
    %broadcast_in_dim3A_50 = vector.shape_cast %gt3A_47 : vector<1024x1xi1> to vector<1024x1xi1>
    %broadcast_in_dim3A_51 = vector.broadcast %broadcast_in_dim3A_50 : vector<1024x1xi1> to vector<1024x128xi1>
    %broadcast_in_dim3A_52 = vector.shape_cast %slice3A_48 : vector<1x128xf32> to vector<1x128xf32>
    %broadcast_in_dim3A_53 = vector.broadcast %broadcast_in_dim3A_52 : vector<1x128xf32> to vector<1024x128xf32>
    %broadcast_in_dim3A_54 = vector.broadcast %jit3A_49 : f32 to vector<1024x128xf32>
    %select_n3A_55 = arith.select %broadcast_in_dim3A_51, %broadcast_in_dim3A_53, %broadcast_in_dim3A_54 : vector<1024x128xi1>, vector<1024x128xf32>
    %max3A_56 = arith.maximumf %max3A, %select_n3A_55 : vector<1024x128xf32>
    %slice3A_57 = vector.extract_strided_slice %convert_element_type3A_4 {offsets = [0, 2], sizes = [1024, 1], strides = [1, 1]} : vector<1024x64xf32> to vector<1024x1xf32>
    %gt3A_58 = arith.constant 5.000000e-01 : f32
    %gt3A_59 = vector.broadcast %gt3A_58 : f32 to vector<1024x1xf32>
    %gt3A_60 = arith.cmpf ogt, %slice3A_57, %gt3A_59 : vector<1024x1xf32>
    %slice3A_61 = vector.extract_strided_slice %get3A_35 {offsets = [2, 0], sizes = [1, 128], strides = [1, 1]} : vector<64x128xf32> to vector<1x128xf32>
    %jit3A_62 = arith.constant -3.000000e+38 : f32
    %broadcast_in_dim3A_63 = vector.shape_cast %gt3A_60 : vector<1024x1xi1> to vector<1024x1xi1>
    %broadcast_in_dim3A_64 = vector.broadcast %broadcast_in_dim3A_63 : vector<1024x1xi1> to vector<1024x128xi1>
    %broadcast_in_dim3A_65 = vector.shape_cast %slice3A_61 : vector<1x128xf32> to vector<1x128xf32>
    %broadcast_in_dim3A_66 = vector.broadcast %broadcast_in_dim3A_65 : vector<1x128xf32> to vector<1024x128xf32>
    %broadcast_in_dim3A_67 = vector.broadcast %jit3A_62 : f32 to vector<1024x128xf32>
    %select_n3A_68 = arith.select %broadcast_in_dim3A_64, %broadcast_in_dim3A_66, %broadcast_in_dim3A_67 : vector<1024x128xi1>, vector<1024x128xf32>
    %max3A_69 = arith.maximumf %max3A_56, %select_n3A_68 : vector<1024x128xf32>
    %slice3A_70 = vector.extract_strided_slice %convert_element_type3A_4 {offsets = [0, 3], sizes = [1024, 1], strides = [1, 1]} : vector<1024x64xf32> to vector<1024x1xf32>
    %gt3A_71 = arith.constant 5.000000e-01 : f32
    %gt3A_72 = vector.broadcast %gt3A_71 : f32 to vector<1024x1xf32>
    %gt3A_73 = arith.cmpf ogt, %slice3A_70, %gt3A_72 : vector<1024x1xf32>
    %slice3A_74 = vector.extract_strided_slice %get3A_35 {offsets = [3, 0], sizes = [1, 128], strides = [1, 1]} : vector<64x128xf32> to vector<1x128xf32>
    %jit3A_75 = arith.constant -3.000000e+38 : f32
    %broadcast_in_dim3A_76 = vector.shape_cast %gt3A_73 : vector<1024x1xi1> to vector<1024x1xi1>
    %broadcast_in_dim3A_77 = vector.broadcast %broadcast_in_dim3A_76 : vector<1024x1xi1> to vector<1024x128xi1>
    %broadcast_in_dim3A_78 = vector.shape_cast %slice3A_74 : vector<1x128xf32> to vector<1x128xf32>
    %broadcast_in_dim3A_79 = vector.broadcast %broadcast_in_dim3A_78 : vector<1x128xf32> to vector<1024x128xf32>
    %broadcast_in_dim3A_80 = vector.broadcast %jit3A_75 : f32 to vector<1024x128xf32>
    %select_n3A_81 = arith.select %broadcast_in_dim3A_77, %broadcast_in_dim3A_79, %broadcast_in_dim3A_80 : vector<1024x128xi1>, vector<1024x128xf32>
    %max3A_82 = arith.maximumf %max3A_69, %select_n3A_81 : vector<1024x128xf32>
    %slice3A_83 = vector.extract_strided_slice %convert_element_type3A_4 {offsets = [0, 4], sizes = [1024, 1], strides = [1, 1]} : vector<1024x64xf32> to vector<1024x1xf32>
    %gt3A_84 = arith.constant 5.000000e-01 : f32
    %gt3A_85 = vector.broadcast %gt3A_84 : f32 to vector<1024x1xf32>
    %gt3A_86 = arith.cmpf ogt, %slice3A_83, %gt3A_85 : vector<1024x1xf32>
    %slice3A_87 = vector.extract_strided_slice %get3A_35 {offsets = [4, 0], sizes = [1, 128], strides = [1, 1]} : vector<64x128xf32> to vector<1x128xf32>
    %jit3A_88 = arith.constant -3.000000e+38 : f32
    %broadcast_in_dim3A_89 = vector.shape_cast %gt3A_86 : vector<1024x1xi1> to vector<1024x1xi1>
    %broadcast_in_dim3A_90 = vector.broadcast %broadcast_in_dim3A_89 : vector<1024x1xi1> to vector<1024x128xi1>
    %broadcast_in_dim3A_91 = vector.shape_cast %slice3A_87 : vector<1x128xf32> to vector<1x128xf32>
    %broadcast_in_dim3A_92 = vector.broadcast %broadcast_in_dim3A_91 : vector<1x128xf32> to vector<1024x128xf32>
    %broadcast_in_dim3A_93 = vector.broadcast %jit3A_88 : f32 to vector<1024x128xf32>
    %select_n3A_94 = arith.select %broadcast_in_dim3A_90, %broadcast_in_dim3A_92, %broadcast_in_dim3A_93 : vector<1024x128xi1>, vector<1024x128xf32>
    %max3A_95 = arith.maximumf %max3A_82, %select_n3A_94 : vector<1024x128xf32>
    %slice3A_96 = vector.extract_strided_slice %convert_element_type3A_4 {offsets = [0, 5], sizes = [1024, 1], strides = [1, 1]} : vector<1024x64xf32> to vector<1024x1xf32>
    %gt3A_97 = arith.constant 5.000000e-01 : f32
    %gt3A_98 = vector.broadcast %gt3A_97 : f32 to vector<1024x1xf32>
    %gt3A_99 = arith.cmpf ogt, %slice3A_96, %gt3A_98 : vector<1024x1xf32>
    %slice3A_100 = vector.extract_strided_slice %get3A_35 {offsets = [5, 0], sizes = [1, 128], strides = [1, 1]} : vector<64x128xf32> to vector<1x128xf32>
    %jit3A_101 = arith.constant -3.000000e+38 : f32
    %broadcast_in_dim3A_102 = vector.shape_cast %gt3A_99 : vector<1024x1xi1> to vector<1024x1xi1>
    %broadcast_in_dim3A_103 = vector.broadcast %broadcast_in_dim3A_102 : vector<1024x1xi1> to vector<1024x128xi1>
    %broadcast_in_dim3A_104 = vector.shape_cast %slice3A_100 : vector<1x128xf32> to vector<1x128xf32>
    %broadcast_in_dim3A_105 = vector.broadcast %broadcast_in_dim3A_104 : vector<1x128xf32> to vector<1024x128xf32>
    %broadcast_in_dim3A_106 = vector.broadcast %jit3A_101 : f32 to vector<1024x128xf32>
    %select_n3A_107 = arith.select %broadcast_in_dim3A_103, %broadcast_in_dim3A_105, %broadcast_in_dim3A_106 : vector<1024x128xi1>, vector<1024x128xf32>
    %max3A_108 = arith.maximumf %max3A_95, %select_n3A_107 : vector<1024x128xf32>
    %slice3A_109 = vector.extract_strided_slice %convert_element_type3A_4 {offsets = [0, 6], sizes = [1024, 1], strides = [1, 1]} : vector<1024x64xf32> to vector<1024x1xf32>
    %gt3A_110 = arith.constant 5.000000e-01 : f32
    %gt3A_111 = vector.broadcast %gt3A_110 : f32 to vector<1024x1xf32>
    %gt3A_112 = arith.cmpf ogt, %slice3A_109, %gt3A_111 : vector<1024x1xf32>
    %slice3A_113 = vector.extract_strided_slice %get3A_35 {offsets = [6, 0], sizes = [1, 128], strides = [1, 1]} : vector<64x128xf32> to vector<1x128xf32>
    %jit3A_114 = arith.constant -3.000000e+38 : f32
    %broadcast_in_dim3A_115 = vector.shape_cast %gt3A_112 : vector<1024x1xi1> to vector<1024x1xi1>
    %broadcast_in_dim3A_116 = vector.broadcast %broadcast_in_dim3A_115 : vector<1024x1xi1> to vector<1024x128xi1>
    %broadcast_in_dim3A_117 = vector.shape_cast %slice3A_113 : vector<1x128xf32> to vector<1x128xf32>
    %broadcast_in_dim3A_118 = vector.broadcast %broadcast_in_dim3A_117 : vector<1x128xf32> to vector<1024x128xf32>
    %broadcast_in_dim3A_119 = vector.broadcast %jit3A_114 : f32 to vector<1024x128xf32>
    %select_n3A_120 = arith.select %broadcast_in_dim3A_116, %broadcast_in_dim3A_118, %broadcast_in_dim3A_119 : vector<1024x128xi1>, vector<1024x128xf32>
    %max3A_121 = arith.maximumf %max3A_108, %select_n3A_120 : vector<1024x128xf32>
    %slice3A_122 = vector.extract_strided_slice %convert_element_type3A_4 {offsets = [0, 7], sizes = [1024, 1], strides = [1, 1]} : vector<1024x64xf32> to vector<1024x1xf32>
    %gt3A_123 = arith.constant 5.000000e-01 : f32
    %gt3A_124 = vector.broadcast %gt3A_123 : f32 to vector<1024x1xf32>
    %gt3A_125 = arith.cmpf ogt, %slice3A_122, %gt3A_124 : vector<1024x1xf32>
    %slice3A_126 = vector.extract_strided_slice %get3A_35 {offsets = [7, 0], sizes = [1, 128], strides = [1, 1]} : vector<64x128xf32> to vector<1x128xf32>
    %jit3A_127 = arith.constant -3.000000e+38 : f32
    %broadcast_in_dim3A_128 = vector.shape_cast %gt3A_125 : vector<1024x1xi1> to vector<1024x1xi1>
    %broadcast_in_dim3A_129 = vector.broadcast %broadcast_in_dim3A_128 : vector<1024x1xi1> to vector<1024x128xi1>
    %broadcast_in_dim3A_130 = vector.shape_cast %slice3A_126 : vector<1x128xf32> to vector<1x128xf32>
    %broadcast_in_dim3A_131 = vector.broadcast %broadcast_in_dim3A_130 : vector<1x128xf32> to vector<1024x128xf32>
    %broadcast_in_dim3A_132 = vector.broadcast %jit3A_127 : f32 to vector<1024x128xf32>
    %select_n3A_133 = arith.select %broadcast_in_dim3A_129, %broadcast_in_dim3A_131, %broadcast_in_dim3A_132 : vector<1024x128xi1>, vector<1024x128xf32>
    %max3A_134 = arith.maximumf %max3A_121, %select_n3A_133 : vector<1024x128xf32>
    %slice3A_135 = vector.extract_strided_slice %convert_element_type3A_4 {offsets = [0, 8], sizes = [1024, 1], strides = [1, 1]} : vector<1024x64xf32> to vector<1024x1xf32>
    %gt3A_136 = arith.constant 5.000000e-01 : f32
    %gt3A_137 = vector.broadcast %gt3A_136 : f32 to vector<1024x1xf32>
    %gt3A_138 = arith.cmpf ogt, %slice3A_135, %gt3A_137 : vector<1024x1xf32>
    %slice3A_139 = vector.extract_strided_slice %get3A_35 {offsets = [8, 0], sizes = [1, 128], strides = [1, 1]} : vector<64x128xf32> to vector<1x128xf32>
    %jit3A_140 = arith.constant -3.000000e+38 : f32
    %broadcast_in_dim3A_141 = vector.shape_cast %gt3A_138 : vector<1024x1xi1> to vector<1024x1xi1>
    %broadcast_in_dim3A_142 = vector.broadcast %broadcast_in_dim3A_141 : vector<1024x1xi1> to vector<1024x128xi1>
    %broadcast_in_dim3A_143 = vector.shape_cast %slice3A_139 : vector<1x128xf32> to vector<1x128xf32>
    %broadcast_in_dim3A_144 = vector.broadcast %broadcast_in_dim3A_143 : vector<1x128xf32> to vector<1024x128xf32>
    %broadcast_in_dim3A_145 = vector.broadcast %jit3A_140 : f32 to vector<1024x128xf32>
    %select_n3A_146 = arith.select %broadcast_in_dim3A_142, %broadcast_in_dim3A_144, %broadcast_in_dim3A_145 : vector<1024x128xi1>, vector<1024x128xf32>
    %max3A_147 = arith.maximumf %max3A_134, %select_n3A_146 : vector<1024x128xf32>
    %slice3A_148 = vector.extract_strided_slice %convert_element_type3A_4 {offsets = [0, 9], sizes = [1024, 1], strides = [1, 1]} : vector<1024x64xf32> to vector<1024x1xf32>
    %gt3A_149 = arith.constant 5.000000e-01 : f32
    %gt3A_150 = vector.broadcast %gt3A_149 : f32 to vector<1024x1xf32>
    %gt3A_151 = arith.cmpf ogt, %slice3A_148, %gt3A_150 : vector<1024x1xf32>
    %slice3A_152 = vector.extract_strided_slice %get3A_35 {offsets = [9, 0], sizes = [1, 128], strides = [1, 1]} : vector<64x128xf32> to vector<1x128xf32>
    %jit3A_153 = arith.constant -3.000000e+38 : f32
    %broadcast_in_dim3A_154 = vector.shape_cast %gt3A_151 : vector<1024x1xi1> to vector<1024x1xi1>
    %broadcast_in_dim3A_155 = vector.broadcast %broadcast_in_dim3A_154 : vector<1024x1xi1> to vector<1024x128xi1>
    %broadcast_in_dim3A_156 = vector.shape_cast %slice3A_152 : vector<1x128xf32> to vector<1x128xf32>
    %broadcast_in_dim3A_157 = vector.broadcast %broadcast_in_dim3A_156 : vector<1x128xf32> to vector<1024x128xf32>
    %broadcast_in_dim3A_158 = vector.broadcast %jit3A_153 : f32 to vector<1024x128xf32>
    %select_n3A_159 = arith.select %broadcast_in_dim3A_155, %broadcast_in_dim3A_157, %broadcast_in_dim3A_158 : vector<1024x128xi1>, vector<1024x128xf32>
    %max3A_160 = arith.maximumf %max3A_147, %select_n3A_159 : vector<1024x128xf32>
    %slice3A_161 = vector.extract_strided_slice %convert_element_type3A_4 {offsets = [0, 10], sizes = [1024, 1], strides = [1, 1]} : vector<1024x64xf32> to vector<1024x1xf32>
    %gt3A_162 = arith.constant 5.000000e-01 : f32
    %gt3A_163 = vector.broadcast %gt3A_162 : f32 to vector<1024x1xf32>
    %gt3A_164 = arith.cmpf ogt, %slice3A_161, %gt3A_163 : vector<1024x1xf32>
    %slice3A_165 = vector.extract_strided_slice %get3A_35 {offsets = [10, 0], sizes = [1, 128], strides = [1, 1]} : vector<64x128xf32> to vector<1x128xf32>
    %jit3A_166 = arith.constant -3.000000e+38 : f32
    %broadcast_in_dim3A_167 = vector.shape_cast %gt3A_164 : vector<1024x1xi1> to vector<1024x1xi1>
    %broadcast_in_dim3A_168 = vector.broadcast %broadcast_in_dim3A_167 : vector<1024x1xi1> to vector<1024x128xi1>
    %broadcast_in_dim3A_169 = vector.shape_cast %slice3A_165 : vector<1x128xf32> to vector<1x128xf32>
    %broadcast_in_dim3A_170 = vector.broadcast %broadcast_in_dim3A_169 : vector<1x128xf32> to vector<1024x128xf32>
    %broadcast_in_dim3A_171 = vector.broadcast %jit3A_166 : f32 to vector<1024x128xf32>
    %select_n3A_172 = arith.select %broadcast_in_dim3A_168, %broadcast_in_dim3A_170, %broadcast_in_dim3A_171 : vector<1024x128xi1>, vector<1024x128xf32>
    %max3A_173 = arith.maximumf %max3A_160, %select_n3A_172 : vector<1024x128xf32>
    %slice3A_174 = vector.extract_strided_slice %convert_element_type3A_4 {offsets = [0, 11], sizes = [1024, 1], strides = [1, 1]} : vector<1024x64xf32> to vector<1024x1xf32>
    %gt3A_175 = arith.constant 5.000000e-01 : f32
    %gt3A_176 = vector.broadcast %gt3A_175 : f32 to vector<1024x1xf32>
    %gt3A_177 = arith.cmpf ogt, %slice3A_174, %gt3A_176 : vector<1024x1xf32>
    %slice3A_178 = vector.extract_strided_slice %get3A_35 {offsets = [11, 0], sizes = [1, 128], strides = [1, 1]} : vector<64x128xf32> to vector<1x128xf32>
    %jit3A_179 = arith.constant -3.000000e+38 : f32
    %broadcast_in_dim3A_180 = vector.shape_cast %gt3A_177 : vector<1024x1xi1> to vector<1024x1xi1>
    %broadcast_in_dim3A_181 = vector.broadcast %broadcast_in_dim3A_180 : vector<1024x1xi1> to vector<1024x128xi1>
    %broadcast_in_dim3A_182 = vector.shape_cast %slice3A_178 : vector<1x128xf32> to vector<1x128xf32>
    %broadcast_in_dim3A_183 = vector.broadcast %broadcast_in_dim3A_182 : vector<1x128xf32> to vector<1024x128xf32>
    %broadcast_in_dim3A_184 = vector.broadcast %jit3A_179 : f32 to vector<1024x128xf32>
    %select_n3A_185 = arith.select %broadcast_in_dim3A_181, %broadcast_in_dim3A_183, %broadcast_in_dim3A_184 : vector<1024x128xi1>, vector<1024x128xf32>
    %max3A_186 = arith.maximumf %max3A_173, %select_n3A_185 : vector<1024x128xf32>
    %slice3A_187 = vector.extract_strided_slice %convert_element_type3A_4 {offsets = [0, 12], sizes = [1024, 1], strides = [1, 1]} : vector<1024x64xf32> to vector<1024x1xf32>
    %gt3A_188 = arith.constant 5.000000e-01 : f32
    %gt3A_189 = vector.broadcast %gt3A_188 : f32 to vector<1024x1xf32>
    %gt3A_190 = arith.cmpf ogt, %slice3A_187, %gt3A_189 : vector<1024x1xf32>
    %slice3A_191 = vector.extract_strided_slice %get3A_35 {offsets = [12, 0], sizes = [1, 128], strides = [1, 1]} : vector<64x128xf32> to vector<1x128xf32>
    %jit3A_192 = arith.constant -3.000000e+38 : f32
    %broadcast_in_dim3A_193 = vector.shape_cast %gt3A_190 : vector<1024x1xi1> to vector<1024x1xi1>
    %broadcast_in_dim3A_194 = vector.broadcast %broadcast_in_dim3A_193 : vector<1024x1xi1> to vector<1024x128xi1>
    %broadcast_in_dim3A_195 = vector.shape_cast %slice3A_191 : vector<1x128xf32> to vector<1x128xf32>
    %broadcast_in_dim3A_196 = vector.broadcast %broadcast_in_dim3A_195 : vector<1x128xf32> to vector<1024x128xf32>
    %broadcast_in_dim3A_197 = vector.broadcast %jit3A_192 : f32 to vector<1024x128xf32>
    %select_n3A_198 = arith.select %broadcast_in_dim3A_194, %broadcast_in_dim3A_196, %broadcast_in_dim3A_197 : vector<1024x128xi1>, vector<1024x128xf32>
    %max3A_199 = arith.maximumf %max3A_186, %select_n3A_198 : vector<1024x128xf32>
    %slice3A_200 = vector.extract_strided_slice %convert_element_type3A_4 {offsets = [0, 13], sizes = [1024, 1], strides = [1, 1]} : vector<1024x64xf32> to vector<1024x1xf32>
    %gt3A_201 = arith.constant 5.000000e-01 : f32
    %gt3A_202 = vector.broadcast %gt3A_201 : f32 to vector<1024x1xf32>
    %gt3A_203 = arith.cmpf ogt, %slice3A_200, %gt3A_202 : vector<1024x1xf32>
    %slice3A_204 = vector.extract_strided_slice %get3A_35 {offsets = [13, 0], sizes = [1, 128], strides = [1, 1]} : vector<64x128xf32> to vector<1x128xf32>
    %jit3A_205 = arith.constant -3.000000e+38 : f32
    %broadcast_in_dim3A_206 = vector.shape_cast %gt3A_203 : vector<1024x1xi1> to vector<1024x1xi1>
    %broadcast_in_dim3A_207 = vector.broadcast %broadcast_in_dim3A_206 : vector<1024x1xi1> to vector<1024x128xi1>
    %broadcast_in_dim3A_208 = vector.shape_cast %slice3A_204 : vector<1x128xf32> to vector<1x128xf32>
    %broadcast_in_dim3A_209 = vector.broadcast %broadcast_in_dim3A_208 : vector<1x128xf32> to vector<1024x128xf32>
    %broadcast_in_dim3A_210 = vector.broadcast %jit3A_205 : f32 to vector<1024x128xf32>
    %select_n3A_211 = arith.select %broadcast_in_dim3A_207, %broadcast_in_dim3A_209, %broadcast_in_dim3A_210 : vector<1024x128xi1>, vector<1024x128xf32>
    %max3A_212 = arith.maximumf %max3A_199, %select_n3A_211 : vector<1024x128xf32>
    %slice3A_213 = vector.extract_strided_slice %convert_element_type3A_4 {offsets = [0, 14], sizes = [1024, 1], strides = [1, 1]} : vector<1024x64xf32> to vector<1024x1xf32>
    %gt3A_214 = arith.constant 5.000000e-01 : f32
    %gt3A_215 = vector.broadcast %gt3A_214 : f32 to vector<1024x1xf32>
    %gt3A_216 = arith.cmpf ogt, %slice3A_213, %gt3A_215 : vector<1024x1xf32>
    %slice3A_217 = vector.extract_strided_slice %get3A_35 {offsets = [14, 0], sizes = [1, 128], strides = [1, 1]} : vector<64x128xf32> to vector<1x128xf32>
    %jit3A_218 = arith.constant -3.000000e+38 : f32
    %broadcast_in_dim3A_219 = vector.shape_cast %gt3A_216 : vector<1024x1xi1> to vector<1024x1xi1>
    %broadcast_in_dim3A_220 = vector.broadcast %broadcast_in_dim3A_219 : vector<1024x1xi1> to vector<1024x128xi1>
    %broadcast_in_dim3A_221 = vector.shape_cast %slice3A_217 : vector<1x128xf32> to vector<1x128xf32>
    %broadcast_in_dim3A_222 = vector.broadcast %broadcast_in_dim3A_221 : vector<1x128xf32> to vector<1024x128xf32>
    %broadcast_in_dim3A_223 = vector.broadcast %jit3A_218 : f32 to vector<1024x128xf32>
    %select_n3A_224 = arith.select %broadcast_in_dim3A_220, %broadcast_in_dim3A_222, %broadcast_in_dim3A_223 : vector<1024x128xi1>, vector<1024x128xf32>
    %max3A_225 = arith.maximumf %max3A_212, %select_n3A_224 : vector<1024x128xf32>
    %slice3A_226 = vector.extract_strided_slice %convert_element_type3A_4 {offsets = [0, 15], sizes = [1024, 1], strides = [1, 1]} : vector<1024x64xf32> to vector<1024x1xf32>
    %gt3A_227 = arith.constant 5.000000e-01 : f32
    %gt3A_228 = vector.broadcast %gt3A_227 : f32 to vector<1024x1xf32>
    %gt3A_229 = arith.cmpf ogt, %slice3A_226, %gt3A_228 : vector<1024x1xf32>
    %slice3A_230 = vector.extract_strided_slice %get3A_35 {offsets = [15, 0], sizes = [1, 128], strides = [1, 1]} : vector<64x128xf32> to vector<1x128xf32>
    %jit3A_231 = arith.constant -3.000000e+38 : f32
    %broadcast_in_dim3A_232 = vector.shape_cast %gt3A_229 : vector<1024x1xi1> to vector<1024x1xi1>
    %broadcast_in_dim3A_233 = vector.broadcast %broadcast_in_dim3A_232 : vector<1024x1xi1> to vector<1024x128xi1>
    %broadcast_in_dim3A_234 = vector.shape_cast %slice3A_230 : vector<1x128xf32> to vector<1x128xf32>
    %broadcast_in_dim3A_235 = vector.broadcast %broadcast_in_dim3A_234 : vector<1x128xf32> to vector<1024x128xf32>
    %broadcast_in_dim3A_236 = vector.broadcast %jit3A_231 : f32 to vector<1024x128xf32>
    %select_n3A_237 = arith.select %broadcast_in_dim3A_233, %broadcast_in_dim3A_235, %broadcast_in_dim3A_236 : vector<1024x128xi1>, vector<1024x128xf32>
    %max3A_238 = arith.maximumf %max3A_225, %select_n3A_237 : vector<1024x128xf32>
    %slice3A_239 = vector.extract_strided_slice %convert_element_type3A_4 {offsets = [0, 16], sizes = [1024, 1], strides = [1, 1]} : vector<1024x64xf32> to vector<1024x1xf32>
    %gt3A_240 = arith.constant 5.000000e-01 : f32
    %gt3A_241 = vector.broadcast %gt3A_240 : f32 to vector<1024x1xf32>
    %gt3A_242 = arith.cmpf ogt, %slice3A_239, %gt3A_241 : vector<1024x1xf32>
    %slice3A_243 = vector.extract_strided_slice %get3A_35 {offsets = [16, 0], sizes = [1, 128], strides = [1, 1]} : vector<64x128xf32> to vector<1x128xf32>
    %jit3A_244 = arith.constant -3.000000e+38 : f32
    %broadcast_in_dim3A_245 = vector.shape_cast %gt3A_242 : vector<1024x1xi1> to vector<1024x1xi1>
    %broadcast_in_dim3A_246 = vector.broadcast %broadcast_in_dim3A_245 : vector<1024x1xi1> to vector<1024x128xi1>
    %broadcast_in_dim3A_247 = vector.shape_cast %slice3A_243 : vector<1x128xf32> to vector<1x128xf32>
    %broadcast_in_dim3A_248 = vector.broadcast %broadcast_in_dim3A_247 : vector<1x128xf32> to vector<1024x128xf32>
    %broadcast_in_dim3A_249 = vector.broadcast %jit3A_244 : f32 to vector<1024x128xf32>
    %select_n3A_250 = arith.select %broadcast_in_dim3A_246, %broadcast_in_dim3A_248, %broadcast_in_dim3A_249 : vector<1024x128xi1>, vector<1024x128xf32>
    %max3A_251 = arith.maximumf %max3A_238, %select_n3A_250 : vector<1024x128xf32>
    %slice3A_252 = vector.extract_strided_slice %convert_element_type3A_4 {offsets = [0, 17], sizes = [1024, 1], strides = [1, 1]} : vector<1024x64xf32> to vector<1024x1xf32>
    %gt3A_253 = arith.constant 5.000000e-01 : f32
    %gt3A_254 = vector.broadcast %gt3A_253 : f32 to vector<1024x1xf32>
    %gt3A_255 = arith.cmpf ogt, %slice3A_252, %gt3A_254 : vector<1024x1xf32>
    %slice3A_256 = vector.extract_strided_slice %get3A_35 {offsets = [17, 0], sizes = [1, 128], strides = [1, 1]} : vector<64x128xf32> to vector<1x128xf32>
    %jit3A_257 = arith.constant -3.000000e+38 : f32
    %broadcast_in_dim3A_258 = vector.shape_cast %gt3A_255 : vector<1024x1xi1> to vector<1024x1xi1>
    %broadcast_in_dim3A_259 = vector.broadcast %broadcast_in_dim3A_258 : vector<1024x1xi1> to vector<1024x128xi1>
    %broadcast_in_dim3A_260 = vector.shape_cast %slice3A_256 : vector<1x128xf32> to vector<1x128xf32>
    %broadcast_in_dim3A_261 = vector.broadcast %broadcast_in_dim3A_260 : vector<1x128xf32> to vector<1024x128xf32>
    %broadcast_in_dim3A_262 = vector.broadcast %jit3A_257 : f32 to vector<1024x128xf32>
    %select_n3A_263 = arith.select %broadcast_in_dim3A_259, %broadcast_in_dim3A_261, %broadcast_in_dim3A_262 : vector<1024x128xi1>, vector<1024x128xf32>
    %max3A_264 = arith.maximumf %max3A_251, %select_n3A_263 : vector<1024x128xf32>
    %slice3A_265 = vector.extract_strided_slice %convert_element_type3A_4 {offsets = [0, 18], sizes = [1024, 1], strides = [1, 1]} : vector<1024x64xf32> to vector<1024x1xf32>
    %gt3A_266 = arith.constant 5.000000e-01 : f32
    %gt3A_267 = vector.broadcast %gt3A_266 : f32 to vector<1024x1xf32>
    %gt3A_268 = arith.cmpf ogt, %slice3A_265, %gt3A_267 : vector<1024x1xf32>
    %slice3A_269 = vector.extract_strided_slice %get3A_35 {offsets = [18, 0], sizes = [1, 128], strides = [1, 1]} : vector<64x128xf32> to vector<1x128xf32>
    %jit3A_270 = arith.constant -3.000000e+38 : f32
    %broadcast_in_dim3A_271 = vector.shape_cast %gt3A_268 : vector<1024x1xi1> to vector<1024x1xi1>
    %broadcast_in_dim3A_272 = vector.broadcast %broadcast_in_dim3A_271 : vector<1024x1xi1> to vector<1024x128xi1>
    %broadcast_in_dim3A_273 = vector.shape_cast %slice3A_269 : vector<1x128xf32> to vector<1x128xf32>
    %broadcast_in_dim3A_274 = vector.broadcast %broadcast_in_dim3A_273 : vector<1x128xf32> to vector<1024x128xf32>
    %broadcast_in_dim3A_275 = vector.broadcast %jit3A_270 : f32 to vector<1024x128xf32>
    %select_n3A_276 = arith.select %broadcast_in_dim3A_272, %broadcast_in_dim3A_274, %broadcast_in_dim3A_275 : vector<1024x128xi1>, vector<1024x128xf32>
    %max3A_277 = arith.maximumf %max3A_264, %select_n3A_276 : vector<1024x128xf32>
    %slice3A_278 = vector.extract_strided_slice %convert_element_type3A_4 {offsets = [0, 19], sizes = [1024, 1], strides = [1, 1]} : vector<1024x64xf32> to vector<1024x1xf32>
    %gt3A_279 = arith.constant 5.000000e-01 : f32
    %gt3A_280 = vector.broadcast %gt3A_279 : f32 to vector<1024x1xf32>
    %gt3A_281 = arith.cmpf ogt, %slice3A_278, %gt3A_280 : vector<1024x1xf32>
    %slice3A_282 = vector.extract_strided_slice %get3A_35 {offsets = [19, 0], sizes = [1, 128], strides = [1, 1]} : vector<64x128xf32> to vector<1x128xf32>
    %jit3A_283 = arith.constant -3.000000e+38 : f32
    %broadcast_in_dim3A_284 = vector.shape_cast %gt3A_281 : vector<1024x1xi1> to vector<1024x1xi1>
    %broadcast_in_dim3A_285 = vector.broadcast %broadcast_in_dim3A_284 : vector<1024x1xi1> to vector<1024x128xi1>
    %broadcast_in_dim3A_286 = vector.shape_cast %slice3A_282 : vector<1x128xf32> to vector<1x128xf32>
    %broadcast_in_dim3A_287 = vector.broadcast %broadcast_in_dim3A_286 : vector<1x128xf32> to vector<1024x128xf32>
    %broadcast_in_dim3A_288 = vector.broadcast %jit3A_283 : f32 to vector<1024x128xf32>
    %select_n3A_289 = arith.select %broadcast_in_dim3A_285, %broadcast_in_dim3A_287, %broadcast_in_dim3A_288 : vector<1024x128xi1>, vector<1024x128xf32>
    %max3A_290 = arith.maximumf %max3A_277, %select_n3A_289 : vector<1024x128xf32>
    %slice3A_291 = vector.extract_strided_slice %convert_element_type3A_4 {offsets = [0, 20], sizes = [1024, 1], strides = [1, 1]} : vector<1024x64xf32> to vector<1024x1xf32>
    %gt3A_292 = arith.constant 5.000000e-01 : f32
    %gt3A_293 = vector.broadcast %gt3A_292 : f32 to vector<1024x1xf32>
    %gt3A_294 = arith.cmpf ogt, %slice3A_291, %gt3A_293 : vector<1024x1xf32>
    %slice3A_295 = vector.extract_strided_slice %get3A_35 {offsets = [20, 0], sizes = [1, 128], strides = [1, 1]} : vector<64x128xf32> to vector<1x128xf32>
    %jit3A_296 = arith.constant -3.000000e+38 : f32
    %broadcast_in_dim3A_297 = vector.shape_cast %gt3A_294 : vector<1024x1xi1> to vector<1024x1xi1>
    %broadcast_in_dim3A_298 = vector.broadcast %broadcast_in_dim3A_297 : vector<1024x1xi1> to vector<1024x128xi1>
    %broadcast_in_dim3A_299 = vector.shape_cast %slice3A_295 : vector<1x128xf32> to vector<1x128xf32>
    %broadcast_in_dim3A_300 = vector.broadcast %broadcast_in_dim3A_299 : vector<1x128xf32> to vector<1024x128xf32>
    %broadcast_in_dim3A_301 = vector.broadcast %jit3A_296 : f32 to vector<1024x128xf32>
    %select_n3A_302 = arith.select %broadcast_in_dim3A_298, %broadcast_in_dim3A_300, %broadcast_in_dim3A_301 : vector<1024x128xi1>, vector<1024x128xf32>
    %max3A_303 = arith.maximumf %max3A_290, %select_n3A_302 : vector<1024x128xf32>
    %slice3A_304 = vector.extract_strided_slice %convert_element_type3A_4 {offsets = [0, 21], sizes = [1024, 1], strides = [1, 1]} : vector<1024x64xf32> to vector<1024x1xf32>
    %gt3A_305 = arith.constant 5.000000e-01 : f32
    %gt3A_306 = vector.broadcast %gt3A_305 : f32 to vector<1024x1xf32>
    %gt3A_307 = arith.cmpf ogt, %slice3A_304, %gt3A_306 : vector<1024x1xf32>
    %slice3A_308 = vector.extract_strided_slice %get3A_35 {offsets = [21, 0], sizes = [1, 128], strides = [1, 1]} : vector<64x128xf32> to vector<1x128xf32>
    %jit3A_309 = arith.constant -3.000000e+38 : f32
    %broadcast_in_dim3A_310 = vector.shape_cast %gt3A_307 : vector<1024x1xi1> to vector<1024x1xi1>
    %broadcast_in_dim3A_311 = vector.broadcast %broadcast_in_dim3A_310 : vector<1024x1xi1> to vector<1024x128xi1>
    %broadcast_in_dim3A_312 = vector.shape_cast %slice3A_308 : vector<1x128xf32> to vector<1x128xf32>
    %broadcast_in_dim3A_313 = vector.broadcast %broadcast_in_dim3A_312 : vector<1x128xf32> to vector<1024x128xf32>
    %broadcast_in_dim3A_314 = vector.broadcast %jit3A_309 : f32 to vector<1024x128xf32>
    %select_n3A_315 = arith.select %broadcast_in_dim3A_311, %broadcast_in_dim3A_313, %broadcast_in_dim3A_314 : vector<1024x128xi1>, vector<1024x128xf32>
    %max3A_316 = arith.maximumf %max3A_303, %select_n3A_315 : vector<1024x128xf32>
    %slice3A_317 = vector.extract_strided_slice %convert_element_type3A_4 {offsets = [0, 22], sizes = [1024, 1], strides = [1, 1]} : vector<1024x64xf32> to vector<1024x1xf32>
    %gt3A_318 = arith.constant 5.000000e-01 : f32
    %gt3A_319 = vector.broadcast %gt3A_318 : f32 to vector<1024x1xf32>
    %gt3A_320 = arith.cmpf ogt, %slice3A_317, %gt3A_319 : vector<1024x1xf32>
    %slice3A_321 = vector.extract_strided_slice %get3A_35 {offsets = [22, 0], sizes = [1, 128], strides = [1, 1]} : vector<64x128xf32> to vector<1x128xf32>
    %jit3A_322 = arith.constant -3.000000e+38 : f32
    %broadcast_in_dim3A_323 = vector.shape_cast %gt3A_320 : vector<1024x1xi1> to vector<1024x1xi1>
    %broadcast_in_dim3A_324 = vector.broadcast %broadcast_in_dim3A_323 : vector<1024x1xi1> to vector<1024x128xi1>
    %broadcast_in_dim3A_325 = vector.shape_cast %slice3A_321 : vector<1x128xf32> to vector<1x128xf32>
    %broadcast_in_dim3A_326 = vector.broadcast %broadcast_in_dim3A_325 : vector<1x128xf32> to vector<1024x128xf32>
    %broadcast_in_dim3A_327 = vector.broadcast %jit3A_322 : f32 to vector<1024x128xf32>
    %select_n3A_328 = arith.select %broadcast_in_dim3A_324, %broadcast_in_dim3A_326, %broadcast_in_dim3A_327 : vector<1024x128xi1>, vector<1024x128xf32>
    %max3A_329 = arith.maximumf %max3A_316, %select_n3A_328 : vector<1024x128xf32>
    %slice3A_330 = vector.extract_strided_slice %convert_element_type3A_4 {offsets = [0, 23], sizes = [1024, 1], strides = [1, 1]} : vector<1024x64xf32> to vector<1024x1xf32>
    %gt3A_331 = arith.constant 5.000000e-01 : f32
    %gt3A_332 = vector.broadcast %gt3A_331 : f32 to vector<1024x1xf32>
    %gt3A_333 = arith.cmpf ogt, %slice3A_330, %gt3A_332 : vector<1024x1xf32>
    %slice3A_334 = vector.extract_strided_slice %get3A_35 {offsets = [23, 0], sizes = [1, 128], strides = [1, 1]} : vector<64x128xf32> to vector<1x128xf32>
    %jit3A_335 = arith.constant -3.000000e+38 : f32
    %broadcast_in_dim3A_336 = vector.shape_cast %gt3A_333 : vector<1024x1xi1> to vector<1024x1xi1>
    %broadcast_in_dim3A_337 = vector.broadcast %broadcast_in_dim3A_336 : vector<1024x1xi1> to vector<1024x128xi1>
    %broadcast_in_dim3A_338 = vector.shape_cast %slice3A_334 : vector<1x128xf32> to vector<1x128xf32>
    %broadcast_in_dim3A_339 = vector.broadcast %broadcast_in_dim3A_338 : vector<1x128xf32> to vector<1024x128xf32>
    %broadcast_in_dim3A_340 = vector.broadcast %jit3A_335 : f32 to vector<1024x128xf32>
    %select_n3A_341 = arith.select %broadcast_in_dim3A_337, %broadcast_in_dim3A_339, %broadcast_in_dim3A_340 : vector<1024x128xi1>, vector<1024x128xf32>
    %max3A_342 = arith.maximumf %max3A_329, %select_n3A_341 : vector<1024x128xf32>
    %slice3A_343 = vector.extract_strided_slice %convert_element_type3A_4 {offsets = [0, 24], sizes = [1024, 1], strides = [1, 1]} : vector<1024x64xf32> to vector<1024x1xf32>
    %gt3A_344 = arith.constant 5.000000e-01 : f32
    %gt3A_345 = vector.broadcast %gt3A_344 : f32 to vector<1024x1xf32>
    %gt3A_346 = arith.cmpf ogt, %slice3A_343, %gt3A_345 : vector<1024x1xf32>
    %slice3A_347 = vector.extract_strided_slice %get3A_35 {offsets = [24, 0], sizes = [1, 128], strides = [1, 1]} : vector<64x128xf32> to vector<1x128xf32>
    %jit3A_348 = arith.constant -3.000000e+38 : f32
    %broadcast_in_dim3A_349 = vector.shape_cast %gt3A_346 : vector<1024x1xi1> to vector<1024x1xi1>
    %broadcast_in_dim3A_350 = vector.broadcast %broadcast_in_dim3A_349 : vector<1024x1xi1> to vector<1024x128xi1>
    %broadcast_in_dim3A_351 = vector.shape_cast %slice3A_347 : vector<1x128xf32> to vector<1x128xf32>
    %broadcast_in_dim3A_352 = vector.broadcast %broadcast_in_dim3A_351 : vector<1x128xf32> to vector<1024x128xf32>
    %broadcast_in_dim3A_353 = vector.broadcast %jit3A_348 : f32 to vector<1024x128xf32>
    %select_n3A_354 = arith.select %broadcast_in_dim3A_350, %broadcast_in_dim3A_352, %broadcast_in_dim3A_353 : vector<1024x128xi1>, vector<1024x128xf32>
    %max3A_355 = arith.maximumf %max3A_342, %select_n3A_354 : vector<1024x128xf32>
    %slice3A_356 = vector.extract_strided_slice %convert_element_type3A_4 {offsets = [0, 25], sizes = [1024, 1], strides = [1, 1]} : vector<1024x64xf32> to vector<1024x1xf32>
    %gt3A_357 = arith.constant 5.000000e-01 : f32
    %gt3A_358 = vector.broadcast %gt3A_357 : f32 to vector<1024x1xf32>
    %gt3A_359 = arith.cmpf ogt, %slice3A_356, %gt3A_358 : vector<1024x1xf32>
    %slice3A_360 = vector.extract_strided_slice %get3A_35 {offsets = [25, 0], sizes = [1, 128], strides = [1, 1]} : vector<64x128xf32> to vector<1x128xf32>
    %jit3A_361 = arith.constant -3.000000e+38 : f32
    %broadcast_in_dim3A_362 = vector.shape_cast %gt3A_359 : vector<1024x1xi1> to vector<1024x1xi1>
    %broadcast_in_dim3A_363 = vector.broadcast %broadcast_in_dim3A_362 : vector<1024x1xi1> to vector<1024x128xi1>
    %broadcast_in_dim3A_364 = vector.shape_cast %slice3A_360 : vector<1x128xf32> to vector<1x128xf32>
    %broadcast_in_dim3A_365 = vector.broadcast %broadcast_in_dim3A_364 : vector<1x128xf32> to vector<1024x128xf32>
    %broadcast_in_dim3A_366 = vector.broadcast %jit3A_361 : f32 to vector<1024x128xf32>
    %select_n3A_367 = arith.select %broadcast_in_dim3A_363, %broadcast_in_dim3A_365, %broadcast_in_dim3A_366 : vector<1024x128xi1>, vector<1024x128xf32>
    %max3A_368 = arith.maximumf %max3A_355, %select_n3A_367 : vector<1024x128xf32>
    %slice3A_369 = vector.extract_strided_slice %convert_element_type3A_4 {offsets = [0, 26], sizes = [1024, 1], strides = [1, 1]} : vector<1024x64xf32> to vector<1024x1xf32>
    %gt3A_370 = arith.constant 5.000000e-01 : f32
    %gt3A_371 = vector.broadcast %gt3A_370 : f32 to vector<1024x1xf32>
    %gt3A_372 = arith.cmpf ogt, %slice3A_369, %gt3A_371 : vector<1024x1xf32>
    %slice3A_373 = vector.extract_strided_slice %get3A_35 {offsets = [26, 0], sizes = [1, 128], strides = [1, 1]} : vector<64x128xf32> to vector<1x128xf32>
    %jit3A_374 = arith.constant -3.000000e+38 : f32
    %broadcast_in_dim3A_375 = vector.shape_cast %gt3A_372 : vector<1024x1xi1> to vector<1024x1xi1>
    %broadcast_in_dim3A_376 = vector.broadcast %broadcast_in_dim3A_375 : vector<1024x1xi1> to vector<1024x128xi1>
    %broadcast_in_dim3A_377 = vector.shape_cast %slice3A_373 : vector<1x128xf32> to vector<1x128xf32>
    %broadcast_in_dim3A_378 = vector.broadcast %broadcast_in_dim3A_377 : vector<1x128xf32> to vector<1024x128xf32>
    %broadcast_in_dim3A_379 = vector.broadcast %jit3A_374 : f32 to vector<1024x128xf32>
    %select_n3A_380 = arith.select %broadcast_in_dim3A_376, %broadcast_in_dim3A_378, %broadcast_in_dim3A_379 : vector<1024x128xi1>, vector<1024x128xf32>
    %max3A_381 = arith.maximumf %max3A_368, %select_n3A_380 : vector<1024x128xf32>
    %slice3A_382 = vector.extract_strided_slice %convert_element_type3A_4 {offsets = [0, 27], sizes = [1024, 1], strides = [1, 1]} : vector<1024x64xf32> to vector<1024x1xf32>
    %gt3A_383 = arith.constant 5.000000e-01 : f32
    %gt3A_384 = vector.broadcast %gt3A_383 : f32 to vector<1024x1xf32>
    %gt3A_385 = arith.cmpf ogt, %slice3A_382, %gt3A_384 : vector<1024x1xf32>
    %slice3A_386 = vector.extract_strided_slice %get3A_35 {offsets = [27, 0], sizes = [1, 128], strides = [1, 1]} : vector<64x128xf32> to vector<1x128xf32>
    %jit3A_387 = arith.constant -3.000000e+38 : f32
    %broadcast_in_dim3A_388 = vector.shape_cast %gt3A_385 : vector<1024x1xi1> to vector<1024x1xi1>
    %broadcast_in_dim3A_389 = vector.broadcast %broadcast_in_dim3A_388 : vector<1024x1xi1> to vector<1024x128xi1>
    %broadcast_in_dim3A_390 = vector.shape_cast %slice3A_386 : vector<1x128xf32> to vector<1x128xf32>
    %broadcast_in_dim3A_391 = vector.broadcast %broadcast_in_dim3A_390 : vector<1x128xf32> to vector<1024x128xf32>
    %broadcast_in_dim3A_392 = vector.broadcast %jit3A_387 : f32 to vector<1024x128xf32>
    %select_n3A_393 = arith.select %broadcast_in_dim3A_389, %broadcast_in_dim3A_391, %broadcast_in_dim3A_392 : vector<1024x128xi1>, vector<1024x128xf32>
    %max3A_394 = arith.maximumf %max3A_381, %select_n3A_393 : vector<1024x128xf32>
    %slice3A_395 = vector.extract_strided_slice %convert_element_type3A_4 {offsets = [0, 28], sizes = [1024, 1], strides = [1, 1]} : vector<1024x64xf32> to vector<1024x1xf32>
    %gt3A_396 = arith.constant 5.000000e-01 : f32
    %gt3A_397 = vector.broadcast %gt3A_396 : f32 to vector<1024x1xf32>
    %gt3A_398 = arith.cmpf ogt, %slice3A_395, %gt3A_397 : vector<1024x1xf32>
    %slice3A_399 = vector.extract_strided_slice %get3A_35 {offsets = [28, 0], sizes = [1, 128], strides = [1, 1]} : vector<64x128xf32> to vector<1x128xf32>
    %jit3A_400 = arith.constant -3.000000e+38 : f32
    %broadcast_in_dim3A_401 = vector.shape_cast %gt3A_398 : vector<1024x1xi1> to vector<1024x1xi1>
    %broadcast_in_dim3A_402 = vector.broadcast %broadcast_in_dim3A_401 : vector<1024x1xi1> to vector<1024x128xi1>
    %broadcast_in_dim3A_403 = vector.shape_cast %slice3A_399 : vector<1x128xf32> to vector<1x128xf32>
    %broadcast_in_dim3A_404 = vector.broadcast %broadcast_in_dim3A_403 : vector<1x128xf32> to vector<1024x128xf32>
    %broadcast_in_dim3A_405 = vector.broadcast %jit3A_400 : f32 to vector<1024x128xf32>
    %select_n3A_406 = arith.select %broadcast_in_dim3A_402, %broadcast_in_dim3A_404, %broadcast_in_dim3A_405 : vector<1024x128xi1>, vector<1024x128xf32>
    %max3A_407 = arith.maximumf %max3A_394, %select_n3A_406 : vector<1024x128xf32>
    %slice3A_408 = vector.extract_strided_slice %convert_element_type3A_4 {offsets = [0, 29], sizes = [1024, 1], strides = [1, 1]} : vector<1024x64xf32> to vector<1024x1xf32>
    %gt3A_409 = arith.constant 5.000000e-01 : f32
    %gt3A_410 = vector.broadcast %gt3A_409 : f32 to vector<1024x1xf32>
    %gt3A_411 = arith.cmpf ogt, %slice3A_408, %gt3A_410 : vector<1024x1xf32>
    %slice3A_412 = vector.extract_strided_slice %get3A_35 {offsets = [29, 0], sizes = [1, 128], strides = [1, 1]} : vector<64x128xf32> to vector<1x128xf32>
    %jit3A_413 = arith.constant -3.000000e+38 : f32
    %broadcast_in_dim3A_414 = vector.shape_cast %gt3A_411 : vector<1024x1xi1> to vector<1024x1xi1>
    %broadcast_in_dim3A_415 = vector.broadcast %broadcast_in_dim3A_414 : vector<1024x1xi1> to vector<1024x128xi1>
    %broadcast_in_dim3A_416 = vector.shape_cast %slice3A_412 : vector<1x128xf32> to vector<1x128xf32>
    %broadcast_in_dim3A_417 = vector.broadcast %broadcast_in_dim3A_416 : vector<1x128xf32> to vector<1024x128xf32>
    %broadcast_in_dim3A_418 = vector.broadcast %jit3A_413 : f32 to vector<1024x128xf32>
    %select_n3A_419 = arith.select %broadcast_in_dim3A_415, %broadcast_in_dim3A_417, %broadcast_in_dim3A_418 : vector<1024x128xi1>, vector<1024x128xf32>
    %max3A_420 = arith.maximumf %max3A_407, %select_n3A_419 : vector<1024x128xf32>
    %slice3A_421 = vector.extract_strided_slice %convert_element_type3A_4 {offsets = [0, 30], sizes = [1024, 1], strides = [1, 1]} : vector<1024x64xf32> to vector<1024x1xf32>
    %gt3A_422 = arith.constant 5.000000e-01 : f32
    %gt3A_423 = vector.broadcast %gt3A_422 : f32 to vector<1024x1xf32>
    %gt3A_424 = arith.cmpf ogt, %slice3A_421, %gt3A_423 : vector<1024x1xf32>
    %slice3A_425 = vector.extract_strided_slice %get3A_35 {offsets = [30, 0], sizes = [1, 128], strides = [1, 1]} : vector<64x128xf32> to vector<1x128xf32>
    %jit3A_426 = arith.constant -3.000000e+38 : f32
    %broadcast_in_dim3A_427 = vector.shape_cast %gt3A_424 : vector<1024x1xi1> to vector<1024x1xi1>
    %broadcast_in_dim3A_428 = vector.broadcast %broadcast_in_dim3A_427 : vector<1024x1xi1> to vector<1024x128xi1>
    %broadcast_in_dim3A_429 = vector.shape_cast %slice3A_425 : vector<1x128xf32> to vector<1x128xf32>
    %broadcast_in_dim3A_430 = vector.broadcast %broadcast_in_dim3A_429 : vector<1x128xf32> to vector<1024x128xf32>
    %broadcast_in_dim3A_431 = vector.broadcast %jit3A_426 : f32 to vector<1024x128xf32>
    %select_n3A_432 = arith.select %broadcast_in_dim3A_428, %broadcast_in_dim3A_430, %broadcast_in_dim3A_431 : vector<1024x128xi1>, vector<1024x128xf32>
    %max3A_433 = arith.maximumf %max3A_420, %select_n3A_432 : vector<1024x128xf32>
    %slice3A_434 = vector.extract_strided_slice %convert_element_type3A_4 {offsets = [0, 31], sizes = [1024, 1], strides = [1, 1]} : vector<1024x64xf32> to vector<1024x1xf32>
    %gt3A_435 = arith.constant 5.000000e-01 : f32
    %gt3A_436 = vector.broadcast %gt3A_435 : f32 to vector<1024x1xf32>
    %gt3A_437 = arith.cmpf ogt, %slice3A_434, %gt3A_436 : vector<1024x1xf32>
    %slice3A_438 = vector.extract_strided_slice %get3A_35 {offsets = [31, 0], sizes = [1, 128], strides = [1, 1]} : vector<64x128xf32> to vector<1x128xf32>
    %jit3A_439 = arith.constant -3.000000e+38 : f32
    %broadcast_in_dim3A_440 = vector.shape_cast %gt3A_437 : vector<1024x1xi1> to vector<1024x1xi1>
    %broadcast_in_dim3A_441 = vector.broadcast %broadcast_in_dim3A_440 : vector<1024x1xi1> to vector<1024x128xi1>
    %broadcast_in_dim3A_442 = vector.shape_cast %slice3A_438 : vector<1x128xf32> to vector<1x128xf32>
    %broadcast_in_dim3A_443 = vector.broadcast %broadcast_in_dim3A_442 : vector<1x128xf32> to vector<1024x128xf32>
    %broadcast_in_dim3A_444 = vector.broadcast %jit3A_439 : f32 to vector<1024x128xf32>
    %select_n3A_445 = arith.select %broadcast_in_dim3A_441, %broadcast_in_dim3A_443, %broadcast_in_dim3A_444 : vector<1024x128xi1>, vector<1024x128xf32>
    %max3A_446 = arith.maximumf %max3A_433, %select_n3A_445 : vector<1024x128xf32>
    %slice3A_447 = vector.extract_strided_slice %convert_element_type3A_4 {offsets = [0, 32], sizes = [1024, 1], strides = [1, 1]} : vector<1024x64xf32> to vector<1024x1xf32>
    %gt3A_448 = arith.constant 5.000000e-01 : f32
    %gt3A_449 = vector.broadcast %gt3A_448 : f32 to vector<1024x1xf32>
    %gt3A_450 = arith.cmpf ogt, %slice3A_447, %gt3A_449 : vector<1024x1xf32>
    %slice3A_451 = vector.extract_strided_slice %get3A_35 {offsets = [32, 0], sizes = [1, 128], strides = [1, 1]} : vector<64x128xf32> to vector<1x128xf32>
    %jit3A_452 = arith.constant -3.000000e+38 : f32
    %broadcast_in_dim3A_453 = vector.shape_cast %gt3A_450 : vector<1024x1xi1> to vector<1024x1xi1>
    %broadcast_in_dim3A_454 = vector.broadcast %broadcast_in_dim3A_453 : vector<1024x1xi1> to vector<1024x128xi1>
    %broadcast_in_dim3A_455 = vector.shape_cast %slice3A_451 : vector<1x128xf32> to vector<1x128xf32>
    %broadcast_in_dim3A_456 = vector.broadcast %broadcast_in_dim3A_455 : vector<1x128xf32> to vector<1024x128xf32>
    %broadcast_in_dim3A_457 = vector.broadcast %jit3A_452 : f32 to vector<1024x128xf32>
    %select_n3A_458 = arith.select %broadcast_in_dim3A_454, %broadcast_in_dim3A_456, %broadcast_in_dim3A_457 : vector<1024x128xi1>, vector<1024x128xf32>
    %max3A_459 = arith.maximumf %max3A_446, %select_n3A_458 : vector<1024x128xf32>
    %slice3A_460 = vector.extract_strided_slice %convert_element_type3A_4 {offsets = [0, 33], sizes = [1024, 1], strides = [1, 1]} : vector<1024x64xf32> to vector<1024x1xf32>
    %gt3A_461 = arith.constant 5.000000e-01 : f32
    %gt3A_462 = vector.broadcast %gt3A_461 : f32 to vector<1024x1xf32>
    %gt3A_463 = arith.cmpf ogt, %slice3A_460, %gt3A_462 : vector<1024x1xf32>
    %slice3A_464 = vector.extract_strided_slice %get3A_35 {offsets = [33, 0], sizes = [1, 128], strides = [1, 1]} : vector<64x128xf32> to vector<1x128xf32>
    %jit3A_465 = arith.constant -3.000000e+38 : f32
    %broadcast_in_dim3A_466 = vector.shape_cast %gt3A_463 : vector<1024x1xi1> to vector<1024x1xi1>
    %broadcast_in_dim3A_467 = vector.broadcast %broadcast_in_dim3A_466 : vector<1024x1xi1> to vector<1024x128xi1>
    %broadcast_in_dim3A_468 = vector.shape_cast %slice3A_464 : vector<1x128xf32> to vector<1x128xf32>
    %broadcast_in_dim3A_469 = vector.broadcast %broadcast_in_dim3A_468 : vector<1x128xf32> to vector<1024x128xf32>
    %broadcast_in_dim3A_470 = vector.broadcast %jit3A_465 : f32 to vector<1024x128xf32>
    %select_n3A_471 = arith.select %broadcast_in_dim3A_467, %broadcast_in_dim3A_469, %broadcast_in_dim3A_470 : vector<1024x128xi1>, vector<1024x128xf32>
    %max3A_472 = arith.maximumf %max3A_459, %select_n3A_471 : vector<1024x128xf32>
    %slice3A_473 = vector.extract_strided_slice %convert_element_type3A_4 {offsets = [0, 34], sizes = [1024, 1], strides = [1, 1]} : vector<1024x64xf32> to vector<1024x1xf32>
    %gt3A_474 = arith.constant 5.000000e-01 : f32
    %gt3A_475 = vector.broadcast %gt3A_474 : f32 to vector<1024x1xf32>
    %gt3A_476 = arith.cmpf ogt, %slice3A_473, %gt3A_475 : vector<1024x1xf32>
    %slice3A_477 = vector.extract_strided_slice %get3A_35 {offsets = [34, 0], sizes = [1, 128], strides = [1, 1]} : vector<64x128xf32> to vector<1x128xf32>
    %jit3A_478 = arith.constant -3.000000e+38 : f32
    %broadcast_in_dim3A_479 = vector.shape_cast %gt3A_476 : vector<1024x1xi1> to vector<1024x1xi1>
    %broadcast_in_dim3A_480 = vector.broadcast %broadcast_in_dim3A_479 : vector<1024x1xi1> to vector<1024x128xi1>
    %broadcast_in_dim3A_481 = vector.shape_cast %slice3A_477 : vector<1x128xf32> to vector<1x128xf32>
    %broadcast_in_dim3A_482 = vector.broadcast %broadcast_in_dim3A_481 : vector<1x128xf32> to vector<1024x128xf32>
    %broadcast_in_dim3A_483 = vector.broadcast %jit3A_478 : f32 to vector<1024x128xf32>
    %select_n3A_484 = arith.select %broadcast_in_dim3A_480, %broadcast_in_dim3A_482, %broadcast_in_dim3A_483 : vector<1024x128xi1>, vector<1024x128xf32>
    %max3A_485 = arith.maximumf %max3A_472, %select_n3A_484 : vector<1024x128xf32>
    %slice3A_486 = vector.extract_strided_slice %convert_element_type3A_4 {offsets = [0, 35], sizes = [1024, 1], strides = [1, 1]} : vector<1024x64xf32> to vector<1024x1xf32>
    %gt3A_487 = arith.constant 5.000000e-01 : f32
    %gt3A_488 = vector.broadcast %gt3A_487 : f32 to vector<1024x1xf32>
    %gt3A_489 = arith.cmpf ogt, %slice3A_486, %gt3A_488 : vector<1024x1xf32>
    %slice3A_490 = vector.extract_strided_slice %get3A_35 {offsets = [35, 0], sizes = [1, 128], strides = [1, 1]} : vector<64x128xf32> to vector<1x128xf32>
    %jit3A_491 = arith.constant -3.000000e+38 : f32
    %broadcast_in_dim3A_492 = vector.shape_cast %gt3A_489 : vector<1024x1xi1> to vector<1024x1xi1>
    %broadcast_in_dim3A_493 = vector.broadcast %broadcast_in_dim3A_492 : vector<1024x1xi1> to vector<1024x128xi1>
    %broadcast_in_dim3A_494 = vector.shape_cast %slice3A_490 : vector<1x128xf32> to vector<1x128xf32>
    %broadcast_in_dim3A_495 = vector.broadcast %broadcast_in_dim3A_494 : vector<1x128xf32> to vector<1024x128xf32>
    %broadcast_in_dim3A_496 = vector.broadcast %jit3A_491 : f32 to vector<1024x128xf32>
    %select_n3A_497 = arith.select %broadcast_in_dim3A_493, %broadcast_in_dim3A_495, %broadcast_in_dim3A_496 : vector<1024x128xi1>, vector<1024x128xf32>
    %max3A_498 = arith.maximumf %max3A_485, %select_n3A_497 : vector<1024x128xf32>
    %slice3A_499 = vector.extract_strided_slice %convert_element_type3A_4 {offsets = [0, 36], sizes = [1024, 1], strides = [1, 1]} : vector<1024x64xf32> to vector<1024x1xf32>
    %gt3A_500 = arith.constant 5.000000e-01 : f32
    %gt3A_501 = vector.broadcast %gt3A_500 : f32 to vector<1024x1xf32>
    %gt3A_502 = arith.cmpf ogt, %slice3A_499, %gt3A_501 : vector<1024x1xf32>
    %slice3A_503 = vector.extract_strided_slice %get3A_35 {offsets = [36, 0], sizes = [1, 128], strides = [1, 1]} : vector<64x128xf32> to vector<1x128xf32>
    %jit3A_504 = arith.constant -3.000000e+38 : f32
    %broadcast_in_dim3A_505 = vector.shape_cast %gt3A_502 : vector<1024x1xi1> to vector<1024x1xi1>
    %broadcast_in_dim3A_506 = vector.broadcast %broadcast_in_dim3A_505 : vector<1024x1xi1> to vector<1024x128xi1>
    %broadcast_in_dim3A_507 = vector.shape_cast %slice3A_503 : vector<1x128xf32> to vector<1x128xf32>
    %broadcast_in_dim3A_508 = vector.broadcast %broadcast_in_dim3A_507 : vector<1x128xf32> to vector<1024x128xf32>
    %broadcast_in_dim3A_509 = vector.broadcast %jit3A_504 : f32 to vector<1024x128xf32>
    %select_n3A_510 = arith.select %broadcast_in_dim3A_506, %broadcast_in_dim3A_508, %broadcast_in_dim3A_509 : vector<1024x128xi1>, vector<1024x128xf32>
    %max3A_511 = arith.maximumf %max3A_498, %select_n3A_510 : vector<1024x128xf32>
    %slice3A_512 = vector.extract_strided_slice %convert_element_type3A_4 {offsets = [0, 37], sizes = [1024, 1], strides = [1, 1]} : vector<1024x64xf32> to vector<1024x1xf32>
    %gt3A_513 = arith.constant 5.000000e-01 : f32
    %gt3A_514 = vector.broadcast %gt3A_513 : f32 to vector<1024x1xf32>
    %gt3A_515 = arith.cmpf ogt, %slice3A_512, %gt3A_514 : vector<1024x1xf32>
    %slice3A_516 = vector.extract_strided_slice %get3A_35 {offsets = [37, 0], sizes = [1, 128], strides = [1, 1]} : vector<64x128xf32> to vector<1x128xf32>
    %jit3A_517 = arith.constant -3.000000e+38 : f32
    %broadcast_in_dim3A_518 = vector.shape_cast %gt3A_515 : vector<1024x1xi1> to vector<1024x1xi1>
    %broadcast_in_dim3A_519 = vector.broadcast %broadcast_in_dim3A_518 : vector<1024x1xi1> to vector<1024x128xi1>
    %broadcast_in_dim3A_520 = vector.shape_cast %slice3A_516 : vector<1x128xf32> to vector<1x128xf32>
    %broadcast_in_dim3A_521 = vector.broadcast %broadcast_in_dim3A_520 : vector<1x128xf32> to vector<1024x128xf32>
    %broadcast_in_dim3A_522 = vector.broadcast %jit3A_517 : f32 to vector<1024x128xf32>
    %select_n3A_523 = arith.select %broadcast_in_dim3A_519, %broadcast_in_dim3A_521, %broadcast_in_dim3A_522 : vector<1024x128xi1>, vector<1024x128xf32>
    %max3A_524 = arith.maximumf %max3A_511, %select_n3A_523 : vector<1024x128xf32>
    %slice3A_525 = vector.extract_strided_slice %convert_element_type3A_4 {offsets = [0, 38], sizes = [1024, 1], strides = [1, 1]} : vector<1024x64xf32> to vector<1024x1xf32>
    %gt3A_526 = arith.constant 5.000000e-01 : f32
    %gt3A_527 = vector.broadcast %gt3A_526 : f32 to vector<1024x1xf32>
    %gt3A_528 = arith.cmpf ogt, %slice3A_525, %gt3A_527 : vector<1024x1xf32>
    %slice3A_529 = vector.extract_strided_slice %get3A_35 {offsets = [38, 0], sizes = [1, 128], strides = [1, 1]} : vector<64x128xf32> to vector<1x128xf32>
    %jit3A_530 = arith.constant -3.000000e+38 : f32
    %broadcast_in_dim3A_531 = vector.shape_cast %gt3A_528 : vector<1024x1xi1> to vector<1024x1xi1>
    %broadcast_in_dim3A_532 = vector.broadcast %broadcast_in_dim3A_531 : vector<1024x1xi1> to vector<1024x128xi1>
    %broadcast_in_dim3A_533 = vector.shape_cast %slice3A_529 : vector<1x128xf32> to vector<1x128xf32>
    %broadcast_in_dim3A_534 = vector.broadcast %broadcast_in_dim3A_533 : vector<1x128xf32> to vector<1024x128xf32>
    %broadcast_in_dim3A_535 = vector.broadcast %jit3A_530 : f32 to vector<1024x128xf32>
    %select_n3A_536 = arith.select %broadcast_in_dim3A_532, %broadcast_in_dim3A_534, %broadcast_in_dim3A_535 : vector<1024x128xi1>, vector<1024x128xf32>
    %max3A_537 = arith.maximumf %max3A_524, %select_n3A_536 : vector<1024x128xf32>
    %slice3A_538 = vector.extract_strided_slice %convert_element_type3A_4 {offsets = [0, 39], sizes = [1024, 1], strides = [1, 1]} : vector<1024x64xf32> to vector<1024x1xf32>
    %gt3A_539 = arith.constant 5.000000e-01 : f32
    %gt3A_540 = vector.broadcast %gt3A_539 : f32 to vector<1024x1xf32>
    %gt3A_541 = arith.cmpf ogt, %slice3A_538, %gt3A_540 : vector<1024x1xf32>
    %slice3A_542 = vector.extract_strided_slice %get3A_35 {offsets = [39, 0], sizes = [1, 128], strides = [1, 1]} : vector<64x128xf32> to vector<1x128xf32>
    %jit3A_543 = arith.constant -3.000000e+38 : f32
    %broadcast_in_dim3A_544 = vector.shape_cast %gt3A_541 : vector<1024x1xi1> to vector<1024x1xi1>
    %broadcast_in_dim3A_545 = vector.broadcast %broadcast_in_dim3A_544 : vector<1024x1xi1> to vector<1024x128xi1>
    %broadcast_in_dim3A_546 = vector.shape_cast %slice3A_542 : vector<1x128xf32> to vector<1x128xf32>
    %broadcast_in_dim3A_547 = vector.broadcast %broadcast_in_dim3A_546 : vector<1x128xf32> to vector<1024x128xf32>
    %broadcast_in_dim3A_548 = vector.broadcast %jit3A_543 : f32 to vector<1024x128xf32>
    %select_n3A_549 = arith.select %broadcast_in_dim3A_545, %broadcast_in_dim3A_547, %broadcast_in_dim3A_548 : vector<1024x128xi1>, vector<1024x128xf32>
    %max3A_550 = arith.maximumf %max3A_537, %select_n3A_549 : vector<1024x128xf32>
    %slice3A_551 = vector.extract_strided_slice %convert_element_type3A_4 {offsets = [0, 40], sizes = [1024, 1], strides = [1, 1]} : vector<1024x64xf32> to vector<1024x1xf32>
    %gt3A_552 = arith.constant 5.000000e-01 : f32
    %gt3A_553 = vector.broadcast %gt3A_552 : f32 to vector<1024x1xf32>
    %gt3A_554 = arith.cmpf ogt, %slice3A_551, %gt3A_553 : vector<1024x1xf32>
    %slice3A_555 = vector.extract_strided_slice %get3A_35 {offsets = [40, 0], sizes = [1, 128], strides = [1, 1]} : vector<64x128xf32> to vector<1x128xf32>
    %jit3A_556 = arith.constant -3.000000e+38 : f32
    %broadcast_in_dim3A_557 = vector.shape_cast %gt3A_554 : vector<1024x1xi1> to vector<1024x1xi1>
    %broadcast_in_dim3A_558 = vector.broadcast %broadcast_in_dim3A_557 : vector<1024x1xi1> to vector<1024x128xi1>
    %broadcast_in_dim3A_559 = vector.shape_cast %slice3A_555 : vector<1x128xf32> to vector<1x128xf32>
    %broadcast_in_dim3A_560 = vector.broadcast %broadcast_in_dim3A_559 : vector<1x128xf32> to vector<1024x128xf32>
    %broadcast_in_dim3A_561 = vector.broadcast %jit3A_556 : f32 to vector<1024x128xf32>
    %select_n3A_562 = arith.select %broadcast_in_dim3A_558, %broadcast_in_dim3A_560, %broadcast_in_dim3A_561 : vector<1024x128xi1>, vector<1024x128xf32>
    %max3A_563 = arith.maximumf %max3A_550, %select_n3A_562 : vector<1024x128xf32>
    %slice3A_564 = vector.extract_strided_slice %convert_element_type3A_4 {offsets = [0, 41], sizes = [1024, 1], strides = [1, 1]} : vector<1024x64xf32> to vector<1024x1xf32>
    %gt3A_565 = arith.constant 5.000000e-01 : f32
    %gt3A_566 = vector.broadcast %gt3A_565 : f32 to vector<1024x1xf32>
    %gt3A_567 = arith.cmpf ogt, %slice3A_564, %gt3A_566 : vector<1024x1xf32>
    %slice3A_568 = vector.extract_strided_slice %get3A_35 {offsets = [41, 0], sizes = [1, 128], strides = [1, 1]} : vector<64x128xf32> to vector<1x128xf32>
    %jit3A_569 = arith.constant -3.000000e+38 : f32
    %broadcast_in_dim3A_570 = vector.shape_cast %gt3A_567 : vector<1024x1xi1> to vector<1024x1xi1>
    %broadcast_in_dim3A_571 = vector.broadcast %broadcast_in_dim3A_570 : vector<1024x1xi1> to vector<1024x128xi1>
    %broadcast_in_dim3A_572 = vector.shape_cast %slice3A_568 : vector<1x128xf32> to vector<1x128xf32>
    %broadcast_in_dim3A_573 = vector.broadcast %broadcast_in_dim3A_572 : vector<1x128xf32> to vector<1024x128xf32>
    %broadcast_in_dim3A_574 = vector.broadcast %jit3A_569 : f32 to vector<1024x128xf32>
    %select_n3A_575 = arith.select %broadcast_in_dim3A_571, %broadcast_in_dim3A_573, %broadcast_in_dim3A_574 : vector<1024x128xi1>, vector<1024x128xf32>
    %max3A_576 = arith.maximumf %max3A_563, %select_n3A_575 : vector<1024x128xf32>
    %slice3A_577 = vector.extract_strided_slice %convert_element_type3A_4 {offsets = [0, 42], sizes = [1024, 1], strides = [1, 1]} : vector<1024x64xf32> to vector<1024x1xf32>
    %gt3A_578 = arith.constant 5.000000e-01 : f32
    %gt3A_579 = vector.broadcast %gt3A_578 : f32 to vector<1024x1xf32>
    %gt3A_580 = arith.cmpf ogt, %slice3A_577, %gt3A_579 : vector<1024x1xf32>
    %slice3A_581 = vector.extract_strided_slice %get3A_35 {offsets = [42, 0], sizes = [1, 128], strides = [1, 1]} : vector<64x128xf32> to vector<1x128xf32>
    %jit3A_582 = arith.constant -3.000000e+38 : f32
    %broadcast_in_dim3A_583 = vector.shape_cast %gt3A_580 : vector<1024x1xi1> to vector<1024x1xi1>
    %broadcast_in_dim3A_584 = vector.broadcast %broadcast_in_dim3A_583 : vector<1024x1xi1> to vector<1024x128xi1>
    %broadcast_in_dim3A_585 = vector.shape_cast %slice3A_581 : vector<1x128xf32> to vector<1x128xf32>
    %broadcast_in_dim3A_586 = vector.broadcast %broadcast_in_dim3A_585 : vector<1x128xf32> to vector<1024x128xf32>
    %broadcast_in_dim3A_587 = vector.broadcast %jit3A_582 : f32 to vector<1024x128xf32>
    %select_n3A_588 = arith.select %broadcast_in_dim3A_584, %broadcast_in_dim3A_586, %broadcast_in_dim3A_587 : vector<1024x128xi1>, vector<1024x128xf32>
    %max3A_589 = arith.maximumf %max3A_576, %select_n3A_588 : vector<1024x128xf32>
    %slice3A_590 = vector.extract_strided_slice %convert_element_type3A_4 {offsets = [0, 43], sizes = [1024, 1], strides = [1, 1]} : vector<1024x64xf32> to vector<1024x1xf32>
    %gt3A_591 = arith.constant 5.000000e-01 : f32
    %gt3A_592 = vector.broadcast %gt3A_591 : f32 to vector<1024x1xf32>
    %gt3A_593 = arith.cmpf ogt, %slice3A_590, %gt3A_592 : vector<1024x1xf32>
    %slice3A_594 = vector.extract_strided_slice %get3A_35 {offsets = [43, 0], sizes = [1, 128], strides = [1, 1]} : vector<64x128xf32> to vector<1x128xf32>
    %jit3A_595 = arith.constant -3.000000e+38 : f32
    %broadcast_in_dim3A_596 = vector.shape_cast %gt3A_593 : vector<1024x1xi1> to vector<1024x1xi1>
    %broadcast_in_dim3A_597 = vector.broadcast %broadcast_in_dim3A_596 : vector<1024x1xi1> to vector<1024x128xi1>
    %broadcast_in_dim3A_598 = vector.shape_cast %slice3A_594 : vector<1x128xf32> to vector<1x128xf32>
    %broadcast_in_dim3A_599 = vector.broadcast %broadcast_in_dim3A_598 : vector<1x128xf32> to vector<1024x128xf32>
    %broadcast_in_dim3A_600 = vector.broadcast %jit3A_595 : f32 to vector<1024x128xf32>
    %select_n3A_601 = arith.select %broadcast_in_dim3A_597, %broadcast_in_dim3A_599, %broadcast_in_dim3A_600 : vector<1024x128xi1>, vector<1024x128xf32>
    %max3A_602 = arith.maximumf %max3A_589, %select_n3A_601 : vector<1024x128xf32>
    %slice3A_603 = vector.extract_strided_slice %convert_element_type3A_4 {offsets = [0, 44], sizes = [1024, 1], strides = [1, 1]} : vector<1024x64xf32> to vector<1024x1xf32>
    %gt3A_604 = arith.constant 5.000000e-01 : f32
    %gt3A_605 = vector.broadcast %gt3A_604 : f32 to vector<1024x1xf32>
    %gt3A_606 = arith.cmpf ogt, %slice3A_603, %gt3A_605 : vector<1024x1xf32>
    %slice3A_607 = vector.extract_strided_slice %get3A_35 {offsets = [44, 0], sizes = [1, 128], strides = [1, 1]} : vector<64x128xf32> to vector<1x128xf32>
    %jit3A_608 = arith.constant -3.000000e+38 : f32
    %broadcast_in_dim3A_609 = vector.shape_cast %gt3A_606 : vector<1024x1xi1> to vector<1024x1xi1>
    %broadcast_in_dim3A_610 = vector.broadcast %broadcast_in_dim3A_609 : vector<1024x1xi1> to vector<1024x128xi1>
    %broadcast_in_dim3A_611 = vector.shape_cast %slice3A_607 : vector<1x128xf32> to vector<1x128xf32>
    %broadcast_in_dim3A_612 = vector.broadcast %broadcast_in_dim3A_611 : vector<1x128xf32> to vector<1024x128xf32>
    %broadcast_in_dim3A_613 = vector.broadcast %jit3A_608 : f32 to vector<1024x128xf32>
    %select_n3A_614 = arith.select %broadcast_in_dim3A_610, %broadcast_in_dim3A_612, %broadcast_in_dim3A_613 : vector<1024x128xi1>, vector<1024x128xf32>
    %max3A_615 = arith.maximumf %max3A_602, %select_n3A_614 : vector<1024x128xf32>
    %slice3A_616 = vector.extract_strided_slice %convert_element_type3A_4 {offsets = [0, 45], sizes = [1024, 1], strides = [1, 1]} : vector<1024x64xf32> to vector<1024x1xf32>
    %gt3A_617 = arith.constant 5.000000e-01 : f32
    %gt3A_618 = vector.broadcast %gt3A_617 : f32 to vector<1024x1xf32>
    %gt3A_619 = arith.cmpf ogt, %slice3A_616, %gt3A_618 : vector<1024x1xf32>
    %slice3A_620 = vector.extract_strided_slice %get3A_35 {offsets = [45, 0], sizes = [1, 128], strides = [1, 1]} : vector<64x128xf32> to vector<1x128xf32>
    %jit3A_621 = arith.constant -3.000000e+38 : f32
    %broadcast_in_dim3A_622 = vector.shape_cast %gt3A_619 : vector<1024x1xi1> to vector<1024x1xi1>
    %broadcast_in_dim3A_623 = vector.broadcast %broadcast_in_dim3A_622 : vector<1024x1xi1> to vector<1024x128xi1>
    %broadcast_in_dim3A_624 = vector.shape_cast %slice3A_620 : vector<1x128xf32> to vector<1x128xf32>
    %broadcast_in_dim3A_625 = vector.broadcast %broadcast_in_dim3A_624 : vector<1x128xf32> to vector<1024x128xf32>
    %broadcast_in_dim3A_626 = vector.broadcast %jit3A_621 : f32 to vector<1024x128xf32>
    %select_n3A_627 = arith.select %broadcast_in_dim3A_623, %broadcast_in_dim3A_625, %broadcast_in_dim3A_626 : vector<1024x128xi1>, vector<1024x128xf32>
    %max3A_628 = arith.maximumf %max3A_615, %select_n3A_627 : vector<1024x128xf32>
    %slice3A_629 = vector.extract_strided_slice %convert_element_type3A_4 {offsets = [0, 46], sizes = [1024, 1], strides = [1, 1]} : vector<1024x64xf32> to vector<1024x1xf32>
    %gt3A_630 = arith.constant 5.000000e-01 : f32
    %gt3A_631 = vector.broadcast %gt3A_630 : f32 to vector<1024x1xf32>
    %gt3A_632 = arith.cmpf ogt, %slice3A_629, %gt3A_631 : vector<1024x1xf32>
    %slice3A_633 = vector.extract_strided_slice %get3A_35 {offsets = [46, 0], sizes = [1, 128], strides = [1, 1]} : vector<64x128xf32> to vector<1x128xf32>
    %jit3A_634 = arith.constant -3.000000e+38 : f32
    %broadcast_in_dim3A_635 = vector.shape_cast %gt3A_632 : vector<1024x1xi1> to vector<1024x1xi1>
    %broadcast_in_dim3A_636 = vector.broadcast %broadcast_in_dim3A_635 : vector<1024x1xi1> to vector<1024x128xi1>
    %broadcast_in_dim3A_637 = vector.shape_cast %slice3A_633 : vector<1x128xf32> to vector<1x128xf32>
    %broadcast_in_dim3A_638 = vector.broadcast %broadcast_in_dim3A_637 : vector<1x128xf32> to vector<1024x128xf32>
    %broadcast_in_dim3A_639 = vector.broadcast %jit3A_634 : f32 to vector<1024x128xf32>
    %select_n3A_640 = arith.select %broadcast_in_dim3A_636, %broadcast_in_dim3A_638, %broadcast_in_dim3A_639 : vector<1024x128xi1>, vector<1024x128xf32>
    %max3A_641 = arith.maximumf %max3A_628, %select_n3A_640 : vector<1024x128xf32>
    %slice3A_642 = vector.extract_strided_slice %convert_element_type3A_4 {offsets = [0, 47], sizes = [1024, 1], strides = [1, 1]} : vector<1024x64xf32> to vector<1024x1xf32>
    %gt3A_643 = arith.constant 5.000000e-01 : f32
    %gt3A_644 = vector.broadcast %gt3A_643 : f32 to vector<1024x1xf32>
    %gt3A_645 = arith.cmpf ogt, %slice3A_642, %gt3A_644 : vector<1024x1xf32>
    %slice3A_646 = vector.extract_strided_slice %get3A_35 {offsets = [47, 0], sizes = [1, 128], strides = [1, 1]} : vector<64x128xf32> to vector<1x128xf32>
    %jit3A_647 = arith.constant -3.000000e+38 : f32
    %broadcast_in_dim3A_648 = vector.shape_cast %gt3A_645 : vector<1024x1xi1> to vector<1024x1xi1>
    %broadcast_in_dim3A_649 = vector.broadcast %broadcast_in_dim3A_648 : vector<1024x1xi1> to vector<1024x128xi1>
    %broadcast_in_dim3A_650 = vector.shape_cast %slice3A_646 : vector<1x128xf32> to vector<1x128xf32>
    %broadcast_in_dim3A_651 = vector.broadcast %broadcast_in_dim3A_650 : vector<1x128xf32> to vector<1024x128xf32>
    %broadcast_in_dim3A_652 = vector.broadcast %jit3A_647 : f32 to vector<1024x128xf32>
    %select_n3A_653 = arith.select %broadcast_in_dim3A_649, %broadcast_in_dim3A_651, %broadcast_in_dim3A_652 : vector<1024x128xi1>, vector<1024x128xf32>
    %max3A_654 = arith.maximumf %max3A_641, %select_n3A_653 : vector<1024x128xf32>
    %slice3A_655 = vector.extract_strided_slice %convert_element_type3A_4 {offsets = [0, 48], sizes = [1024, 1], strides = [1, 1]} : vector<1024x64xf32> to vector<1024x1xf32>
    %gt3A_656 = arith.constant 5.000000e-01 : f32
    %gt3A_657 = vector.broadcast %gt3A_656 : f32 to vector<1024x1xf32>
    %gt3A_658 = arith.cmpf ogt, %slice3A_655, %gt3A_657 : vector<1024x1xf32>
    %slice3A_659 = vector.extract_strided_slice %get3A_35 {offsets = [48, 0], sizes = [1, 128], strides = [1, 1]} : vector<64x128xf32> to vector<1x128xf32>
    %jit3A_660 = arith.constant -3.000000e+38 : f32
    %broadcast_in_dim3A_661 = vector.shape_cast %gt3A_658 : vector<1024x1xi1> to vector<1024x1xi1>
    %broadcast_in_dim3A_662 = vector.broadcast %broadcast_in_dim3A_661 : vector<1024x1xi1> to vector<1024x128xi1>
    %broadcast_in_dim3A_663 = vector.shape_cast %slice3A_659 : vector<1x128xf32> to vector<1x128xf32>
    %broadcast_in_dim3A_664 = vector.broadcast %broadcast_in_dim3A_663 : vector<1x128xf32> to vector<1024x128xf32>
    %broadcast_in_dim3A_665 = vector.broadcast %jit3A_660 : f32 to vector<1024x128xf32>
    %select_n3A_666 = arith.select %broadcast_in_dim3A_662, %broadcast_in_dim3A_664, %broadcast_in_dim3A_665 : vector<1024x128xi1>, vector<1024x128xf32>
    %max3A_667 = arith.maximumf %max3A_654, %select_n3A_666 : vector<1024x128xf32>
    %slice3A_668 = vector.extract_strided_slice %convert_element_type3A_4 {offsets = [0, 49], sizes = [1024, 1], strides = [1, 1]} : vector<1024x64xf32> to vector<1024x1xf32>
    %gt3A_669 = arith.constant 5.000000e-01 : f32
    %gt3A_670 = vector.broadcast %gt3A_669 : f32 to vector<1024x1xf32>
    %gt3A_671 = arith.cmpf ogt, %slice3A_668, %gt3A_670 : vector<1024x1xf32>
    %slice3A_672 = vector.extract_strided_slice %get3A_35 {offsets = [49, 0], sizes = [1, 128], strides = [1, 1]} : vector<64x128xf32> to vector<1x128xf32>
    %jit3A_673 = arith.constant -3.000000e+38 : f32
    %broadcast_in_dim3A_674 = vector.shape_cast %gt3A_671 : vector<1024x1xi1> to vector<1024x1xi1>
    %broadcast_in_dim3A_675 = vector.broadcast %broadcast_in_dim3A_674 : vector<1024x1xi1> to vector<1024x128xi1>
    %broadcast_in_dim3A_676 = vector.shape_cast %slice3A_672 : vector<1x128xf32> to vector<1x128xf32>
    %broadcast_in_dim3A_677 = vector.broadcast %broadcast_in_dim3A_676 : vector<1x128xf32> to vector<1024x128xf32>
    %broadcast_in_dim3A_678 = vector.broadcast %jit3A_673 : f32 to vector<1024x128xf32>
    %select_n3A_679 = arith.select %broadcast_in_dim3A_675, %broadcast_in_dim3A_677, %broadcast_in_dim3A_678 : vector<1024x128xi1>, vector<1024x128xf32>
    %max3A_680 = arith.maximumf %max3A_667, %select_n3A_679 : vector<1024x128xf32>
    %slice3A_681 = vector.extract_strided_slice %convert_element_type3A_4 {offsets = [0, 50], sizes = [1024, 1], strides = [1, 1]} : vector<1024x64xf32> to vector<1024x1xf32>
    %gt3A_682 = arith.constant 5.000000e-01 : f32
    %gt3A_683 = vector.broadcast %gt3A_682 : f32 to vector<1024x1xf32>
    %gt3A_684 = arith.cmpf ogt, %slice3A_681, %gt3A_683 : vector<1024x1xf32>
    %slice3A_685 = vector.extract_strided_slice %get3A_35 {offsets = [50, 0], sizes = [1, 128], strides = [1, 1]} : vector<64x128xf32> to vector<1x128xf32>
    %jit3A_686 = arith.constant -3.000000e+38 : f32
    %broadcast_in_dim3A_687 = vector.shape_cast %gt3A_684 : vector<1024x1xi1> to vector<1024x1xi1>
    %broadcast_in_dim3A_688 = vector.broadcast %broadcast_in_dim3A_687 : vector<1024x1xi1> to vector<1024x128xi1>
    %broadcast_in_dim3A_689 = vector.shape_cast %slice3A_685 : vector<1x128xf32> to vector<1x128xf32>
    %broadcast_in_dim3A_690 = vector.broadcast %broadcast_in_dim3A_689 : vector<1x128xf32> to vector<1024x128xf32>
    %broadcast_in_dim3A_691 = vector.broadcast %jit3A_686 : f32 to vector<1024x128xf32>
    %select_n3A_692 = arith.select %broadcast_in_dim3A_688, %broadcast_in_dim3A_690, %broadcast_in_dim3A_691 : vector<1024x128xi1>, vector<1024x128xf32>
    %max3A_693 = arith.maximumf %max3A_680, %select_n3A_692 : vector<1024x128xf32>
    %slice3A_694 = vector.extract_strided_slice %convert_element_type3A_4 {offsets = [0, 51], sizes = [1024, 1], strides = [1, 1]} : vector<1024x64xf32> to vector<1024x1xf32>
    %gt3A_695 = arith.constant 5.000000e-01 : f32
    %gt3A_696 = vector.broadcast %gt3A_695 : f32 to vector<1024x1xf32>
    %gt3A_697 = arith.cmpf ogt, %slice3A_694, %gt3A_696 : vector<1024x1xf32>
    %slice3A_698 = vector.extract_strided_slice %get3A_35 {offsets = [51, 0], sizes = [1, 128], strides = [1, 1]} : vector<64x128xf32> to vector<1x128xf32>
    %jit3A_699 = arith.constant -3.000000e+38 : f32
    %broadcast_in_dim3A_700 = vector.shape_cast %gt3A_697 : vector<1024x1xi1> to vector<1024x1xi1>
    %broadcast_in_dim3A_701 = vector.broadcast %broadcast_in_dim3A_700 : vector<1024x1xi1> to vector<1024x128xi1>
    %broadcast_in_dim3A_702 = vector.shape_cast %slice3A_698 : vector<1x128xf32> to vector<1x128xf32>
    %broadcast_in_dim3A_703 = vector.broadcast %broadcast_in_dim3A_702 : vector<1x128xf32> to vector<1024x128xf32>
    %broadcast_in_dim3A_704 = vector.broadcast %jit3A_699 : f32 to vector<1024x128xf32>
    %select_n3A_705 = arith.select %broadcast_in_dim3A_701, %broadcast_in_dim3A_703, %broadcast_in_dim3A_704 : vector<1024x128xi1>, vector<1024x128xf32>
    %max3A_706 = arith.maximumf %max3A_693, %select_n3A_705 : vector<1024x128xf32>
    %slice3A_707 = vector.extract_strided_slice %convert_element_type3A_4 {offsets = [0, 52], sizes = [1024, 1], strides = [1, 1]} : vector<1024x64xf32> to vector<1024x1xf32>
    %gt3A_708 = arith.constant 5.000000e-01 : f32
    %gt3A_709 = vector.broadcast %gt3A_708 : f32 to vector<1024x1xf32>
    %gt3A_710 = arith.cmpf ogt, %slice3A_707, %gt3A_709 : vector<1024x1xf32>
    %slice3A_711 = vector.extract_strided_slice %get3A_35 {offsets = [52, 0], sizes = [1, 128], strides = [1, 1]} : vector<64x128xf32> to vector<1x128xf32>
    %jit3A_712 = arith.constant -3.000000e+38 : f32
    %broadcast_in_dim3A_713 = vector.shape_cast %gt3A_710 : vector<1024x1xi1> to vector<1024x1xi1>
    %broadcast_in_dim3A_714 = vector.broadcast %broadcast_in_dim3A_713 : vector<1024x1xi1> to vector<1024x128xi1>
    %broadcast_in_dim3A_715 = vector.shape_cast %slice3A_711 : vector<1x128xf32> to vector<1x128xf32>
    %broadcast_in_dim3A_716 = vector.broadcast %broadcast_in_dim3A_715 : vector<1x128xf32> to vector<1024x128xf32>
    %broadcast_in_dim3A_717 = vector.broadcast %jit3A_712 : f32 to vector<1024x128xf32>
    %select_n3A_718 = arith.select %broadcast_in_dim3A_714, %broadcast_in_dim3A_716, %broadcast_in_dim3A_717 : vector<1024x128xi1>, vector<1024x128xf32>
    %max3A_719 = arith.maximumf %max3A_706, %select_n3A_718 : vector<1024x128xf32>
    %slice3A_720 = vector.extract_strided_slice %convert_element_type3A_4 {offsets = [0, 53], sizes = [1024, 1], strides = [1, 1]} : vector<1024x64xf32> to vector<1024x1xf32>
    %gt3A_721 = arith.constant 5.000000e-01 : f32
    %gt3A_722 = vector.broadcast %gt3A_721 : f32 to vector<1024x1xf32>
    %gt3A_723 = arith.cmpf ogt, %slice3A_720, %gt3A_722 : vector<1024x1xf32>
    %slice3A_724 = vector.extract_strided_slice %get3A_35 {offsets = [53, 0], sizes = [1, 128], strides = [1, 1]} : vector<64x128xf32> to vector<1x128xf32>
    %jit3A_725 = arith.constant -3.000000e+38 : f32
    %broadcast_in_dim3A_726 = vector.shape_cast %gt3A_723 : vector<1024x1xi1> to vector<1024x1xi1>
    %broadcast_in_dim3A_727 = vector.broadcast %broadcast_in_dim3A_726 : vector<1024x1xi1> to vector<1024x128xi1>
    %broadcast_in_dim3A_728 = vector.shape_cast %slice3A_724 : vector<1x128xf32> to vector<1x128xf32>
    %broadcast_in_dim3A_729 = vector.broadcast %broadcast_in_dim3A_728 : vector<1x128xf32> to vector<1024x128xf32>
    %broadcast_in_dim3A_730 = vector.broadcast %jit3A_725 : f32 to vector<1024x128xf32>
    %select_n3A_731 = arith.select %broadcast_in_dim3A_727, %broadcast_in_dim3A_729, %broadcast_in_dim3A_730 : vector<1024x128xi1>, vector<1024x128xf32>
    %max3A_732 = arith.maximumf %max3A_719, %select_n3A_731 : vector<1024x128xf32>
    %slice3A_733 = vector.extract_strided_slice %convert_element_type3A_4 {offsets = [0, 54], sizes = [1024, 1], strides = [1, 1]} : vector<1024x64xf32> to vector<1024x1xf32>
    %gt3A_734 = arith.constant 5.000000e-01 : f32
    %gt3A_735 = vector.broadcast %gt3A_734 : f32 to vector<1024x1xf32>
    %gt3A_736 = arith.cmpf ogt, %slice3A_733, %gt3A_735 : vector<1024x1xf32>
    %slice3A_737 = vector.extract_strided_slice %get3A_35 {offsets = [54, 0], sizes = [1, 128], strides = [1, 1]} : vector<64x128xf32> to vector<1x128xf32>
    %jit3A_738 = arith.constant -3.000000e+38 : f32
    %broadcast_in_dim3A_739 = vector.shape_cast %gt3A_736 : vector<1024x1xi1> to vector<1024x1xi1>
    %broadcast_in_dim3A_740 = vector.broadcast %broadcast_in_dim3A_739 : vector<1024x1xi1> to vector<1024x128xi1>
    %broadcast_in_dim3A_741 = vector.shape_cast %slice3A_737 : vector<1x128xf32> to vector<1x128xf32>
    %broadcast_in_dim3A_742 = vector.broadcast %broadcast_in_dim3A_741 : vector<1x128xf32> to vector<1024x128xf32>
    %broadcast_in_dim3A_743 = vector.broadcast %jit3A_738 : f32 to vector<1024x128xf32>
    %select_n3A_744 = arith.select %broadcast_in_dim3A_740, %broadcast_in_dim3A_742, %broadcast_in_dim3A_743 : vector<1024x128xi1>, vector<1024x128xf32>
    %max3A_745 = arith.maximumf %max3A_732, %select_n3A_744 : vector<1024x128xf32>
    %slice3A_746 = vector.extract_strided_slice %convert_element_type3A_4 {offsets = [0, 55], sizes = [1024, 1], strides = [1, 1]} : vector<1024x64xf32> to vector<1024x1xf32>
    %gt3A_747 = arith.constant 5.000000e-01 : f32
    %gt3A_748 = vector.broadcast %gt3A_747 : f32 to vector<1024x1xf32>
    %gt3A_749 = arith.cmpf ogt, %slice3A_746, %gt3A_748 : vector<1024x1xf32>
    %slice3A_750 = vector.extract_strided_slice %get3A_35 {offsets = [55, 0], sizes = [1, 128], strides = [1, 1]} : vector<64x128xf32> to vector<1x128xf32>
    %jit3A_751 = arith.constant -3.000000e+38 : f32
    %broadcast_in_dim3A_752 = vector.shape_cast %gt3A_749 : vector<1024x1xi1> to vector<1024x1xi1>
    %broadcast_in_dim3A_753 = vector.broadcast %broadcast_in_dim3A_752 : vector<1024x1xi1> to vector<1024x128xi1>
    %broadcast_in_dim3A_754 = vector.shape_cast %slice3A_750 : vector<1x128xf32> to vector<1x128xf32>
    %broadcast_in_dim3A_755 = vector.broadcast %broadcast_in_dim3A_754 : vector<1x128xf32> to vector<1024x128xf32>
    %broadcast_in_dim3A_756 = vector.broadcast %jit3A_751 : f32 to vector<1024x128xf32>
    %select_n3A_757 = arith.select %broadcast_in_dim3A_753, %broadcast_in_dim3A_755, %broadcast_in_dim3A_756 : vector<1024x128xi1>, vector<1024x128xf32>
    %max3A_758 = arith.maximumf %max3A_745, %select_n3A_757 : vector<1024x128xf32>
    %slice3A_759 = vector.extract_strided_slice %convert_element_type3A_4 {offsets = [0, 56], sizes = [1024, 1], strides = [1, 1]} : vector<1024x64xf32> to vector<1024x1xf32>
    %gt3A_760 = arith.constant 5.000000e-01 : f32
    %gt3A_761 = vector.broadcast %gt3A_760 : f32 to vector<1024x1xf32>
    %gt3A_762 = arith.cmpf ogt, %slice3A_759, %gt3A_761 : vector<1024x1xf32>
    %slice3A_763 = vector.extract_strided_slice %get3A_35 {offsets = [56, 0], sizes = [1, 128], strides = [1, 1]} : vector<64x128xf32> to vector<1x128xf32>
    %jit3A_764 = arith.constant -3.000000e+38 : f32
    %broadcast_in_dim3A_765 = vector.shape_cast %gt3A_762 : vector<1024x1xi1> to vector<1024x1xi1>
    %broadcast_in_dim3A_766 = vector.broadcast %broadcast_in_dim3A_765 : vector<1024x1xi1> to vector<1024x128xi1>
    %broadcast_in_dim3A_767 = vector.shape_cast %slice3A_763 : vector<1x128xf32> to vector<1x128xf32>
    %broadcast_in_dim3A_768 = vector.broadcast %broadcast_in_dim3A_767 : vector<1x128xf32> to vector<1024x128xf32>
    %broadcast_in_dim3A_769 = vector.broadcast %jit3A_764 : f32 to vector<1024x128xf32>
    %select_n3A_770 = arith.select %broadcast_in_dim3A_766, %broadcast_in_dim3A_768, %broadcast_in_dim3A_769 : vector<1024x128xi1>, vector<1024x128xf32>
    %max3A_771 = arith.maximumf %max3A_758, %select_n3A_770 : vector<1024x128xf32>
    %slice3A_772 = vector.extract_strided_slice %convert_element_type3A_4 {offsets = [0, 57], sizes = [1024, 1], strides = [1, 1]} : vector<1024x64xf32> to vector<1024x1xf32>
    %gt3A_773 = arith.constant 5.000000e-01 : f32
    %gt3A_774 = vector.broadcast %gt3A_773 : f32 to vector<1024x1xf32>
    %gt3A_775 = arith.cmpf ogt, %slice3A_772, %gt3A_774 : vector<1024x1xf32>
    %slice3A_776 = vector.extract_strided_slice %get3A_35 {offsets = [57, 0], sizes = [1, 128], strides = [1, 1]} : vector<64x128xf32> to vector<1x128xf32>
    %jit3A_777 = arith.constant -3.000000e+38 : f32
    %broadcast_in_dim3A_778 = vector.shape_cast %gt3A_775 : vector<1024x1xi1> to vector<1024x1xi1>
    %broadcast_in_dim3A_779 = vector.broadcast %broadcast_in_dim3A_778 : vector<1024x1xi1> to vector<1024x128xi1>
    %broadcast_in_dim3A_780 = vector.shape_cast %slice3A_776 : vector<1x128xf32> to vector<1x128xf32>
    %broadcast_in_dim3A_781 = vector.broadcast %broadcast_in_dim3A_780 : vector<1x128xf32> to vector<1024x128xf32>
    %broadcast_in_dim3A_782 = vector.broadcast %jit3A_777 : f32 to vector<1024x128xf32>
    %select_n3A_783 = arith.select %broadcast_in_dim3A_779, %broadcast_in_dim3A_781, %broadcast_in_dim3A_782 : vector<1024x128xi1>, vector<1024x128xf32>
    %max3A_784 = arith.maximumf %max3A_771, %select_n3A_783 : vector<1024x128xf32>
    %slice3A_785 = vector.extract_strided_slice %convert_element_type3A_4 {offsets = [0, 58], sizes = [1024, 1], strides = [1, 1]} : vector<1024x64xf32> to vector<1024x1xf32>
    %gt3A_786 = arith.constant 5.000000e-01 : f32
    %gt3A_787 = vector.broadcast %gt3A_786 : f32 to vector<1024x1xf32>
    %gt3A_788 = arith.cmpf ogt, %slice3A_785, %gt3A_787 : vector<1024x1xf32>
    %slice3A_789 = vector.extract_strided_slice %get3A_35 {offsets = [58, 0], sizes = [1, 128], strides = [1, 1]} : vector<64x128xf32> to vector<1x128xf32>
    %jit3A_790 = arith.constant -3.000000e+38 : f32
    %broadcast_in_dim3A_791 = vector.shape_cast %gt3A_788 : vector<1024x1xi1> to vector<1024x1xi1>
    %broadcast_in_dim3A_792 = vector.broadcast %broadcast_in_dim3A_791 : vector<1024x1xi1> to vector<1024x128xi1>
    %broadcast_in_dim3A_793 = vector.shape_cast %slice3A_789 : vector<1x128xf32> to vector<1x128xf32>
    %broadcast_in_dim3A_794 = vector.broadcast %broadcast_in_dim3A_793 : vector<1x128xf32> to vector<1024x128xf32>
    %broadcast_in_dim3A_795 = vector.broadcast %jit3A_790 : f32 to vector<1024x128xf32>
    %select_n3A_796 = arith.select %broadcast_in_dim3A_792, %broadcast_in_dim3A_794, %broadcast_in_dim3A_795 : vector<1024x128xi1>, vector<1024x128xf32>
    %max3A_797 = arith.maximumf %max3A_784, %select_n3A_796 : vector<1024x128xf32>
    %slice3A_798 = vector.extract_strided_slice %convert_element_type3A_4 {offsets = [0, 59], sizes = [1024, 1], strides = [1, 1]} : vector<1024x64xf32> to vector<1024x1xf32>
    %gt3A_799 = arith.constant 5.000000e-01 : f32
    %gt3A_800 = vector.broadcast %gt3A_799 : f32 to vector<1024x1xf32>
    %gt3A_801 = arith.cmpf ogt, %slice3A_798, %gt3A_800 : vector<1024x1xf32>
    %slice3A_802 = vector.extract_strided_slice %get3A_35 {offsets = [59, 0], sizes = [1, 128], strides = [1, 1]} : vector<64x128xf32> to vector<1x128xf32>
    %jit3A_803 = arith.constant -3.000000e+38 : f32
    %broadcast_in_dim3A_804 = vector.shape_cast %gt3A_801 : vector<1024x1xi1> to vector<1024x1xi1>
    %broadcast_in_dim3A_805 = vector.broadcast %broadcast_in_dim3A_804 : vector<1024x1xi1> to vector<1024x128xi1>
    %broadcast_in_dim3A_806 = vector.shape_cast %slice3A_802 : vector<1x128xf32> to vector<1x128xf32>
    %broadcast_in_dim3A_807 = vector.broadcast %broadcast_in_dim3A_806 : vector<1x128xf32> to vector<1024x128xf32>
    %broadcast_in_dim3A_808 = vector.broadcast %jit3A_803 : f32 to vector<1024x128xf32>
    %select_n3A_809 = arith.select %broadcast_in_dim3A_805, %broadcast_in_dim3A_807, %broadcast_in_dim3A_808 : vector<1024x128xi1>, vector<1024x128xf32>
    %max3A_810 = arith.maximumf %max3A_797, %select_n3A_809 : vector<1024x128xf32>
    %slice3A_811 = vector.extract_strided_slice %convert_element_type3A_4 {offsets = [0, 60], sizes = [1024, 1], strides = [1, 1]} : vector<1024x64xf32> to vector<1024x1xf32>
    %gt3A_812 = arith.constant 5.000000e-01 : f32
    %gt3A_813 = vector.broadcast %gt3A_812 : f32 to vector<1024x1xf32>
    %gt3A_814 = arith.cmpf ogt, %slice3A_811, %gt3A_813 : vector<1024x1xf32>
    %slice3A_815 = vector.extract_strided_slice %get3A_35 {offsets = [60, 0], sizes = [1, 128], strides = [1, 1]} : vector<64x128xf32> to vector<1x128xf32>
    %jit3A_816 = arith.constant -3.000000e+38 : f32
    %broadcast_in_dim3A_817 = vector.shape_cast %gt3A_814 : vector<1024x1xi1> to vector<1024x1xi1>
    %broadcast_in_dim3A_818 = vector.broadcast %broadcast_in_dim3A_817 : vector<1024x1xi1> to vector<1024x128xi1>
    %broadcast_in_dim3A_819 = vector.shape_cast %slice3A_815 : vector<1x128xf32> to vector<1x128xf32>
    %broadcast_in_dim3A_820 = vector.broadcast %broadcast_in_dim3A_819 : vector<1x128xf32> to vector<1024x128xf32>
    %broadcast_in_dim3A_821 = vector.broadcast %jit3A_816 : f32 to vector<1024x128xf32>
    %select_n3A_822 = arith.select %broadcast_in_dim3A_818, %broadcast_in_dim3A_820, %broadcast_in_dim3A_821 : vector<1024x128xi1>, vector<1024x128xf32>
    %max3A_823 = arith.maximumf %max3A_810, %select_n3A_822 : vector<1024x128xf32>
    %slice3A_824 = vector.extract_strided_slice %convert_element_type3A_4 {offsets = [0, 61], sizes = [1024, 1], strides = [1, 1]} : vector<1024x64xf32> to vector<1024x1xf32>
    %gt3A_825 = arith.constant 5.000000e-01 : f32
    %gt3A_826 = vector.broadcast %gt3A_825 : f32 to vector<1024x1xf32>
    %gt3A_827 = arith.cmpf ogt, %slice3A_824, %gt3A_826 : vector<1024x1xf32>
    %slice3A_828 = vector.extract_strided_slice %get3A_35 {offsets = [61, 0], sizes = [1, 128], strides = [1, 1]} : vector<64x128xf32> to vector<1x128xf32>
    %jit3A_829 = arith.constant -3.000000e+38 : f32
    %broadcast_in_dim3A_830 = vector.shape_cast %gt3A_827 : vector<1024x1xi1> to vector<1024x1xi1>
    %broadcast_in_dim3A_831 = vector.broadcast %broadcast_in_dim3A_830 : vector<1024x1xi1> to vector<1024x128xi1>
    %broadcast_in_dim3A_832 = vector.shape_cast %slice3A_828 : vector<1x128xf32> to vector<1x128xf32>
    %broadcast_in_dim3A_833 = vector.broadcast %broadcast_in_dim3A_832 : vector<1x128xf32> to vector<1024x128xf32>
    %broadcast_in_dim3A_834 = vector.broadcast %jit3A_829 : f32 to vector<1024x128xf32>
    %select_n3A_835 = arith.select %broadcast_in_dim3A_831, %broadcast_in_dim3A_833, %broadcast_in_dim3A_834 : vector<1024x128xi1>, vector<1024x128xf32>
    %max3A_836 = arith.maximumf %max3A_823, %select_n3A_835 : vector<1024x128xf32>
    %slice3A_837 = vector.extract_strided_slice %convert_element_type3A_4 {offsets = [0, 62], sizes = [1024, 1], strides = [1, 1]} : vector<1024x64xf32> to vector<1024x1xf32>
    %gt3A_838 = arith.constant 5.000000e-01 : f32
    %gt3A_839 = vector.broadcast %gt3A_838 : f32 to vector<1024x1xf32>
    %gt3A_840 = arith.cmpf ogt, %slice3A_837, %gt3A_839 : vector<1024x1xf32>
    %slice3A_841 = vector.extract_strided_slice %get3A_35 {offsets = [62, 0], sizes = [1, 128], strides = [1, 1]} : vector<64x128xf32> to vector<1x128xf32>
    %jit3A_842 = arith.constant -3.000000e+38 : f32
    %broadcast_in_dim3A_843 = vector.shape_cast %gt3A_840 : vector<1024x1xi1> to vector<1024x1xi1>
    %broadcast_in_dim3A_844 = vector.broadcast %broadcast_in_dim3A_843 : vector<1024x1xi1> to vector<1024x128xi1>
    %broadcast_in_dim3A_845 = vector.shape_cast %slice3A_841 : vector<1x128xf32> to vector<1x128xf32>
    %broadcast_in_dim3A_846 = vector.broadcast %broadcast_in_dim3A_845 : vector<1x128xf32> to vector<1024x128xf32>
    %broadcast_in_dim3A_847 = vector.broadcast %jit3A_842 : f32 to vector<1024x128xf32>
    %select_n3A_848 = arith.select %broadcast_in_dim3A_844, %broadcast_in_dim3A_846, %broadcast_in_dim3A_847 : vector<1024x128xi1>, vector<1024x128xf32>
    %max3A_849 = arith.maximumf %max3A_836, %select_n3A_848 : vector<1024x128xf32>
    %slice3A_850 = vector.extract_strided_slice %convert_element_type3A_4 {offsets = [0, 63], sizes = [1024, 1], strides = [1, 1]} : vector<1024x64xf32> to vector<1024x1xf32>
    %gt3A_851 = arith.constant 5.000000e-01 : f32
    %gt3A_852 = vector.broadcast %gt3A_851 : f32 to vector<1024x1xf32>
    %gt3A_853 = arith.cmpf ogt, %slice3A_850, %gt3A_852 : vector<1024x1xf32>
    %slice3A_854 = vector.extract_strided_slice %get3A_35 {offsets = [63, 0], sizes = [1, 128], strides = [1, 1]} : vector<64x128xf32> to vector<1x128xf32>
    %jit3A_855 = arith.constant -3.000000e+38 : f32
    %broadcast_in_dim3A_856 = vector.shape_cast %gt3A_853 : vector<1024x1xi1> to vector<1024x1xi1>
    %broadcast_in_dim3A_857 = vector.broadcast %broadcast_in_dim3A_856 : vector<1024x1xi1> to vector<1024x128xi1>
    %broadcast_in_dim3A_858 = vector.shape_cast %slice3A_854 : vector<1x128xf32> to vector<1x128xf32>
    %broadcast_in_dim3A_859 = vector.broadcast %broadcast_in_dim3A_858 : vector<1x128xf32> to vector<1024x128xf32>
    %broadcast_in_dim3A_860 = vector.broadcast %jit3A_855 : f32 to vector<1024x128xf32>
    %select_n3A_861 = arith.select %broadcast_in_dim3A_857, %broadcast_in_dim3A_859, %broadcast_in_dim3A_860 : vector<1024x128xi1>, vector<1024x128xf32>
    %max3A_862 = arith.maximumf %max3A_849, %select_n3A_861 : vector<1024x128xf32>
    %iota3A_863 = tpu.iota {dimensions = array<i32: 0>} : vector<8x128xi32>
    %iota3A_864 = tpu.iota {dimensions = array<i32: 1>} : vector<8x128xi32>
    %jit3A_865 = arith.constant 16 : i32
    %div3A = vector.broadcast %jit3A_865 : i32 to vector<8x128xi32>
    %div3A_866 = arith.divsi %iota3A_864, %div3A : vector<8x128xi32>
    %sign3A = arith.constant 0 : i32
    %sign3A_867 = vector.broadcast %sign3A : i32 to vector<8x128xi32>
    %sign3A_868 = arith.cmpi sgt, %iota3A_864, %sign3A_867 : vector<8x128xi32>
    %sign3A_869 = arith.extui %sign3A_868 : vector<8x128xi1> to vector<8x128xi32>
    %sign3A_870 = arith.constant 0 : i32
    %sign3A_871 = vector.broadcast %sign3A_870 : i32 to vector<8x128xi32>
    %sign3A_872 = arith.cmpi slt, %iota3A_864, %sign3A_871 : vector<8x128xi32>
    %sign3A_873 = arith.extui %sign3A_872 : vector<8x128xi1> to vector<8x128xi32>
    %sign3A_874 = arith.subi %sign3A_869, %sign3A_873 : vector<8x128xi32>
    %sign3A_875 = arith.constant 0 : i32
    %sign3A_876 = arith.cmpi sgt, %jit3A_865, %sign3A_875 : i32
    %sign3A_877 = arith.extui %sign3A_876 : i1 to i32
    %sign3A_878 = arith.constant 0 : i32
    %sign3A_879 = arith.cmpi slt, %jit3A_865, %sign3A_878 : i32
    %sign3A_880 = arith.extui %sign3A_879 : i1 to i32
    %sign3A_881 = arith.subi %sign3A_877, %sign3A_880 : i32
    %ne3A = vector.broadcast %sign3A_881 : i32 to vector<8x128xi32>
    %ne3A_882 = arith.cmpi ne, %sign3A_874, %ne3A : vector<8x128xi32>
    %rem3A = vector.broadcast %jit3A_865 : i32 to vector<8x128xi32>
    %rem3A_883 = arith.remsi %iota3A_864, %rem3A : vector<8x128xi32>
    %ne3A_884 = arith.constant 0 : i32
    %ne3A_885 = vector.broadcast %ne3A_884 : i32 to vector<8x128xi32>
    %ne3A_886 = arith.cmpi ne, %rem3A_883, %ne3A_885 : vector<8x128xi32>
    %and3A = arith.andi %ne3A_882, %ne3A_886 : vector<8x128xi1>
    %sub3A = arith.constant 1 : i32
    %sub3A_887 = vector.broadcast %sub3A : i32 to vector<8x128xi32>
    %sub3A_888 = arith.subi %div3A_866, %sub3A_887 : vector<8x128xi32>
    %select_n3A_889 = arith.select %and3A, %sub3A_888, %div3A_866 : vector<8x128xi1>, vector<8x128xi32>
    %eq3A_890 = arith.cmpi eq, %iota3A_863, %select_n3A_889 : vector<8x128xi32>
    %convert_element_type3A_891 = arith.extui %eq3A_890 : vector<8x128xi1> to vector<8x128xi32>
    %convert_element_type3A_892 = arith.sitofp %convert_element_type3A_891 : vector<8x128xi32> to vector<8x128xf32>
    %eq3A_893 = arith.constant 0.000000e+00 : f32
    %eq3A_894 = vector.broadcast %eq3A_893 : f32 to vector<1024x8xf32>
    %eq3A_895 = arith.cmpf oeq, %slice3A, %eq3A_894 : vector<1024x8xf32>
    %jit3A_896 = arith.constant 1.000000e+00 : f32
    %broadcast_in_dim3A_897 = vector.broadcast %jit3A_896 : f32 to vector<1024x8xf32>
    %select_n3A_898 = arith.select %eq3A_895, %broadcast_in_dim3A_897, %slice3A : vector<1024x8xi1>, vector<1024x8xf32>
    %div3A_899 = arith.constant 1.000000e+00 : f32
    %div3A_900 = vector.broadcast %div3A_899 : f32 to vector<1024x8xf32>
    %div3A_901 = arith.divf %div3A_900, %select_n3A_898 : vector<1024x8xf32>
    %dot_general3A_902 = arith.constant dense<0.000000e+00> : vector<1024x128xf32>
    %dot_general3A_903 = tpu.matmul %div3A_901, %convert_element_type3A_892, %dot_general3A_902 {dimension_numbers = #tpu.dot_dimension_numbers<[1], [0], [0], [1], [0, 0, 1, 1], [], []>, transpose_lhs_hint = false} : vector<1024x8xf32>, vector<8x128xf32>, vector<1024x128xf32> -> vector<1024x128xf32>
    %mul3A = arith.mulf %add3A, %dot_general3A_903 : vector<1024x128xf32>
    %le3A = arith.constant -9.99999968E+37 : f32
    %le3A_904 = vector.broadcast %le3A : f32 to vector<1024x128xf32>
    %le3A_905 = arith.cmpf ole, %max3A_862, %le3A_904 : vector<1024x128xf32>
    %jit3A_906 = arith.constant 0.000000e+00 : f32
    %broadcast_in_dim3A_907 = vector.broadcast %jit3A_906 : f32 to vector<1024x128xf32>
    %select_n3A_908 = arith.select %le3A_905, %broadcast_in_dim3A_907, %max3A_862 : vector<1024x128xi1>, vector<1024x128xf32>
    %get3A_909 = arith.constant 0 : index
    %get3A_910 = arith.constant 0 : index
    %get3A_911 = vector.load %arg9[%get3A_909, %get3A_910] : memref<128x128xf32, #tpu.memory_space<vmem>>, vector<128x128xf32>
    %dot_general3A_912 = arith.constant dense<0.000000e+00> : vector<1024x128xf32>
    %dot_general3A_913 = tpu.matmul %mul3A, %get3A_911, %dot_general3A_912 {dimension_numbers = #tpu.dot_dimension_numbers<[1], [0], [0], [1], [0, 0, 1, 1], [], []>, transpose_lhs_hint = false} : vector<1024x128xf32>, vector<128x128xf32>, vector<1024x128xf32> -> vector<1024x128xf32>
    %get3A_914 = arith.constant 0 : index
    %get3A_915 = arith.constant 0 : index
    %get3A_916 = vector.load %arg10[%get3A_914, %get3A_915] : memref<128x128xf32, #tpu.memory_space<vmem>>, vector<128x128xf32>
    %dot_general3A_917 = arith.constant dense<0.000000e+00> : vector<1024x128xf32>
    %dot_general3A_918 = tpu.matmul %add3A_20, %get3A_916, %dot_general3A_917 {dimension_numbers = #tpu.dot_dimension_numbers<[1], [0], [0], [1], [0, 0, 1, 1], [], []>, transpose_lhs_hint = false} : vector<1024x128xf32>, vector<128x128xf32>, vector<1024x128xf32> -> vector<1024x128xf32>
    %get3A_919 = arith.constant 0 : index
    %get3A_920 = arith.constant 0 : index
    %get3A_921 = vector.load %arg11[%get3A_919, %get3A_920] : memref<128x128xf32, #tpu.memory_space<vmem>>, vector<128x128xf32>
    %dot_general3A_922 = arith.constant dense<0.000000e+00> : vector<1024x128xf32>
    %dot_general3A_923 = tpu.matmul %select_n3A_908, %get3A_921, %dot_general3A_922 {dimension_numbers = #tpu.dot_dimension_numbers<[1], [0], [0], [1], [0, 0, 1, 1], [], []>, transpose_lhs_hint = false} : vector<1024x128xf32>, vector<128x128xf32>, vector<1024x128xf32> -> vector<1024x128xf32>
    %get3A_924 = arith.constant 0 : index
    %get3A_925 = arith.constant 0 : index
    %get3A_926 = vector.load %arg12[%get3A_924, %get3A_925] : memref<384x128xf32, #tpu.memory_space<vmem>>, vector<384x128xf32>
    %slice3A_927 = vector.extract_strided_slice %get3A_926 {offsets = [0, 0], sizes = [128, 128], strides = [1, 1]} : vector<384x128xf32> to vector<128x128xf32>
    %dot_general3A_928 = arith.constant dense<0.000000e+00> : vector<1024x128xf32>
    %dot_general3A_929 = tpu.matmul %dot_general3A_913, %slice3A_927, %dot_general3A_928 {dimension_numbers = #tpu.dot_dimension_numbers<[1], [0], [0], [1], [0, 0, 1, 1], [], []>, transpose_lhs_hint = false} : vector<1024x128xf32>, vector<128x128xf32>, vector<1024x128xf32> -> vector<1024x128xf32>
    %slice3A_930 = vector.extract_strided_slice %get3A_926 {offsets = [128, 0], sizes = [128, 128], strides = [1, 1]} : vector<384x128xf32> to vector<128x128xf32>
    %dot_general3A_931 = arith.constant dense<0.000000e+00> : vector<1024x128xf32>
    %dot_general3A_932 = tpu.matmul %dot_general3A_918, %slice3A_930, %dot_general3A_931 {dimension_numbers = #tpu.dot_dimension_numbers<[1], [0], [0], [1], [0, 0, 1, 1], [], []>, transpose_lhs_hint = false} : vector<1024x128xf32>, vector<128x128xf32>, vector<1024x128xf32> -> vector<1024x128xf32>
    %add3A_933 = arith.addf %dot_general3A_929, %dot_general3A_932 : vector<1024x128xf32>
    %slice3A_934 = vector.extract_strided_slice %get3A_926 {offsets = [256, 0], sizes = [128, 128], strides = [1, 1]} : vector<384x128xf32> to vector<128x128xf32>
    %dot_general3A_935 = arith.constant dense<0.000000e+00> : vector<1024x128xf32>
    %dot_general3A_936 = tpu.matmul %dot_general3A_923, %slice3A_934, %dot_general3A_935 {dimension_numbers = #tpu.dot_dimension_numbers<[1], [0], [0], [1], [0, 0, 1, 1], [], []>, transpose_lhs_hint = false} : vector<1024x128xf32>, vector<128x128xf32>, vector<1024x128xf32> -> vector<1024x128xf32>
    %add3A_937 = arith.addf %add3A_933, %dot_general3A_936 : vector<1024x128xf32>
    %swap3A = arith.constant 0 : index
    %swap3A_938 = arith.constant 0 : index
    %swap3A_939 = vector.load %arg13[%swap3A, %swap3A_938] : memref<1024x128xf32, #tpu.memory_space<vmem>>, vector<1024x128xf32>
    tpu.vector_store %arg13[%swap3A, %swap3A_938], %add3A_937 {strides = array<i32>} : memref<1024x128xf32, #tpu.memory_space<vmem>>, vector<1024x128xf32>,
    return
  }
}

</mosaic_0001>

<sc_bundles>
// kernel: kernel.5.cloned.1.call-start
scs
__scs_entry_jumppad:
0x0: {  	(pc) =	sbr.rel $0x88, $3  }
0x1: {  	(tag) =	ssettag $0x0;
	lr =	simm.s32 $0x1  }
0x2: {  	[smem:$0x3F8B] =	sst lr;
	_ =	strace $0xD0000000  }
0x3: {  	_ = 	snop  }
0x4: {  	_ = 	snop  }
0x5: {  	_ = 	snop  }
0x6: {  	_ = 	snop  }
0x7: {  	_ = 	snop  }
__scs_overlays_trampoline_lowered:
0x8: {  	[smem:$0x3F9A] =	sst s0  }
0x9: {  	[smem:$0x3F9B] =	sst s1  }
0xa: {  	[smem:$0x3F9C] =	sst s2  }
0xb: {  	[smem:$0x3F9D] =	sst s3  }
0xc: {  	[smem:$0x3F9E] =	sst s4  }
0xd: {  	[smem:$0x3F9F] =	sst s5  }
0xe: {  	[smem:$0x3FA0] =	sst s6  }
0xf: {  	[smem:$0x3FA1] =	sst s7  }
0x10: {  	[smem:$0x3FA2] =	sst s8  }
0x11: {  	[smem:$0x3FA3] =	sst s9;
	s0 =	simm.s32 @!p0 $0x0  }
0x12: {  	s1 =	sld [smem:$0x3F89];
	s0 =	simm.s32 @p0 $0x1  }
0x13: {  	[smem:$0x3FA4] =	sst s0;
	s0 =	simm.s32 @!p1 $0x0  }
0x14: {  	s2 =	sld [smem:$0x3F88];
	s0 =	simm.s32 @p1 $0x1  }
0x15: {  	[smem:$0x3FA5] =	sst s0;
	s0 =	simm.s32 @!p2 $0x0  }
0x16: {  	s3 =	sld [smem:$0x3FDB];
	s0 =	simm.s32 @p2 $0x1  }
0x17: {  	s4 =	simm.s32 $0x1BF5;
	[smem:$0x3FA7] =	sst s0  }
0x18: {  	s0 =	sld [smem:$0x3F8A];
	_ =	swait.ge [sflag:s4], $0x0  }
0x19: {  	s7 =	sld [smem:$0x3F8B]  }
0x1a: {  	s8 =	sadd.s32 $0xFFFFE003, lr  }
0x1b: {  	s9 =	sadd.s32 $0xFFFFFEF7, lr;
	s5 =	simm.s32 $0xFFFFFFFF;
	p2 =	slt.u32 s8, $0xFFFFF086  }
0x1c: {  	p1 =	slt.u32 s9, $0xF7A;
	s5 =	simm.s32 @!p2 $0x0  }
0x1d: {  	s5 =	simm.s32 @p1 $0x1;
	p0 =	seq.s32 s7, s2  }
0x1e: {  	s7 =	smul.u32 @!p0 $0xF7A, s2;
	p2 =	seq.s32 @!p0 s5, $0x0  }
0x1f: {  	s9 =	smul.u32 $0xF7A, s1;
	s8 =	simm.s32 @!p0 $0x1BF5;
	p2 =	por !p2, p0  }
0x20: {  	[sflag:s8] =	ssyncset.s32 @!p0 $0xFFFFF086;
	s6 =	sadd.s32 @!p0 s3, s7;
	s7 =	simm.s32 @!p0 $0x108  }
0x21: {  	s3 =	sadd.s32 s3, s9;
	s6 =	sadd.s32 @!p0 $0x88, s6;
	s7 =	simm.s32 @p2 $0x1082  }
0x22: {  	[simem:s7], [sflag:s8] =	dma.local @!p0 [hbm:s6], $0xF7A  }
0x23: {  	s9 =	sor.u32 $0xD0000000, s2;
	s6 =	simm.s32 $0x108;
	_ =	swait.ge @!p0 [sflag:s8], $0x0  }
0x24: {  	s3 =	sadd.s32 $0x88, s3;
	s6 =	simm.s32 @!p1 $0x1082;
	[sflag:s4] =	ssyncset.s32 $0xFFFFF086  }
0x25: {  	[simem:s6], [sflag:s4] =	dma.local [hbm:s3], $0xF7A  }
0x26: {  	[smem:$0x3F8B] =	sst s1;
	(tag) =	ssettag s2;
	_ =	strace s9  }
0x27: {  	s1 =	sld [smem:$0x3F9B]  }
0x28: {  	s2 =	sld [smem:$0x3F9C]  }
0x29: {  	s4 =	sld [smem:$0x3F9E]  }
0x2a: {  	p0 =	seq.s32 s5, $0x0;
	s5 =	sld [smem:$0x3F9F]  }
0x2b: {  	s6 =	sld [smem:$0x3FA0]  }
0x2c: {  	s7 =	sld [smem:$0x3FA1]  }
0x2d: {  	s3 =	simm.s32 $0x108;
	s8 =	sld [smem:$0x3FA2]  }
0x2e: {  	s3 =	simm.s32 @!p0 $0x1082;
	s9 =	sld [smem:$0x3FA3]  }
0x2f: {  	lr =	sadd.s32 s0, s3;
	s0 =	sld [smem:$0x3F9A]  }
0x30: {  	s3 =	sld [smem:$0x3F9D]  }
0x31: {  	[smem:$0x3FA6] =	sst s10  }
0x32: {  	s10 =	sld [smem:$0x3FA4];
	_ =	sdelay $0x3  }
0x33: {  	p0 =	seq.s32 s10, $0x1;
	s10 =	sld [smem:$0x3FA6];
	_ =	sdelay $0x3  }
0x34: {  	[smem:$0x3FA6] =	sst s10  }
0x35: {  	s10 =	sld [smem:$0x3FA5];
	_ =	sdelay $0x3  }
0x36: {  	p1 =	seq.s32 s10, $0x1;
	s10 =	sld [smem:$0x3FA6];
	_ =	sdelay $0x3  }
0x37: {  	[smem:$0x3FA6] =	sst s10  }
0x38: {  	s10 =	sld [smem:$0x3FA7]  }
0x39: {  	_ = 	snop;
	(pc) =	sbr.ind lr, $3  }
0x3a: {  	_ = 	snop  }
0x3b: {  	_ = 	snop  }
0x3c: {  	p2 =	seq.s32 s10, $0x1;
	s10 =	sld [smem:$0x3FA6]  }
0x3d: {  	_ =	shalt  }
0x3e: {  	_ =	shalt  }
0x3f: {  	_ =	shalt  }
0x40: {  	_ =	shalt  }
0x41: {  	_ =	shalt  }
0x42: {  	_ =	shalt  }
0x43: {  	_ =	shalt  }
0x44: {  	_ =	shalt  }
0x45: {  	_ =	shalt  }
0x46: {  	_ =	shalt  }
0x47: {  	_ =	shalt  }
0x48: {  	_ =	shalt  }
0x49: {  	_ =	shalt  }
0x4a: {  	_ =	shalt  }
0x4b: {  	_ =	shalt  }
0x4c: {  	_ =	shalt  }
0x4d: {  	_ =	shalt  }
0x4e: {  	_ =	shalt  }
0x4f: {  	_ =	shalt  }
0x50: {  	_ =	shalt  }
0x51: {  	_ =	shalt  }
0x52: {  	_ =	shalt  }
0x53: {  	_ =	shalt  }
0x54: {  	_ =	shalt  }
0x55: {  	_ =	shalt  }
0x56: {  	_ =	shalt  }
0x57: {  	_ =	shalt  }
0x58: {  	_ =	shalt  }
0x59: {  	_ =	shalt  }
0x5a: {  	_ =	shalt  }
0x5b: {  	_ =	shalt  }
0x5c: {  	_ =	shalt  }
0x5d: {  	_ =	shalt  }
0x5e: {  	_ =	shalt  }
0x5f: {  	_ =	shalt  }
0x60: {  	_ =	shalt  }
0x61: {  	_ =	shalt  }
0x62: {  	_ =	shalt  }
0x63: {  	_ =	shalt  }
0x64: {  	_ =	shalt  }
0x65: {  	_ =	shalt  }
0x66: {  	_ =	shalt  }
0x67: {  	_ =	shalt  }
0x68: {  	_ =	shalt  }
0x69: {  	_ =	shalt  }
0x6a: {  	_ =	shalt  }
0x6b: {  	_ =	shalt  }
0x6c: {  	_ =	shalt  }
0x6d: {  	_ =	shalt  }
0x6e: {  	_ =	shalt  }
0x6f: {  	_ =	shalt  }
0x70: {  	_ =	shalt  }
0x71: {  	_ =	shalt  }
0x72: {  	_ =	shalt  }
0x73: {  	_ =	shalt  }
0x74: {  	_ =	shalt  }
0x75: {  	_ =	shalt  }
0x76: {  	_ =	shalt  }
0x77: {  	_ =	shalt  }
0x78: {  	_ =	shalt  }
0x79: {  	_ =	shalt  }
0x7a: {  	_ =	shalt  }
0x7b: {  	_ =	shalt  }
0x7c: {  	_ =	shalt  }
0x7d: {  	_ =	shalt  }
0x7e: {  	_ =	shalt  }
0x7f: {  	_ =	shalt  }
0x80: {  	_ =	shalt  }
0x81: {  	_ =	shalt  }
0x82: {  	_ =	shalt  }
0x83: {  	_ =	shalt  }
0x84: {  	_ =	shalt  }
0x85: {  	_ =	shalt  }
0x86: {  	_ =	shalt  }
0x87: {  	_ =	shalt  }
.Lfunc_end0:
.L_simem_size_0:
called_computation_lowered:
.L_overlay_start_0:
0x88: {  	s2 =	sld [smem:$0x3FD9]  }
0x89: {  	s3 =	sld [smem:$0x3FFE];
	_ =	sdelay $0x1  }
0x8a: {  	s1 =	srdreg.scid  }
0x8b: {  	s0 =	sand.u32 $0x1, s1  }
0x8c: {  	s17 =	sshll.u32 s0, $0xA;
	s2 =	sadd.s32 s3, s2  }
0x8d: {  	s2 =	sadd.s32 s2, s17  }
0x8e: {  	[smem:$0x3FB2] =	sst s2  }
0x8f: {  	_ = 	snop  }
0x90: {  	s2 =	sld [smem:$0x3FD0];
	(tm) =	ssettm $0x1  }
0x91: {  	s18 =	sld [smem:$0x3FFB];
	_ =	sdelay $0x3  }
0x92: {  	_ =	strace s18  }
0x93: {  	s3 =	sld [smem:$0x3FFC];
	_ =	sdelay $0x3  }
0x94: {  	_ =	strace s3  }
0x95: {  	s3 =	sld [smem:$0x3FFD];
	_ =	sdelay $0x3  }
0x96: {  	_ =	strace s3  }
0x97: {  	_ =	strace $0x8FFFFFFF  }
0x98: {  	s19 =	sld [smem:$0x3FDB];
	_ =	sdelay $0x1  }
0x99: {  	s4 =	simm.s32 $_scs_section_size  }
0x9a: {  	s5 =	simm.s32 $_size__tile_overlayer_lowered;
	s6 =	simm.s32 $_tile_overlayer_lowered  }
0x9b: {  	s22 =	simm.s32 $0x1BFF;
	s21 =	sshll.u32 s6, $0x1;
	s3 =	sadd.s32 s4, s19  }
0x9c: {  	s7 =	simm.s32 $0x0;
	s20 =	sshll.u32 s5, $0x1;
	s5 =	sadd.s32 s21, s3  }
0x9d: {  	[timem:s7], [sflag:s22] =	dma.local [hbm:s5], s20  }
0x9e: {  	_ =	swait.ge [sflag:s22], s20  }
0x9f: {  	s4 =	ssub.s32 $0x0, s20;
	[sflag:s22] =	ssyncset.done $0x0  }
0xa0: {  	[sflag:s22] =	ssyncadd.s32 s4;
	_ =	sdelay $0x1  }
0xa1: {  	s23 =	simm.s32 $0x1B8B  }
0xa2: {  	_ =	swait.ge [sflag:s23], $0x1  }
0xa3: {  	[sflag:s23] =	ssyncset.done $0x0  }
0xa4: {  	s25 =	simm.s32 $0x1B8E;
	s24 =	sld [smem:$0x3FFE];
	[sflag:s23] =	ssyncadd.s32 $0xFFFFFFFF  }
0xa5: {  	s26 =	simm.s32 $execute0_lowered;
	[smem:$0x3FD2] =	sst s25  }
0xa6: {  	s5 =	sshll.u32 s26, $0x1;
	_ =	strace $0x80000046;
	[dreg:$0x1] =	wrdreg $0xFFFFFFFF  }
0xa7: {  	s28 =	simm.s32 $_size_execute0_lowered;
	s3 =	sadd.s32 s3, s5;
	[dreg:$0x0] =	wrdreg $0x0  }
0xa8: {  	s5 =	sshll.u32 s28, $0x1;
	[dreg:$0x2] =	wrdreg s3  }
0xa9: {  	[dreg:$0x3] =	wrdreg s5  }
0xaa: {  	[dreg:$0x4] =	wrdreg $0xC0  }
0xab: {  	_ =	task [dreg:s7], $0x5FFFF  }
0xac: {  	[dreg:$0x1] =	wrdreg $0xFFFFFFFF  }
0xad: {  	[dreg:$0x0] =	wrdreg $0x60  }
0xae: {  	[dreg:$0x2] =	wrdreg s24  }
0xaf: {  	[dreg:$0x3] =	wrdreg s2  }
0xb0: {  	[dreg:$0x4] =	wrdreg $0x9  }
0xb1: {  	_ =	task.clear_ibuf [dreg:s7], $0x5FFFF;
	_ =	strace $0x90000046  }
0xb2: {  	s29 =	simm.s32 $0x9;
	_ =	strace $0x80000048  }
0xb3: {  	_ =	swait.ge [sflag:s29], $0x1  }
0xb4: {  	[sflag:s29] =	ssyncadd.s32 $0xFFFFFFFF  }
0xb5: {  	_ =	strace $0x90000048  }
0xb6: {  	_ =	sfence  }
0xb7: {  	s30 =	sld [smem:$0x0];
	_ =	sdelay $0x2  }
0xb8: {  	s31 =	sshll.u32 s1, $0xD;
	s1 =	sshrl.u32 s1, $0x2  }
0xb9: {  	s3 =	sand.u32 $0x4000, s31;
	s1 =	sadd.s32 s1, s30  }
0xba: {  	s0 =	sor.u32 s3, s0;
	s1 =	sshll.u32 s1, $0x11  }
0xbb: {  	s0 =	sor.u32 s1, s0  }
0xbc: {  	s0 =	sadd.s32 $0x8F2B, s0  }
0xbd: {  	[sflag:s0] =	ssyncadd.remote.s32 $0x1  }
0xbe: {  	_ =	sfence.sel $0xFFFF  }
0xbf: {  	[dreg:$0x0] =	wrdreg $0xFFFFFFFF;
	(pc) =	sbr.abs _section_cstart, $3  }
0xc0: {  	[dreg:$0x1] =	wrdreg $0xFFFFFFFF  }
0xc1: {  	_ =	task.clear_ibuf [dreg:s7], $0x2FFFF;
	_ =	strace $0x9FFFFFFF  }
0xc2: {  	(tm) =	ssettm $0x7FFFFFFF  }
0xc3: {  	_ =	shalt  }
tec
execute0_lowered:
.L_overlay_start_1:
0x0: {  	(tag) =	ssettag $0x1  }
0x1: {  	s8 =	rddreg [dreg:$0x0]  }
0x2: {  	s1 =	rddreg [dreg:$0x1]  }
0x3: {  	s0 =	rddreg [dreg:$0x2];
	s3 =	simm.s32 $0x0;
	s5 =	srdreg.scid  }
0x4: {  	s2 =	stileid.u32;
	s14 =	simm.s32 $0x15F00;
	s15 =	simm.s32 $0x16700  }
0x5: {  	s16 =	simm.s32 $0x16F00;
	s17 =	simm.s32 $0x17700;
	[smem:$0x7FF] =	sst s3  }
0x6: {  	s4 =	sadd.s32 $0x933000, s8;
	s9 =	sand.u32 $0x1, s5;
	s7 =	sshll.u32 s2, $0x1  }
0x7: {  	s5 =	sadd.s32 $0xBC00, s8;
	s6 =	sadd.s32 $0x10200, s8;
	_ =	strace $0x80000047  }
0x8: {  	s10 =	sor.u32 s9, s7;
	s7 =	sadd.s32 $0x7600, s8;
	s9 =	ssub.s32 $0x2, s9  }
0x9: {  	s8 =	sadd.s32 $0x3000, s8;
	s11 =	sshll.u32 s10, $0x1;
	s12 =	sshrl.u32 s9, $0x1  }
0xa: {  	s13 =	sor.u32 $0x400, s11;
	s12 =	ssub.s32 s9, s12;
	s31 =	sor.u32 $0x401, s11  }
0xb: {  	vm0 =	vcmask $0x300;
	s9 =	smul.u32 $0xC40, s10;
	s11 =	simm.s32 $0x1;
	[dreg:$0x3] =	wrdreg s13;
	v0 =	vmov s31  }
0xc: {  	v1 =	vlaneseq.u32;
	s10 =	smax.u32 s12, $0x1;
	s12 =	simm.s32 $0x10;
	s13 =	simm.s32 $0x17F00;
	v0 =	vnsel vm0, $0x440, v0  }
.LBB2_1:
0xd: {  	v12 =	vimm.f32 $-3.000000010e+38  }
0xe: {  	v13 =	vimm.f32 $0.0e+00;
	v14 =	vimm.f32 $-3.000000010e+38;
	v21 =	vimm.f32 $-3.000000010e+38  }
0xf: {  	v22 =	vimm.f32 $-3.000000010e+38;
	v20 =	vimm.f32 $-3.000000010e+38;
	v18 =	vimm.f32 $-3.000000010e+38  }
0x10: {  	v15 =	vimm.f32 $-3.000000010e+38;
	v9 =	vimm.f32 $-3.000000010e+38;
	v10 =	vimm.f32 $0.0e+00  }
0x11: {  	v17 =	vimm.f32 $0.0e+00;
	v5 =	vimm.f32 $0.0e+00;
	v16 =	vimm.f32 $0.0e+00  }
0x12: {  	v11 =	vimm.f32 $0.0e+00;
	v2 =	vimm.f32 $0.0e+00;
	v26 =	vimm.f32 $0.0e+00  }
0x13: {  	v3 =	vimm.f32 $0.0e+00;
	v25 =	vimm.f32 $0.0e+00;
	v7 =	vimm.f32 $0.0e+00  }
0x14: {  	v19 =	vimm.f32 $0.0e+00;
	v24 =	vimm.f32 $0.0e+00;
	v4 =	vimm.f32 $0.0e+00  }
0x15: {  	s18 =	simm.s32 $0x0;
	v6 =	vimm.f32 $0.0e+00;
	v23 =	vimm.f32 $0.0e+00;
	v8 =	vimm.f32 $0.0e+00;
	s19 =	simm.s32 $0x0  }
.LBB2_2:
0x16: {  	s20 =	smul.u32 $0xE0, s19;
	_ =	sdelay $0x1  }
0x17: {  	s20 =	sadd.s32 s9, s20  }
0x18: {  	s21 =	smul.u32 $0x32, s20;
	_ =	sdelay $0x1  }
0x19: {  	s22 =	simm.s32 $0x0;
	s21 =	sadd.s32 s4, s21  }
0x1a: {  	[tilespmem:s22], [sflag:$0x1] =	stream.linear.gather [hbm4b:s21+s22], $0x15E00, $0x38;
	[tilespmem:$0x17F80] =	vst v63  }
0x1b: {  	_ =	swait.ge [sflag:s11], $0x15E00  }
0x1c: {  	s20 =	sshrl.u32 s20, $0x3;
	[sflag:s11] =	ssyncset.done $0x0  }
0x1d: {  	s31 =	sadd.s32 s1, s20;
	s20 =	simm.s32 $0x15E00;
	[sflag:s11] =	ssyncadd.s32 $0xFFFEA200  }
0x1e: {  	[tilespmem:s20], [sflag:$0x1] =	stream.linear.gather [hbm4b:s31+s22], $0xF0, $0x38;
	[tilespmem:$0x17F80] =	vst v63  }
0x1f: {  	_ =	swait.ge [sflag:s11], $0xF0  }
0x20: {  	[sflag:s11] =	ssyncset.done $0x0  }
0x21: {  	s21 =	simm.s32 $0xC0;
	[sflag:s11] =	ssyncadd.s32 $0xFFFFFF10  }
0x22: {  	v27 =	vld [tilespmem:s21+$0x90]  }
0x23: {  	v28 =	vld [tilespmem:s21+$0x80]  }
0x24: {  	v30 =	vld [tilespmem:s20+$0x0]  }
0x25: {  	v29 =	vld [tilespmem:s21+$0x70]  }
0x26: {  	v31 =	vld [tilespmem:s21+$0x60]  }
0x27: {  	s22 =	sand.u32 $0x1FFF0, s22;
	v32 =	vld [tilespmem:s21+$0x50]  }
0x28: {  	v33 =	vld [tilespmem:s22+$0x100]  }
0x29: {  	v34 =	vld [tilespmem:s21+$0xA0];
	(v2sf) =	vpush v30, $0x0  }
0x2a: {  	v35 =	vld [tilespmem:s21+$0x20];
	(v2sf) =	vpush v30, $0x1  }
0x2b: {  	v36 =	vld [tilespmem:s21+$0x0]  }
0x2c: {  	v37 =	vld [tilespmem:s21+$0xFFFFFFD0]  }
0x2d: {  	v38 =	vld [tilespmem:s21+$0xFFFFFFB0]  }
0x2e: {  	v39 =	vld [tilespmem:s22+$0x180]  }
0x2f: {  	v40 =	vld [tilespmem:s21+$0xB0]  }
0x30: {  	v41 =	vld [tilespmem:s21+$0x30]  }
0x31: {  	v42 =	vld [tilespmem:s21+$0xFFFFFF80]  }
0x32: {  	v43 =	vld [tilespmem:s21+$0xFFFFFF70]  }
0x33: {  	v44 =	vld [tilespmem:s21+$0xFFFFFF40]  }
0x34: {  	v45 =	vld [tilespmem:s21+$0xFFFFFF50]  }
0x35: {  	v46 =	vld [tilespmem:s21+$0xFFFFFF60]  }
0x36: {  	v47 =	vld [tilespmem:s21+$0xFFFFFF90]  }
0x37: {  	v48 =	vld [tilespmem:s21+$0xFFFFFFA0]  }
0x38: {  	v49 =	vld [tilespmem:s22+$0x80];
	s22 =	spop (v2sf)  }
0x39: {  	v63 =	vld [tilespmem:s21+$0xFFFFFFE0];
	v8 =	vadd.f32 v44, v8;
	s23 =	spop (v2sf)  }
0x3a: {  	v50 =	vld [tilespmem:s21+$0x10];
	p0 =	seq.s32 s22, s23  }
0x3b: {  	v10 =	vadd.f32 v41, v10;
	v12 =	vmax.f32 v12, v40;
	v30 =	vld [tilespmem:s21+$0xFFFFFFF0];
	[tilespmem:$0x15F00] =	vst @!p0 v8  }
0x3c: {  	v25 =	vadd.f32 v38, v25;
	[tilespmem:$0x16F70] =	vst @!p0 v12  }
0x3d: {  	v22 =	vmax.f32 v22, v28;
	[tilespmem:$0x16770] =	vst @!p0 v10  }
0x3e: {  	v17 =	vadd.f32 v35, v17;
	v14 =	vmax.f32 v14, v34;
	v16 =	vadd.f32 v36, v16;
	[tilespmem:$0x15F70] =	vst @!p0 v25  }
0x3f: {  	v21 =	vmax.f32 v21, v27;
	v7 =	vadd.f32 v48, v7;
	v27 =	vadd.f32 v37, v26;
	[tilespmem:$0x16F60] =	vst @!p0 v14  }
0x40: {  	v20 =	vmax.f32 v20, v29;
	v13 =	vadd.f32 v39, v13;
	v5 =	vadd.f32 v50, v5;
	[tilespmem:$0x16760] =	vst @!p0 v17  }
0x41: {  	v34 =	vmax.f32 v18, v31;
	v24 =	vadd.f32 v42, v24;
	v19 =	vadd.f32 v47, v19;
	[tilespmem:$0x15F60] =	vst @!p0 v7  }
0x42: {  	v28 =	vmax.f32 v9, v33;
	v33 =	vadd.f32 v46, v6;
	v18 =	vadd.f32 v43, v4;
	[tilespmem:$0x16F50] =	vst @!p0 v21  }
0x43: {  	v35 =	vmax.f32 v15, v32;
	v29 =	vadd.f32 v45, v23;
	v31 =	vadd.f32 v49, v3;
	p1 =	sne.s32 s22, s23;
	[tilespmem:$0x16750] =	vst @!p0 v5  }
0x44: {  	v23 =	vadd.f32 v63, v2;
	v26 =	vadd.f32 v30, v11;
	v8 =	vpsel p1, $0x0, v8;
	[tilespmem:$0x15F50] =	vst @!p0 v19  }
0x45: {  	v9 =	vlaneseq.u32 @!p0;
	v6 =	vpsel p1, $0x0, v33;
	v4 =	vpsel p1, $0x0, v18;
	[tilespmem:$0x16F40] =	vst @!p0 v22  }
0x46: {  	[tilespmem:$0x16740] =	vst @!p0 v16;
	v7 =	vpsel p1, $0x0, v7;
	v3 =	vpsel p1, $0x0, v31;
	v11 =	vpsel p1, $0x0, v26  }
0x47: {  	[tilespmem:$0x15F40] =	vst @!p0 v24;
	v16 =	vpsel p1, $0x0, v16;
	v5 =	vpsel p1, $0x0, v5;
	v17 =	vpsel p1, $0x0, v17  }
0x48: {  	v10 =	vpsel p1, $0x0, v10;
	v15 =	vpsel p1, $0xFF61B1E6, v35;
	[tilespmem:$0x15F30] =	vst @!p0 v18;
	v18 =	vpsel p1, $0xFF61B1E6, v34  }
0x49: {  	p2 =	seq.s32 @!p0 s18, $0x0;
	[tilespmem:$0x16F30] =	vst @!p0 v20;
	v20 =	vpsel p1, $0xFF61B1E6, v20;
	v22 =	vpsel p1, $0xFF61B1E6, v22;
	v21 =	vpsel p1, $0xFF61B1E6, v21  }
0x4a: {  	s23 =	rddreg [dreg:$0x3];
	[tilespmem:$0x16730] =	vst @!p0 v26;
	v14 =	vpsel p1, $0xFF61B1E6, v14;
	v12 =	vpsel p1, $0xFF61B1E6, v12;
	v24 =	vpsel p1, $0x0, v24;
	p2 =	por !p2, p0  }
0x4b: {  	s24 =	scvt.s32.f32 @!p0 s22;
	[tilespmem:$0x16F20] =	vst @!p0 v34;
	v19 =	vpsel p1, $0x0, v19;
	v25 =	vpsel p1, $0x0, v25;
	v26 =	vpsel p1, $0x0, v27;
	s23 =	smov.u32 @p2 s22  }
0x4c: {  	[tilespmem:$0x16720] =	vst @!p0 v23;
	vm0 =	veq.s32 @!p0 v9, $0x8;
	v9 =	vpsel p1, $0xFF61B1E6, v28;
	v2 =	vmov @!p0 s23;
	s23 =	simm.s32 $0x1  }
0x4d: {  	[tilespmem:$0x15F20] =	vst @!p0 v33;
	s25 =	simm.s32 @!p0 $0x15F00;
	v30 =	vsel @!p0 vm0, s24, v13;
	vm0 =	vcmask @!p0 $0x300;
	s22 =	simm.s32 $0x190;
	v13 =	vpsel p1, $0x0, v13;
	s23 =	simm.s32 @!p1 $0x0  }
0x4e: {  	[tilespmem:$0x16F10] =	vst @!p0 v35;
	s24 =	simm.s32 @!p0 $0x17F00;
	v32 =	vnsel @!p0 vm0, $0x440, v2;
	v2 =	vpsel p1, $0x0, v23;
	v23 =	vpsel p1, $0x0, v29;
	s18 =	sadd.s32 s23, s18;
	s23 =	simm.s32 @!p0 $0x10  }
.LBB2_3:
0x4f: {  	[tilespmem:$0x16700] =	vst @!p0 v31  }
0x50: {  	[tilespmem:$0x16F00] =	vst @!p0 v28  }
0x51: {  	[tilespmem:$0x15F10] =	vst @!p0 v29  }
0x52: {  	[tilespmem:$0x17700] =	vst @!p0 v30  }
0x53: {  	[tilespmem:$0x17F00] =	vst @!p0 v32  }
0x54: {  	[tilespmem:$0x16710] =	vst @!p0 v27;
	s28 =	simm.s32 @!p0 $0x1  }
0x55: {  	[hbm4b:s5+s23] =	stream.indirect.scatter @!p0 [tilespmem:s25], [sflag:$0x1], $0x80, s24, s23, $0xb8;
	[tilespmem:$0x17F80] =	vst v63  }
0x56: {  	_ =	swait.ge @!p0 [sflag:s28], $0x800  }
0x57: {  	[sflag:s28] =	ssyncset.done @!p0 $0x0  }
0x58: {  	s25 =	simm.s32 @!p0 $0x16700;
	[sflag:s28] =	ssyncadd.s32 @!p0 $0xFFFFF800  }
0x59: {  	[hbm4b:s6+s23] =	stream.indirect.scatter @!p0 [tilespmem:s25], [sflag:$0x1], $0x80, s24, s23, $0xb8;
	[tilespmem:$0x17F80] =	vst v63  }
0x5a: {  	_ =	swait.ge @!p0 [sflag:s28], $0x800  }
0x5b: {  	[sflag:s28] =	ssyncset.done @!p0 $0x0  }
0x5c: {  	s25 =	simm.s32 @!p0 $0x16F00;
	[sflag:s28] =	ssyncadd.s32 @!p0 $0xFFFFF800  }
0x5d: {  	[hbm4b:s7+s23] =	stream.indirect.scatter @!p0 [tilespmem:s25], [sflag:$0x1], $0x80, s24, s23, $0xb8;
	[tilespmem:$0x17F80] =	vst v63  }
0x5e: {  	_ =	swait.ge @!p0 [sflag:s28], $0x800  }
0x5f: {  	[sflag:s28] =	ssyncset.done @!p0 $0x0  }
0x60: {  	s25 =	simm.s32 @!p0 $0x17700;
	[sflag:s28] =	ssyncadd.s32 @!p0 $0xFFFFF800  }
0x61: {  	[hbm4b:s8+s23] =	stream.indirect.scatter @!p0 [tilespmem:s25], [sflag:$0x1], $0x80, s24, s23, $0xb8;
	[tilespmem:$0x17F80] =	vst v63  }
0x62: {  	_ =	swait.ge @!p0 [sflag:s28], $0x800  }
0x63: {  	[sflag:s28] =	ssyncset.done @!p0 $0x0  }
0x64: {  	s21 =	sadd.s32 $0x190, s21;
	[sflag:s28] =	ssyncadd.s32 @!p0 $0xFFFFF800  }
0x65: {  	v27 =	vld [tilespmem:s21+$0x90]  }
0x66: {  	s20 =	sadd.s32 $0x1, s20;
	v28 =	vld [tilespmem:s21+$0x80]  }
0x67: {  	v30 =	vld [tilespmem:s20+$0x0]  }
0x68: {  	v29 =	vld [tilespmem:s21+$0x70]  }
0x69: {  	s26 =	smov.u32 s22;
	v31 =	vld [tilespmem:s21+$0x60]  }
0x6a: {  	s30 =	sand.u32 $0x1FFF0, s26;
	v63 =	vld [tilespmem:s21+$0x50]  }
0x6b: {  	v33 =	vld [tilespmem:s30+$0x100]  }
0x6c: {  	v34 =	vld [tilespmem:s21+$0xA0];
	(v2sf) =	vpush v30, $0x0  }
0x6d: {  	v35 =	vld [tilespmem:s21+$0x20];
	(v2sf) =	vpush v30, $0x1  }
0x6e: {  	v36 =	vld [tilespmem:s21+$0x0]  }
0x6f: {  	v37 =	vld [tilespmem:s21+$0xFFFFFFD0]  }
0x70: {  	v38 =	vld [tilespmem:s21+$0xFFFFFFB0]  }
0x71: {  	v39 =	vld [tilespmem:s30+$0x180]  }
0x72: {  	v40 =	vld [tilespmem:s21+$0xB0]  }
0x73: {  	v41 =	vld [tilespmem:s21+$0x30]  }
0x74: {  	v42 =	vld [tilespmem:s21+$0xFFFFFF80]  }
0x75: {  	v43 =	vld [tilespmem:s21+$0xFFFFFF70]  }
0x76: {  	v44 =	vld [tilespmem:s21+$0xFFFFFF40]  }
0x77: {  	v45 =	vld [tilespmem:s21+$0xFFFFFF50]  }
0x78: {  	v30 =	vld [tilespmem:s21+$0xFFFFFFF0]  }
0x79: {  	v46 =	vmax.f32 v22, v28;
	v22 =	vld [tilespmem:s21+$0xFFFFFF60]  }
0x7a: {  	v36 =	vadd.f32 v36, v16;
	v16 =	vld [tilespmem:s21+$0xFFFFFF90]  }
0x7b: {  	v17 =	vadd.f32 v35, v17;
	v25 =	vadd.f32 v38, v25;
	v38 =	vmax.f32 v15, v63;
	v15 =	vld [tilespmem:s30+$0x80];
	s23 =	spop (v2sf)  }
0x7c: {  	v47 =	vmax.f32 v18, v31;
	v28 =	vmax.f32 v9, v33;
	v9 =	vadd.f32 v44, v8;
	v18 =	vld [tilespmem:s21+$0xFFFFFFE0];
	s31 =	spop (v2sf)  }
0x7d: {  	v21 =	vmax.f32 v21, v27;
	v27 =	vadd.f32 v37, v26;
	v37 =	vadd.f32 v30, v11;
	v11 =	vld [tilespmem:s21+$0xFFFFFFA0];
	p0 =	seq.s32 s23, s31  }
0x7e: {  	v35 =	vmax.f32 v20, v29;
	v10 =	vadd.f32 v41, v10;
	v20 =	vld [tilespmem:s21+$0x10];
	v12 =	vmax.f32 v12, v40;
	[tilespmem:$0x15F00] =	vst @!p0 v9  }
0x7f: {  	[tilespmem:$0x16F70] =	vst @!p0 v12  }
0x80: {  	[tilespmem:$0x16770] =	vst @!p0 v10  }
0x81: {  	v14 =	vmax.f32 v14, v34;
	[tilespmem:$0x15F70] =	vst @!p0 v25  }
0x82: {  	v33 =	vadd.f32 v22, v6;
	v22 =	vadd.f32 v11, v7;
	[tilespmem:$0x16F60] =	vst @!p0 v14  }
0x83: {  	[tilespmem:$0x16760] =	vst @!p0 v17  }
0x84: {  	v29 =	vadd.f32 v45, v23;
	v23 =	vadd.f32 v20, v5;
	[tilespmem:$0x15F60] =	vst @!p0 v22  }
0x85: {  	v13 =	vadd.f32 v39, v13;
	v19 =	vadd.f32 v16, v19;
	[tilespmem:$0x16F50] =	vst @!p0 v21  }
0x86: {  	v39 =	vadd.f32 v42, v24;
	v34 =	vadd.f32 v43, v4;
	p2 =	sne.s32 s23, s31;
	[tilespmem:$0x16750] =	vst @!p0 v23  }
0x87: {  	v31 =	vadd.f32 v15, v3;
	v40 =	vadd.f32 v18, v2;
	v8 =	vpsel p2, $0x0, v9;
	[tilespmem:$0x15F50] =	vst @!p0 v19  }
0x88: {  	v9 =	vlaneseq.u32 @!p0;
	v6 =	vpsel p2, $0x0, v33;
	v4 =	vpsel p2, $0x0, v34;
	[tilespmem:$0x16F40] =	vst @!p0 v46  }
0x89: {  	v7 =	vpsel p2, $0x0, v22;
	v3 =	vpsel p2, $0x0, v31;
	v11 =	vpsel p2, $0x0, v37;
	[tilespmem:$0x16740] =	vst @!p0 v36  }
0x8a: {  	v16 =	vpsel p2, $0x0, v36;
	v5 =	vpsel p2, $0x0, v23;
	v17 =	vpsel p2, $0x0, v17;
	[tilespmem:$0x15F40] =	vst @!p0 v39  }
0x8b: {  	s22 =	sadd.s32 $0x190, s22;
	v10 =	vpsel p2, $0x0, v10;
	v15 =	vpsel p2, $0xFF61B1E6, v38;
	v18 =	vpsel p2, $0xFF61B1E6, v47;
	[tilespmem:$0x16F30] =	vst @!p0 v35  }
0x8c: {  	p1 =	sne.s32 s22, $0x15E00;
	v20 =	vpsel p2, $0xFF61B1E6, v35;
	v22 =	vpsel p2, $0xFF61B1E6, v46;
	v21 =	vpsel p2, $0xFF61B1E6, v21;
	[tilespmem:$0x16730] =	vst @!p0 v37  }
.Ltmp0:
0x8d: {  	s26 =	simm.s32 $0x1;
	p3 =	seq.s32 @!p0 s18, $0x0;
	v14 =	vpsel p2, $0xFF61B1E6, v14;
	v12 =	vpsel p2, $0xFF61B1E6, v12;
	v23 =	vpsel p2, $0x0, v29;
	[tilespmem:$0x15F30] =	vst @!p0 v34;
	(pc) =	sbr.rel @p1 .LBB2_3-.Ltmp0, $4  }
0x8e: {  	s24 =	rddreg [dreg:$0x3];
	s25 =	scvt.s32.f32 @!p0 s23;
	v24 =	vpsel p2, $0x0, v39;
	v19 =	vpsel p2, $0x0, v19;
	v25 =	vpsel p2, $0x0, v25;
	[tilespmem:$0x16F20] =	vst @!p0 v47;
	p3 =	por !p3, p0  }
0x8f: {  	s26 =	simm.s32 @!p2 $0x0;
	v26 =	vpsel p2, $0x0, v27;
	[tilespmem:$0x16720] =	vst @!p0 v40;
	vm0 =	veq.s32 @!p0 v9, $0x8;
	v9 =	vpsel p2, $0xFF61B1E6, v28;
	s24 =	smov.u32 @p3 s23  }
0x90: {  	[tilespmem:$0x15F20] =	vst @!p0 v33;
	s18 =	sadd.s32 s26, s18;
	v30 =	vsel @!p0 vm0, s25, v13;
	vm0 =	vcmask @!p0 $0x300;
	v2 =	vmov @!p0 s24  }
0x91: {  	[tilespmem:$0x16F10] =	vst @!p0 v38;
	s23 =	simm.s32 @!p0 $0x10;
	s25 =	simm.s32 @!p0 $0x15F00;
	v13 =	vpsel p2, $0x0, v13;
	s24 =	simm.s32 @!p0 $0x17F00;
	v32 =	vnsel @!p0 vm0, $0x440, v2;
	v2 =	vpsel p2, $0x0, v40  }
0x92: {  	[tilespmem:$0x16700] =	vst @!p0 v31  }
0x93: {  	[tilespmem:$0x16F00] =	vst @!p0 v28  }
0x94: {  	[tilespmem:$0x15F10] =	vst @!p0 v29  }
0x95: {  	[tilespmem:$0x17700] =	vst @!p0 v30  }
0x96: {  	[tilespmem:$0x17F00] =	vst @!p0 v32  }
0x97: {  	[tilespmem:$0x16710] =	vst @!p0 v27;
	s20 =	simm.s32 @!p0 $0x1  }
0x98: {  	[hbm4b:s5+s23] =	stream.indirect.scatter @!p0 [tilespmem:s25], [sflag:$0x1], $0x80, s24, s23, $0xb8;
	[tilespmem:$0x17F80] =	vst v63  }
0x99: {  	_ =	swait.ge @!p0 [sflag:s20], $0x800  }
0x9a: {  	[sflag:s20] =	ssyncset.done @!p0 $0x0  }
0x9b: {  	s21 =	simm.s32 @!p0 $0x16700;
	[sflag:s20] =	ssyncadd.s32 @!p0 $0xFFFFF800  }
0x9c: {  	[hbm4b:s6+s23] =	stream.indirect.scatter @!p0 [tilespmem:s21], [sflag:$0x1], $0x80, s24, s23, $0xb8;
	[tilespmem:$0x17F80] =	vst v63  }
0x9d: {  	_ =	swait.ge @!p0 [sflag:s20], $0x800  }
0x9e: {  	[sflag:s20] =	ssyncset.done @!p0 $0x0  }
0x9f: {  	s21 =	simm.s32 @!p0 $0x16F00;
	[sflag:s20] =	ssyncadd.s32 @!p0 $0xFFFFF800  }
0xa0: {  	[hbm4b:s7+s23] =	stream.indirect.scatter @!p0 [tilespmem:s21], [sflag:$0x1], $0x80, s24, s23, $0xb8;
	[tilespmem:$0x17F80] =	vst v63  }
0xa1: {  	s19 =	sadd.s32 $0x1, s19;
	_ =	swait.ge @!p0 [sflag:s20], $0x800  }
0xa2: {  	p1 =	sne.s32 s19, $0xE;
	[sflag:s20] =	ssyncset.done @!p0 $0x0  }
.Ltmp1:
0xa3: {  	s21 =	simm.s32 @!p0 $0x17700;
	[sflag:s20] =	ssyncadd.s32 @!p0 $0xFFFFF800;
	(pc) =	sbr.rel @p1 .LBB2_2-.Ltmp1, $4  }
0xa4: {  	[hbm4b:s8+s23] =	stream.indirect.scatter @!p0 [tilespmem:s21], [sflag:$0x1], $0x80, s24, s23, $0xb8;
	[tilespmem:$0x17F80] =	vst v63  }
0xa5: {  	_ =	swait.ge @!p0 [sflag:s20], $0x800  }
0xa6: {  	[sflag:s20] =	ssyncset.done @!p0 $0x0  }
0xa7: {  	[sflag:s20] =	ssyncadd.s32 @!p0 $0xFFFFF800  }
0xa8: {  	[tilespmem:$0x15F00] =	vst v8  }
0xa9: {  	v27 =	vld [tilespmem:$0x15EDF];
	[tilespmem:$0x16700] =	vst v3  }
0xaa: {  	[tilespmem:$0x16F00] =	vst v9  }
0xab: {  	[tilespmem:$0x15F10] =	vst v23  }
0xac: {  	[tilespmem:$0x16710] =	vst v26  }
0xad: {  	[tilespmem:$0x16F10] =	vst v15  }
0xae: {  	[tilespmem:$0x15F20] =	vst v6;
	(v2sf) =	vpush v27, $0x0  }
0xaf: {  	[tilespmem:$0x16720] =	vst v2  }
0xb0: {  	[tilespmem:$0x16F20] =	vst v18  }
0xb1: {  	[tilespmem:$0x15F30] =	vst v4  }
0xb2: {  	[tilespmem:$0x16730] =	vst v11  }
0xb3: {  	[tilespmem:$0x16F30] =	vst v20  }
0xb4: {  	[tilespmem:$0x15F40] =	vst v24  }
0xb5: {  	[tilespmem:$0x16740] =	vst v16  }
0xb6: {  	[tilespmem:$0x16F40] =	vst v22  }
0xb7: {  	[tilespmem:$0x15F50] =	vst v19  }
0xb8: {  	[tilespmem:$0x16750] =	vst v5  }
0xb9: {  	[tilespmem:$0x16F50] =	vst v21  }
0xba: {  	[tilespmem:$0x15F60] =	vst v7  }
0xbb: {  	[tilespmem:$0x16760] =	vst v17  }
0xbc: {  	[tilespmem:$0x16F60] =	vst v14  }
0xbd: {  	[tilespmem:$0x15F70] =	vst v25;
	s18 =	spop (v2sf)  }
0xbe: {  	[tilespmem:$0x16770] =	vst v10;
	s18 =	scvt.s32.f32 s18  }
0xbf: {  	vm0 =	veq.s32 v1, $0x8;
	[tilespmem:$0x16F70] =	vst v12  }
0xc0: {  	[tilespmem:$0x17F00] =	vst v0;
	v2 =	vsel vm0, s18, v13  }
0xc1: {  	[tilespmem:$0x17700] =	vst v2  }
0xc2: {  	[hbm4b:s5+s12] =	stream.indirect.scatter [tilespmem:s14], [sflag:$0x1], $0x80, s13, s12, $0xb8;
	[tilespmem:$0x17F80] =	vst v63  }
0xc3: {  	_ =	swait.ge [sflag:s11], $0x800  }
0xc4: {  	[sflag:s11] =	ssyncset.done $0x0  }
0xc5: {  	[sflag:s11] =	ssyncadd.s32 $0xFFFFF800  }
0xc6: {  	[hbm4b:s6+s12] =	stream.indirect.scatter [tilespmem:s15], [sflag:$0x1], $0x80, s13, s12, $0xb8;
	[tilespmem:$0x17F80] =	vst v63  }
0xc7: {  	_ =	swait.ge [sflag:s11], $0x800  }
0xc8: {  	[sflag:s11] =	ssyncset.done $0x0  }
0xc9: {  	[sflag:s11] =	ssyncadd.s32 $0xFFFFF800  }
0xca: {  	[hbm4b:s7+s12] =	stream.indirect.scatter [tilespmem:s16], [sflag:$0x1], $0x80, s13, s12, $0xb8;
	[tilespmem:$0x17F80] =	vst v63  }
0xcb: {  	s3 =	sadd.s32 $0x1, s3;
	_ =	swait.ge [sflag:s11], $0x800  }
0xcc: {  	p0 =	sne.s32 s3, s10;
	[sflag:s11] =	ssyncset.done $0x0  }
.Ltmp2:
0xcd: {  	[sflag:s11] =	ssyncadd.s32 $0xFFFFF800;
	(pc) =	sbr.rel @p0 .LBB2_1-.Ltmp2, $4  }
0xce: {  	[hbm4b:s8+s12] =	stream.indirect.scatter [tilespmem:s17], [sflag:$0x1], $0x80, s13, s12, $0xb8;
	[tilespmem:$0x17F80] =	vst v63  }
0xcf: {  	_ =	swait.ge [sflag:s11], $0x800  }
0xd0: {  	[sflag:s11] =	ssyncset.done $0x0  }
0xd1: {  	[sflag:s11] =	ssyncadd.s32 $0xFFFFF800  }
0xd2: {  	_ =	sfence.sel $0x180000  }
0xd3: {  	[bflag:$0x0] =	sbarrier.arrive $0xFFFF  }
0xd4: {  	p0 =	sne.s32 s2, $0x0;
	_ =	strace $0x90000047  }
0xd5: {  	s0 =	sadd.s32 @!p0 $0x100000, s0;
	[bflag:$0x2] =	sbarrier.arrive $0xFFFF  }
0xd6: {  	[sflag:s0] =	ssyncadd.tile.s32 @!p0 $0x1;
	_ =	shalt  }
.Lfunc_end2:
_tile_overlayer_lowered:
.L_overlay_start_2:
0xd7: {  	(tag) =	ssettag $0x2  }
0xd8: {  	s0 =	rddreg [dreg:$0x0];
	s2 =	stileid.u32  }
0xd9: {  	s1 =	rddreg [dreg:$0x1];
	p0 =	sne.s32 s2, $0x0  }
0xda: {  	s3 =	rddreg [dreg:$0x2];
	[bflag:$0x3] =	sbarrier.arrive $0xFFFF;
	s2 =	simm.s32 @!p0 $0x1C01  }
0xdb: {  	[timem:s3], [sflag:s2] =	dma.local @!p0 [hbm:s0], s1  }
0xdc: {  	s0 =	simm.s32 @!p0 $0x1  }
0xdd: {  	_ =	swait.ge @!p0 [sflag:s0], s1  }
0xde: {  	s1 =	ssub.s32 @!p0 $0x0, s1;
	[sflag:s0] =	ssyncset.done @!p0 $0x0  }
0xdf: {  	[sflag:s0] =	ssyncadd.s32 @!p0 s1  }
0xe0: {  	[bflag:$0x3] =	sbarrier.arrive $0xFFFF  }
0xe1: {  	_ =	shalt  }

</sc_bundles>
